<compile_context>
chip_gen: v7x
topology: tpu7x:2x2x1
jax: 0.10.2.dev20260603
libtpu: 0.0.44.dev20260713+nightly
codegen_flags: <defaults>
</compile_context>

<pallas_src>
import functools

import jax
import jax.numpy as jnp
from jax import lax
from jax.experimental import pallas as pl
from jax.experimental.pallas import tpu as pltpu
from jax.experimental.pallas import tpu_sc as plsc

N = 10000
E = 320000
D = 128
NP = 10240
NC, NS = 2, 16
NW = NC * NS
CHUNK = 128
K = 80
EP = NW * K * CHUNK
ROWS_PER_TILE = NP // NS



def _sc_mesh():
    return plsc.VectorSubcoreMesh(core_axis_name="c", subcore_axis_name="s")


def _deg_body(didx_hbm, zeros1_hbm, out_hbm, idx_v, ones_v, sem0, sem1, dacc):
    c = lax.axis_index("c")
    s = lax.axis_index("s")
    wid = s * NC + c

    pltpu.sync_copy(didx_hbm.at[wid], idx_v)
    for i in range(8):
        ones_v[pl.ds(16 * i, 16)] = jnp.ones((16,), jnp.float32)
    pltpu.sync_copy(zeros1_hbm.at[pl.ds(s * ROWS_PER_TILE, ROWS_PER_TILE)],
                    dacc.at[pl.ds(s * ROWS_PER_TILE, ROWS_PER_TILE)])
    plsc.subcore_barrier()

    def body(j, _):
        a = 2 * j
        pltpu.async_copy(ones_v, dacc.at[idx_v.at[a]], sem0, add=True)
        pltpu.async_copy(ones_v, dacc.at[idx_v.at[a + 1]], sem1, add=True)
        pltpu.make_async_copy(ones_v, dacc.at[idx_v.at[a]], sem0).wait()
        pltpu.make_async_copy(ones_v, dacc.at[idx_v.at[a + 1]], sem1).wait()
        return 0

    lax.fori_loop(0, K // 2, body, 0)
    plsc.subcore_barrier()
    pltpu.sync_copy(dacc.at[pl.ds(s * ROWS_PER_TILE, ROWS_PER_TILE)],
                    out_hbm.at[c, pl.ds(s * ROWS_PER_TILE, ROWS_PER_TILE)])


def _make_deg_kernel():
    return pl.kernel(
        _deg_body,
        out_type=jax.ShapeDtypeStruct((NC, NP), jnp.float32),
        mesh=_sc_mesh(),
        scratch_types=[
            pltpu.VMEM((K, CHUNK), jnp.int32),
            pltpu.VMEM((CHUNK,), jnp.float32),
            pltpu.SemaphoreType.DMA,
            pltpu.SemaphoreType.DMA,
            pltpu.VMEM_SHARED((NP,), jnp.float32),
        ],
    )


G = 8
NG = K // G

KH = EP // (NS * CHUNK)
NGH = KH // G


def _agg_loop(g_hbm, idx_hbm, s, ng, ig, buf0, buf1, isem, gsem0, gsem1, acc):
    bufs = (buf0, buf1)
    gsems = (gsem0, gsem1)
    pltpu.sync_copy(idx_hbm.at[s, 0], ig.at[0])
    plsc.subcore_barrier()
    pltpu.async_copy(g_hbm.at[ig.at[0, 0, 0]], buf0, gsem0)
    pltpu.async_copy(idx_hbm.at[s, 1], ig.at[1], isem)

    def body(gi, _):
        r = gi % 2
        for t in range(G):
            p = t % 2
            if t < G - 1:
                pltpu.async_copy(g_hbm.at[ig.at[r, t + 1, 0]],
                                 bufs[1 - p], gsems[1 - p])
            else:
                @pl.when(gi < ng - 1)
                def _():
                    pltpu.make_async_copy(idx_hbm.at[s, 0], ig.at[0],
                                          isem).wait()
                    pltpu.async_copy(g_hbm.at[ig.at[1 - r, 0, 0]],
                                     bufs[1 - p], gsems[1 - p])
            pltpu.make_async_copy(g_hbm.at[ig.at[r, t, 0]],
                                  bufs[p], gsems[p]).wait()
            pltpu.sync_copy(bufs[p], acc.at[ig.at[r, t, 1]], add=True)

        @pl.when(gi < ng - 2)
        def _():
            pltpu.async_copy(idx_hbm.at[s, gi + 2], ig.at[r], isem)
        return 0

    lax.fori_loop(0, ng, body, 0)


def _agg_body(g_hbm, idxh_hbm, zeros_hbm, out_hbm,
              ig, buf0, buf1, isem, gsem0, gsem1, acc):
    c = lax.axis_index("c")
    s = lax.axis_index("s")

    @pl.when(c == 0)
    def _():
        with jax.named_scope("agg_zeroinit"):
            pltpu.sync_copy(
                zeros_hbm.at[pl.ds(s * ROWS_PER_TILE, ROWS_PER_TILE)],
                acc.at[pl.ds(s * ROWS_PER_TILE, ROWS_PER_TILE)])
        with jax.named_scope("agg_main"):
            _agg_loop(g_hbm, idxh_hbm, s, NGH, ig, buf0, buf1, isem,
                      gsem0, gsem1, acc)
        with jax.named_scope("agg_dump"):
            plsc.subcore_barrier()
            pltpu.sync_copy(
                acc.at[pl.ds(s * ROWS_PER_TILE, ROWS_PER_TILE)],
                out_hbm.at[pl.ds(s * ROWS_PER_TILE, ROWS_PER_TILE)])


def _make_agg_kernel():
    return pl.kernel(
        _agg_body,
        out_type=jax.ShapeDtypeStruct((NP, D), jnp.float32),
        mesh=_sc_mesh(),
        scratch_types=[
            pltpu.VMEM((2, G, 2, CHUNK), jnp.int32),
            pltpu.VMEM((CHUNK, D), jnp.float32),
            pltpu.VMEM((CHUNK, D), jnp.float32),
            pltpu.SemaphoreType.DMA,
            pltpu.SemaphoreType.DMA,
            pltpu.SemaphoreType.DMA,
            pltpu.VMEM_SHARED((NP, D), jnp.float32),
        ],
    )



_BLK = 1024
_GRID = NP // _BLK


def _b1_body(x_ref, w_ref, degp_ref, g_ref):
    dp = degp_ref[...]
    dinv = lax.rsqrt(dp[0] + dp[1] + 1.0)
    h = jnp.dot(x_ref[...], w_ref[...], preferred_element_type=jnp.float32)
    g_ref[...] = h * dinv


def _b1(x_pad, W1, degp):
    return pl.pallas_call(
        _b1_body,
        grid=(_GRID,),
        in_specs=[
            pl.BlockSpec((_BLK, D), lambda i: (i, 0)),
            pl.BlockSpec((D, D), lambda i: (0, 0)),
            pl.BlockSpec((NC, _BLK, 1), lambda i: (0, i, 0)),
        ],
        out_specs=pl.BlockSpec((_BLK, D), lambda i: (i, 0)),
        out_shape=jax.ShapeDtypeStruct((NP, D), jnp.float32),
    )(x_pad, W1, degp)


def _b2_body(s_ref, g1_ref, degp_ref, b_ref, w_ref, g2_ref):
    dp = degp_ref[...]
    dinv = lax.rsqrt(dp[0] + dp[1] + 1.0)
    z = (s_ref[...] + g1_ref[...]) * dinv + b_ref[...]
    h = jnp.maximum(z, 0.0)
    g2_ref[...] = jnp.dot(h, w_ref[...], preferred_element_type=jnp.float32) * dinv


def _b2(S, g1, degp, b1r, W2):
    return pl.pallas_call(
        _b2_body,
        grid=(_GRID,),
        in_specs=[
            pl.BlockSpec((_BLK, D), lambda i: (i, 0)),
            pl.BlockSpec((_BLK, D), lambda i: (i, 0)),
            pl.BlockSpec((NC, _BLK, 1), lambda i: (0, i, 0)),
            pl.BlockSpec((1, D), lambda i: (0, 0)),
            pl.BlockSpec((D, D), lambda i: (0, 0)),
        ],
        out_specs=pl.BlockSpec((_BLK, D), lambda i: (i, 0)),
        out_shape=jax.ShapeDtypeStruct((NP, D), jnp.float32),
    )(S, g1, degp, b1r, W2)


def _b3_body(s_ref, g2_ref, degp_ref, b_ref, wo_ref, bo_ref, o_ref):
    dp = degp_ref[...]
    dinv = lax.rsqrt(dp[0] + dp[1] + 1.0)
    z = (s_ref[...] + g2_ref[...]) * dinv + b_ref[...]
    h = jnp.maximum(z, 0.0)
    o_ref[...] = jnp.dot(h, wo_ref[...], preferred_element_type=jnp.float32) + bo_ref[...]


def _b3(S, g2, degp, b2r, Wo_p, bo_p):
    return pl.pallas_call(
        _b3_body,
        grid=(_GRID,),
        in_specs=[
            pl.BlockSpec((_BLK, D), lambda i: (i, 0)),
            pl.BlockSpec((_BLK, D), lambda i: (i, 0)),
            pl.BlockSpec((NC, _BLK, 1), lambda i: (0, i, 0)),
            pl.BlockSpec((1, D), lambda i: (0, 0)),
            pl.BlockSpec((D, 8), lambda i: (0, 0)),
            pl.BlockSpec((1, 8), lambda i: (0, 0)),
        ],
        out_specs=pl.BlockSpec((_BLK, 8), lambda i: (i, 0)),
        out_shape=jax.ShapeDtypeStruct((NP, 8), jnp.float32),
    )(S, g2, degp, b2r, Wo_p, bo_p)



def kernel(x, edge_index, W1, b1, W2, b2, Wo, bo):
    ei = edge_index.astype(jnp.int32)
    ei = jnp.roll(ei, 2 * (EP // NS), axis=1)
    realb = ei.reshape(2, NS, E // NS)
    padv = (N + (jnp.arange((EP - E) // NS) % (NP - N))).astype(jnp.int32)
    padb = jnp.broadcast_to(padv, (2, NS, (EP - E) // NS))
    eb = jnp.concatenate([realb, padb], axis=2)
    idxh = jnp.stack([eb[0].reshape(NS, NGH, G, CHUNK),
                      eb[1].reshape(NS, NGH, G, CHUNK)], axis=3)
    didx_deg = eb[1].reshape(NW, K, CHUNK)

    x_pad = jnp.zeros((NP, D), jnp.float32).at[:N].set(x)
    zeros1 = jnp.zeros((NP,), jnp.float32)
    zeros2 = jnp.zeros((NP, D), jnp.float32)

    degp = _make_deg_kernel()(didx_deg, zeros1)
    degp = degp.reshape(NC, NP, 1)

    g1 = _b1(x_pad, W1, degp)

    agg = _make_agg_kernel()
    s1 = agg(g1, idxh, zeros2)
    g2 = _b2(s1, g1, degp, b1.reshape(1, D), W2)

    s2 = agg(g2, idxh, zeros2)
    Wo_p = jnp.zeros((D, 8), jnp.float32).at[:, :1].set(Wo)
    bo_p = jnp.zeros((1, 8), jnp.float32).at[0, 0].set(bo[0])
    out = _b3(s2, g2, degp, b2.reshape(1, D), Wo_p, bo_p)
    return out[:N, :1]

# --- scband reference (transcript-rebuilt; emitter-appended) ---
"""Pipeline reference for scband-gcnids-7146825581166 (READ-ONLY COPY).

The authoritative reference and input builder live on the scoring server;
editing this copy changes nothing except your own understanding.
"""

import jax, jax.numpy as jnp
import numpy as np

N_NODES = 10000
N_EDGES = 320000
D_IN = 128
D_HID = 128
D_OUT = 128


def setup_inputs(seed: int = 0) -> dict:
    key = jax.random.key(seed)
    ks = jax.random.split(key, 8)
    x = jax.random.normal(ks[0], (N_NODES, D_IN), dtype=jnp.float32)
    edge_index = jax.random.randint(ks[1], (2, N_EDGES), 0, N_NODES, dtype=jnp.int64)
    # GCNConv weights (glorot-style init)
    W1 = jax.random.normal(ks[2], (D_IN, D_HID), dtype=jnp.float32) * (1.0 / np.sqrt(D_IN))
    b1 = jnp.zeros((D_HID,), dtype=jnp.float32)
    W2 = jax.random.normal(ks[3], (D_HID, D_OUT), dtype=jnp.float32) * (1.0 / np.sqrt(D_HID))
    b2 = jnp.zeros((D_OUT,), dtype=jnp.float32)
    Wo = jax.random.normal(ks[4], (D_OUT, 1), dtype=jnp.float32) * (1.0 / np.sqrt(D_OUT))
    bo = jnp.zeros((1,), dtype=jnp.float32)
    return {"x": x, "edge_index": edge_index, "W1": W1, "b1": b1, "W2": W2, "b2": b2, "Wo": Wo, "bo": bo}


def _gcn_conv(x, src, dst, W, b, num_nodes):
    # symmetric normalization with self-loops (PyG GCNConv defaults)
    deg = jnp.zeros((num_nodes,), dtype=x.dtype).at[dst].add(1.0)
    dinv = jnp.where(deg > 0, jax.lax.rsqrt(deg), 0.0)
    norm = dinv[src] * dinv[dst]
    h = x @ W
    msg = h[src] * norm[:, None]
    out = jax.ops.segment_sum(msg, dst, num_segments=num_nodes)
    return out + b


def reference(x, edge_index, W1, b1, W2, b2, Wo, bo):
    num_nodes = x.shape[0]
    loop = jnp.arange(num_nodes, dtype=edge_index.dtype)
    src = jnp.concatenate([edge_index[0], loop])
    dst = jnp.concatenate([edge_index[1], loop])
    h = jax.nn.relu(_gcn_conv(x, src, dst, W1, b1, num_nodes))
    h = jax.nn.relu(_gcn_conv(h, src, dst, W2, b2, num_nodes))
    out = h @ Wo + bo
    return out

if __name__ == "__main__":
    import jax
    _d = setup_inputs()
    print(jax.jit(kernel)(*tuple(_d.values())))

</pallas_src>

<mosaic_0001>
#map = affine_map<(d0, d1) -> (0, 0)>
#map1 = affine_map<(d0, d1) -> (0, 0, 0, 0, 0)>
module attributes {stable_mosaic.version = 14 : i64} {
  func.func @_agg_body(%arg0: i32, %arg1: i32, %arg2: memref<10240x128xf32, #tpu.memory_space<hbm>>, %arg3: memref<16x20x8x2x128xi32, #tpu.memory_space<hbm>>, %arg4: memref<10240x128xf32, #tpu.memory_space<hbm>>, %arg5: memref<10240x128xf32, #tpu.memory_space<hbm>>, %arg6: memref<2x8x2x128xi32, #tpu.memory_space<vmem>>, %arg7: memref<128x128xf32, #tpu.memory_space<vmem>>, %arg8: memref<128x128xf32, #tpu.memory_space<vmem>>, %arg9: memref<!tpu.dma_semaphore, #tpu.memory_space<semaphore_mem>>, %arg10: memref<!tpu.dma_semaphore, #tpu.memory_space<semaphore_mem>>, %arg11: memref<!tpu.dma_semaphore, #tpu.memory_space<semaphore_mem>>, %arg12: memref<10240x128xf32, #tpu.memory_space<vmem_shared>>) attributes {dimension_semantics = [#tpu.dimension_semantics<core_parallel>, #tpu.dimension_semantics<subcore_parallel>], iteration_bounds = array<i64: 2, 16>, scalar_prefetch = 0 : i64, scratch_operands = 7 : i64, tpu.core_type = #tpu.core_type<sc_vector_subcore>, window_params = [{transform_indices = #map}, {transform_indices = #map1}, {transform_indices = #map}, {transform_indices = #map}]} {
    %eq3A = arith.constant 0 : i32
    %eq3A_0 = arith.cmpi eq, %arg0, %eq3A : i32
    %convert_element_type3A = arith.extui %eq3A_0 : i1 to i32
    %cond3A = arith.constant 0 : i32
    %cond3A_1 = arith.cmpi ne, %convert_element_type3A, %cond3A : i32
    scf.if %cond3A_1 {
      "tpu.trace_start"() <{level = 10 : i32, message = "agg_zeroinit"}> : () -> ()
      %mul3A = arith.constant 640 : i32
      %mul3A_2 = arith.muli %arg1, %mul3A : i32
      %mul3A_3 = arith.constant 640 : i32
      %mul3A_4 = arith.muli %arg1, %mul3A_3 : i32
      "tpu.region"() ({
        %run_scoped3A_47 = tpu.sem_alloc : memref<!tpu.dma_semaphore, #tpu.memory_space<semaphore_mem>>
        %dma_start3A_48 = arith.constant 0 : i32
        %dma_start3A_49 = tpu.memref_slice %arg12[%mul3A_4, %dma_start3A_48] : memref<10240x128xf32, #tpu.memory_space<vmem_shared>> -> memref<640x128xf32, #tpu.memory_space<vmem_shared>>
        %dma_start3A_50 = arith.constant 0 : i32
        %dma_start3A_51 = tpu.memref_slice %arg4[%mul3A_2, %dma_start3A_50] : memref<10240x128xf32, #tpu.memory_space<hbm>> -> memref<640x128xf32, #tpu.memory_space<hbm>>
        tpu.enqueue_dma source(%dma_start3A_51 : memref<640x128xf32, #tpu.memory_space<hbm>>) target(%dma_start3A_49 : memref<640x128xf32, #tpu.memory_space<vmem_shared>>) target_semaphore(%run_scoped3A_47 : memref<!tpu.dma_semaphore, #tpu.memory_space<semaphore_mem>>)
        %dma_wait3A = arith.constant 0 : i32
        %dma_wait3A_52 = tpu.memref_slice %arg12[%mul3A_4, %dma_wait3A] : memref<10240x128xf32, #tpu.memory_space<vmem_shared>> -> memref<640x128xf32, #tpu.memory_space<vmem_shared>>
        %dma_wait3A_53 = arith.constant 0 : i32
        %dma_wait3A_54 = tpu.memref_slice %arg4[%mul3A_2, %dma_wait3A_53] : memref<10240x128xf32, #tpu.memory_space<hbm>> -> memref<640x128xf32, #tpu.memory_space<hbm>>
        tpu.wait_dma2 semaphore(%run_scoped3A_47 : memref<!tpu.dma_semaphore, #tpu.memory_space<semaphore_mem>>) src(%dma_wait3A_54 : memref<640x128xf32, #tpu.memory_space<hbm>>) dst(%dma_wait3A_52 : memref<640x128xf32, #tpu.memory_space<vmem_shared>>)
        tpu.yield
      }) : () -> ()
      %run_scoped3A = arith.constant 0 : i32
      %run_scoped3A_5 = arith.constant 0 : i32
      "tpu.trace_stop"() : () -> ()
      "tpu.trace_start"() <{level = 10 : i32, message = "agg_main"}> : () -> ()
      "tpu.region"() ({
        %run_scoped3A_47 = tpu.sem_alloc : memref<!tpu.dma_semaphore, #tpu.memory_space<semaphore_mem>>
        %dma_start3A_48 = arith.constant 0 : i32
        %dma_start3A_49 = arith.constant 0 : i32
        %dma_start3A_50 = arith.constant 0 : i32
        %dma_start3A_51 = tpu.memref_slice %arg6[%run_scoped3A_5, %dma_start3A_48, %dma_start3A_49, %dma_start3A_50] : memref<2x8x2x128xi32, #tpu.memory_space<vmem>> -> memref<1x8x2x128xi32, #tpu.memory_space<vmem>>
        %dma_start3A_52 = tpu.memref_squeeze %dma_start3A_51 : memref<1x8x2x128xi32, #tpu.memory_space<vmem>> -> memref<8x2x128xi32, #tpu.memory_space<vmem>>
        %dma_start3A_53 = arith.constant 0 : i32
        %dma_start3A_54 = arith.constant 0 : i32
        %dma_start3A_55 = arith.constant 0 : i32
        %dma_start3A_56 = tpu.memref_slice %arg3[%arg1, %run_scoped3A, %dma_start3A_53, %dma_start3A_54, %dma_start3A_55] : memref<16x20x8x2x128xi32, #tpu.memory_space<hbm>> -> memref<1x1x8x2x128xi32, #tpu.memory_space<hbm>>
        %dma_start3A_57 = tpu.memref_squeeze %dma_start3A_56 : memref<1x1x8x2x128xi32, #tpu.memory_space<hbm>> -> memref<8x2x128xi32, #tpu.memory_space<hbm>>
        %dma_start3A_58 = arith.constant 0 : i32
        %dma_start3A_59 = arith.constant 0 : i32
        %dma_start3A_60 = arith.constant 0 : i32
        %dma_start3A_61 = tpu.memref_slice %arg6[%run_scoped3A_5, %dma_start3A_58, %dma_start3A_59, %dma_start3A_60] : memref<2x8x2x128xi32, #tpu.memory_space<vmem>> -> memref<1x8x2x128xi32, #tpu.memory_space<vmem>>
        %dma_start3A_62 = tpu.memref_squeeze %dma_start3A_61 : memref<1x8x2x128xi32, #tpu.memory_space<vmem>> -> memref<8x2x128xi32, #tpu.memory_space<vmem>>
        %dma_start3A_63 = arith.constant 0 : i32
        %dma_start3A_64 = arith.constant 0 : i32
        %dma_start3A_65 = arith.constant 0 : i32
        %dma_start3A_66 = tpu.memref_slice %arg3[%arg1, %run_scoped3A, %dma_start3A_63, %dma_start3A_64, %dma_start3A_65] : memref<16x20x8x2x128xi32, #tpu.memory_space<hbm>> -> memref<1x1x8x2x128xi32, #tpu.memory_space<hbm>>
        %dma_start3A_67 = tpu.memref_squeeze %dma_start3A_66 : memref<1x1x8x2x128xi32, #tpu.memory_space<hbm>> -> memref<8x2x128xi32, #tpu.memory_space<hbm>>
        tpu.enqueue_dma source(%dma_start3A_67 : memref<8x2x128xi32, #tpu.memory_space<hbm>>) target(%dma_start3A_62 : memref<8x2x128xi32, #tpu.memory_space<vmem>>) target_semaphore(%run_scoped3A_47 : memref<!tpu.dma_semaphore, #tpu.memory_space<semaphore_mem>>)
        %dma_wait3A = arith.constant 0 : i32
        %dma_wait3A_68 = arith.constant 0 : i32
        %dma_wait3A_69 = arith.constant 0 : i32
        %dma_wait3A_70 = tpu.memref_slice %arg6[%run_scoped3A_5, %dma_wait3A, %dma_wait3A_68, %dma_wait3A_69] : memref<2x8x2x128xi32, #tpu.memory_space<vmem>> -> memref<1x8x2x128xi32, #tpu.memory_space<vmem>>
        %dma_wait3A_71 = tpu.memref_squeeze %dma_wait3A_70 : memref<1x8x2x128xi32, #tpu.memory_space<vmem>> -> memref<8x2x128xi32, #tpu.memory_space<vmem>>
        %dma_wait3A_72 = arith.constant 0 : i32
        %dma_wait3A_73 = arith.constant 0 : i32
        %dma_wait3A_74 = arith.constant 0 : i32
        %dma_wait3A_75 = tpu.memref_slice %arg3[%arg1, %run_scoped3A, %dma_wait3A_72, %dma_wait3A_73, %dma_wait3A_74] : memref<16x20x8x2x128xi32, #tpu.memory_space<hbm>> -> memref<1x1x8x2x128xi32, #tpu.memory_space<hbm>>
        %dma_wait3A_76 = tpu.memref_squeeze %dma_wait3A_75 : memref<1x1x8x2x128xi32, #tpu.memory_space<hbm>> -> memref<8x2x128xi32, #tpu.memory_space<hbm>>
        %dma_wait3A_77 = arith.constant 0 : i32
        %dma_wait3A_78 = arith.constant 0 : i32
        %dma_wait3A_79 = arith.constant 0 : i32
        %dma_wait3A_80 = tpu.memref_slice %arg6[%run_scoped3A_5, %dma_wait3A_77, %dma_wait3A_78, %dma_wait3A_79] : memref<2x8x2x128xi32, #tpu.memory_space<vmem>> -> memref<1x8x2x128xi32, #tpu.memory_space<vmem>>
        %dma_wait3A_81 = tpu.memref_squeeze %dma_wait3A_80 : memref<1x8x2x128xi32, #tpu.memory_space<vmem>> -> memref<8x2x128xi32, #tpu.memory_space<vmem>>
        %dma_wait3A_82 = arith.constant 0 : i32
        %dma_wait3A_83 = arith.constant 0 : i32
        %dma_wait3A_84 = arith.constant 0 : i32
        %dma_wait3A_85 = tpu.memref_slice %arg3[%arg1, %run_scoped3A, %dma_wait3A_82, %dma_wait3A_83, %dma_wait3A_84] : memref<16x20x8x2x128xi32, #tpu.memory_space<hbm>> -> memref<1x1x8x2x128xi32, #tpu.memory_space<hbm>>
        %dma_wait3A_86 = tpu.memref_squeeze %dma_wait3A_85 : memref<1x1x8x2x128xi32, #tpu.memory_space<hbm>> -> memref<8x2x128xi32, #tpu.memory_space<hbm>>
        tpu.wait_dma2 semaphore(%run_scoped3A_47 : memref<!tpu.dma_semaphore, #tpu.memory_space<semaphore_mem>>) src(%dma_wait3A_86 : memref<8x2x128xi32, #tpu.memory_space<hbm>>) dst(%dma_wait3A_81 : memref<8x2x128xi32, #tpu.memory_space<vmem>>)
        tpu.yield
      }) : () -> ()
      %barrier3A = arith.constant 0 : index
      tpu.barrier barrier_id(%barrier3A)
      %dma_start3A = arith.constant 0 : i32
      %dma_start3A_6 = arith.constant 0 : i32
      %dma_start3A_7 = arith.constant 0 : i32
      %dma_start3A_8 = arith.constant 0 : i32
      %dma_start3A_9 = tpu.memref_slice %arg6[%dma_start3A, %dma_start3A_6, %dma_start3A_7, %dma_start3A_8] : memref<2x8x2x128xi32, #tpu.memory_space<vmem>> -> memref<1x1x1x128xi32, #tpu.memory_space<vmem>>
      %dma_start3A_10 = tpu.memref_squeeze %dma_start3A_9 : memref<1x1x1x128xi32, #tpu.memory_space<vmem>> -> memref<128xi32, #tpu.memory_space<vmem>>
      %dma_start3A_11 = arith.constant 0 : i32
      %dma_start3A_12 = arith.constant 0 : i32
      %dma_start3A_13 = tpu.memref_slice %arg2[%dma_start3A_11, %dma_start3A_12] : memref<10240x128xf32, #tpu.memory_space<hbm>> -> memref<10240x128xf32, #tpu.memory_space<hbm>>
      tpu.enqueue_indirect_dma source(%dma_start3A_13 : memref<10240x128xf32, #tpu.memory_space<hbm>>) target(%arg7 : memref<128x128xf32, #tpu.memory_space<vmem>>) offsets(%dma_start3A_10 : memref<128xi32, #tpu.memory_space<vmem>>) semaphore(%arg10 : memref<!tpu.dma_semaphore, #tpu.memory_space<semaphore_mem>>)
      %dma_start3A_14 = arith.constant 1 : i32
      %dma_start3A_15 = arith.constant 1 : i32
      %dma_start3A_16 = arith.constant 0 : i32
      %dma_start3A_17 = arith.constant 0 : i32
      %dma_start3A_18 = arith.constant 0 : i32
      %dma_start3A_19 = tpu.memref_slice %arg6[%dma_start3A_15, %dma_start3A_16, %dma_start3A_17, %dma_start3A_18] : memref<2x8x2x128xi32, #tpu.memory_space<vmem>> -> memref<1x8x2x128xi32, #tpu.memory_space<vmem>>
      %dma_start3A_20 = tpu.memref_squeeze %dma_start3A_19 : memref<1x8x2x128xi32, #tpu.memory_space<vmem>> -> memref<8x2x128xi32, #tpu.memory_space<vmem>>
      %dma_start3A_21 = arith.constant 0 : i32
      %dma_start3A_22 = arith.constant 0 : i32
      %dma_start3A_23 = arith.constant 0 : i32
      %dma_start3A_24 = tpu.memref_slice %arg3[%arg1, %dma_start3A_14, %dma_start3A_21, %dma_start3A_22, %dma_start3A_23] : memref<16x20x8x2x128xi32, #tpu.memory_space<hbm>> -> memref<1x1x8x2x128xi32, #tpu.memory_space<hbm>>
      %dma_start3A_25 = tpu.memref_squeeze %dma_start3A_24 : memref<1x1x8x2x128xi32, #tpu.memory_space<hbm>> -> memref<8x2x128xi32, #tpu.memory_space<hbm>>
      %dma_start3A_26 = arith.constant 0 : i32
      %dma_start3A_27 = arith.constant 0 : i32
      %dma_start3A_28 = arith.constant 0 : i32
      %dma_start3A_29 = tpu.memref_slice %arg6[%dma_start3A_15, %dma_start3A_26, %dma_start3A_27, %dma_start3A_28] : memref<2x8x2x128xi32, #tpu.memory_space<vmem>> -> memref<1x8x2x128xi32, #tpu.memory_space<vmem>>
      %dma_start3A_30 = tpu.memref_squeeze %dma_start3A_29 : memref<1x8x2x128xi32, #tpu.memory_space<vmem>> -> memref<8x2x128xi32, #tpu.memory_space<vmem>>
      %dma_start3A_31 = arith.constant 0 : i32
      %dma_start3A_32 = arith.constant 0 : i32
      %dma_start3A_33 = arith.constant 0 : i32
      %dma_start3A_34 = tpu.memref_slice %arg3[%arg1, %dma_start3A_14, %dma_start3A_31, %dma_start3A_32, %dma_start3A_33] : memref<16x20x8x2x128xi32, #tpu.memory_space<hbm>> -> memref<1x1x8x2x128xi32, #tpu.memory_space<hbm>>
      %dma_start3A_35 = tpu.memref_squeeze %dma_start3A_34 : memref<1x1x8x2x128xi32, #tpu.memory_space<hbm>> -> memref<8x2x128xi32, #tpu.memory_space<hbm>>
      tpu.enqueue_dma source(%dma_start3A_35 : memref<8x2x128xi32, #tpu.memory_space<hbm>>) target(%dma_start3A_30 : memref<8x2x128xi32, #tpu.memory_space<vmem>>) target_semaphore(%arg9 : memref<!tpu.dma_semaphore, #tpu.memory_space<semaphore_mem>>)
      %scan3A = arith.constant 0 : i32
      %scan3A_36 = arith.constant 0 : i32
      %scan3A_37 = arith.constant 20 : i32
      %scan3A_38 = arith.addi %scan3A_36, %scan3A_37 : i32
      %scan3A_39 = arith.constant 1 : i32
      %scan3A_40 = scf.for %scan3A_47 = %scan3A_36 to %scan3A_38 step %scan3A_39 iter_args(%scan3A_48 = %scan3A) -> (i32)  : i32 {
        %jit3A = arith.constant 2 : i32
        %eq3A_49 = arith.constant 0 : i32
        %eq3A_50 = arith.cmpi eq, %jit3A, %eq3A_49 : i32
        %jit3A_51 = arith.constant 1 : i32
        %select_n3A = arith.select %eq3A_50, %jit3A_51, %jit3A : i32
        %rem3A = arith.remsi %scan3A_47, %select_n3A : i32
        %ne3A = arith.constant 0 : i32
        %ne3A_52 = arith.cmpi ne, %rem3A, %ne3A : i32
        %lt3A = arith.constant 0 : i32
        %lt3A_53 = arith.cmpi slt, %rem3A, %lt3A : i32
        %lt3A_54 = arith.constant 0 : i32
        %lt3A_55 = arith.cmpi slt, %select_n3A, %lt3A_54 : i32
        %ne3A_56 = arith.xori %lt3A_53, %lt3A_55 : i1
        %and3A = arith.andi %ne3A_56, %ne3A_52 : i1
        %add3A = arith.addi %rem3A, %select_n3A : i32
        %select_n3A_57 = arith.select %and3A, %add3A, %rem3A : i32
        %dma_start3A_58 = arith.constant 1 : i32
        %dma_start3A_59 = arith.constant 0 : i32
        %dma_start3A_60 = arith.constant 0 : i32
        %dma_start3A_61 = tpu.memref_slice %arg6[%select_n3A_57, %dma_start3A_58, %dma_start3A_59, %dma_start3A_60] : memref<2x8x2x128xi32, #tpu.memory_space<vmem>> -> memref<1x1x1x128xi32, #tpu.memory_space<vmem>>
        %dma_start3A_62 = tpu.memref_squeeze %dma_start3A_61 : memref<1x1x1x128xi32, #tpu.memory_space<vmem>> -> memref<128xi32, #tpu.memory_space<vmem>>
        %dma_start3A_63 = arith.constant 0 : i32
        %dma_start3A_64 = arith.constant 0 : i32
        %dma_start3A_65 = tpu.memref_slice %arg2[%dma_start3A_63, %dma_start3A_64] : memref<10240x128xf32, #tpu.memory_space<hbm>> -> memref<10240x128xf32, #tpu.memory_space<hbm>>
        tpu.enqueue_indirect_dma source(%dma_start3A_65 : memref<10240x128xf32, #tpu.memory_space<hbm>>) target(%arg8 : memref<128x128xf32, #tpu.memory_space<vmem>>) offsets(%dma_start3A_62 : memref<128xi32, #tpu.memory_space<vmem>>) semaphore(%arg11 : memref<!tpu.dma_semaphore, #tpu.memory_space<semaphore_mem>>)
        %dma_wait3A = arith.constant 0 : i32
        %dma_wait3A_66 = arith.constant 0 : i32
        %dma_wait3A_67 = arith.constant 0 : i32
        %dma_wait3A_68 = tpu.memref_slice %arg6[%select_n3A_57, %dma_wait3A, %dma_wait3A_66, %dma_wait3A_67] : memref<2x8x2x128xi32, #tpu.memory_space<vmem>> -> memref<1x1x1x128xi32, #tpu.memory_space<vmem>>
        %dma_wait3A_69 = tpu.memref_squeeze %dma_wait3A_68 : memref<1x1x1x128xi32, #tpu.memory_space<vmem>> -> memref<128xi32, #tpu.memory_space<vmem>>
        %dma_wait3A_70 = arith.constant 0 : i32
        %dma_wait3A_71 = arith.constant 0 : i32
        %dma_wait3A_72 = tpu.memref_slice %arg2[%dma_wait3A_70, %dma_wait3A_71] : memref<10240x128xf32, #tpu.memory_space<hbm>> -> memref<10240x128xf32, #tpu.memory_space<hbm>>
        tpu.wait_indirect_dma semaphore(%arg10 : memref<!tpu.dma_semaphore, #tpu.memory_space<semaphore_mem>>) src(%dma_wait3A_72 : memref<10240x128xf32, #tpu.memory_space<hbm>>) dst(%arg7 : memref<128x128xf32, #tpu.memory_space<vmem>>)
        %run_scoped3A_73 = arith.constant 0 : i32
        %run_scoped3A_74 = arith.constant 1 : i32
        "tpu.region"() ({
          %run_scoped3A_204 = tpu.sem_alloc : memref<!tpu.dma_semaphore, #tpu.memory_space<semaphore_mem>>
          %dma_start3A_205 = arith.constant 0 : i32
          %dma_start3A_206 = tpu.memref_slice %arg6[%select_n3A_57, %run_scoped3A_73, %run_scoped3A_74, %dma_start3A_205] : memref<2x8x2x128xi32, #tpu.memory_space<vmem>> -> memref<1x1x1x128xi32, #tpu.memory_space<vmem>>
          %dma_start3A_207 = tpu.memref_squeeze %dma_start3A_206 : memref<1x1x1x128xi32, #tpu.memory_space<vmem>> -> memref<128xi32, #tpu.memory_space<vmem>>
          %dma_start3A_208 = arith.constant 0 : i32
          %dma_start3A_209 = arith.constant 0 : i32
          %dma_start3A_210 = tpu.memref_slice %arg12[%dma_start3A_208, %dma_start3A_209] : memref<10240x128xf32, #tpu.memory_space<vmem_shared>> -> memref<10240x128xf32, #tpu.memory_space<vmem_shared>>
          tpu.enqueue_indirect_dma source(%arg7 : memref<128x128xf32, #tpu.memory_space<vmem>>) target(%dma_start3A_210 : memref<10240x128xf32, #tpu.memory_space<vmem_shared>>) offsets(%dma_start3A_207 : memref<128xi32, #tpu.memory_space<vmem>>) semaphore(%run_scoped3A_204 : memref<!tpu.dma_semaphore, #tpu.memory_space<semaphore_mem>>) {add = true}
          %dma_wait3A_211 = arith.constant 0 : i32
          %dma_wait3A_212 = tpu.memref_slice %arg6[%select_n3A_57, %run_scoped3A_73, %run_scoped3A_74, %dma_wait3A_211] : memref<2x8x2x128xi32, #tpu.memory_space<vmem>> -> memref<1x1x1x128xi32, #tpu.memory_space<vmem>>
          %dma_wait3A_213 = tpu.memref_squeeze %dma_wait3A_212 : memref<1x1x1x128xi32, #tpu.memory_space<vmem>> -> memref<128xi32, #tpu.memory_space<vmem>>
          %dma_wait3A_214 = arith.constant 0 : i32
          %dma_wait3A_215 = arith.constant 0 : i32
          %dma_wait3A_216 = tpu.memref_slice %arg12[%dma_wait3A_214, %dma_wait3A_215] : memref<10240x128xf32, #tpu.memory_space<vmem_shared>> -> memref<10240x128xf32, #tpu.memory_space<vmem_shared>>
          tpu.wait_indirect_dma semaphore(%run_scoped3A_204 : memref<!tpu.dma_semaphore, #tpu.memory_space<semaphore_mem>>) src(%arg7 : memref<128x128xf32, #tpu.memory_space<vmem>>) dst(%dma_wait3A_216 : memref<10240x128xf32, #tpu.memory_space<vmem_shared>>)
          tpu.yield
        }) : () -> ()
        %dma_start3A_75 = arith.constant 2 : i32
        %dma_start3A_76 = arith.constant 0 : i32
        %dma_start3A_77 = arith.constant 0 : i32
        %dma_start3A_78 = tpu.memref_slice %arg6[%select_n3A_57, %dma_start3A_75, %dma_start3A_76, %dma_start3A_77] : memref<2x8x2x128xi32, #tpu.memory_space<vmem>> -> memref<1x1x1x128xi32, #tpu.memory_space<vmem>>
        %dma_start3A_79 = tpu.memref_squeeze %dma_start3A_78 : memref<1x1x1x128xi32, #tpu.memory_space<vmem>> -> memref<128xi32, #tpu.memory_space<vmem>>
        %dma_start3A_80 = arith.constant 0 : i32
        %dma_start3A_81 = arith.constant 0 : i32
        %dma_start3A_82 = tpu.memref_slice %arg2[%dma_start3A_80, %dma_start3A_81] : memref<10240x128xf32, #tpu.memory_space<hbm>> -> memref<10240x128xf32, #tpu.memory_space<hbm>>
        tpu.enqueue_indirect_dma source(%dma_start3A_82 : memref<10240x128xf32, #tpu.memory_space<hbm>>) target(%arg7 : memref<128x128xf32, #tpu.memory_space<vmem>>) offsets(%dma_start3A_79 : memref<128xi32, #tpu.memory_space<vmem>>) semaphore(%arg10 : memref<!tpu.dma_semaphore, #tpu.memory_space<semaphore_mem>>)
        %dma_wait3A_83 = arith.constant 1 : i32
        %dma_wait3A_84 = arith.constant 0 : i32
        %dma_wait3A_85 = arith.constant 0 : i32
        %dma_wait3A_86 = tpu.memref_slice %arg6[%select_n3A_57, %dma_wait3A_83, %dma_wait3A_84, %dma_wait3A_85] : memref<2x8x2x128xi32, #tpu.memory_space<vmem>> -> memref<1x1x1x128xi32, #tpu.memory_space<vmem>>
        %dma_wait3A_87 = tpu.memref_squeeze %dma_wait3A_86 : memref<1x1x1x128xi32, #tpu.memory_space<vmem>> -> memref<128xi32, #tpu.memory_space<vmem>>
        %dma_wait3A_88 = arith.constant 0 : i32
        %dma_wait3A_89 = arith.constant 0 : i32
        %dma_wait3A_90 = tpu.memref_slice %arg2[%dma_wait3A_88, %dma_wait3A_89] : memref<10240x128xf32, #tpu.memory_space<hbm>> -> memref<10240x128xf32, #tpu.memory_space<hbm>>
        tpu.wait_indirect_dma semaphore(%arg11 : memref<!tpu.dma_semaphore, #tpu.memory_space<semaphore_mem>>) src(%dma_wait3A_90 : memref<10240x128xf32, #tpu.memory_space<hbm>>) dst(%arg8 : memref<128x128xf32, #tpu.memory_space<vmem>>)
        %run_scoped3A_91 = arith.constant 1 : i32
        %run_scoped3A_92 = arith.constant 1 : i32
        "tpu.region"() ({
          %run_scoped3A_204 = tpu.sem_alloc : memref<!tpu.dma_semaphore, #tpu.memory_space<semaphore_mem>>
          %dma_start3A_205 = arith.constant 0 : i32
          %dma_start3A_206 = tpu.memref_slice %arg6[%select_n3A_57, %run_scoped3A_91, %run_scoped3A_92, %dma_start3A_205] : memref<2x8x2x128xi32, #tpu.memory_space<vmem>> -> memref<1x1x1x128xi32, #tpu.memory_space<vmem>>
          %dma_start3A_207 = tpu.memref_squeeze %dma_start3A_206 : memref<1x1x1x128xi32, #tpu.memory_space<vmem>> -> memref<128xi32, #tpu.memory_space<vmem>>
          %dma_start3A_208 = arith.constant 0 : i32
          %dma_start3A_209 = arith.constant 0 : i32
          %dma_start3A_210 = tpu.memref_slice %arg12[%dma_start3A_208, %dma_start3A_209] : memref<10240x128xf32, #tpu.memory_space<vmem_shared>> -> memref<10240x128xf32, #tpu.memory_space<vmem_shared>>
          tpu.enqueue_indirect_dma source(%arg8 : memref<128x128xf32, #tpu.memory_space<vmem>>) target(%dma_start3A_210 : memref<10240x128xf32, #tpu.memory_space<vmem_shared>>) offsets(%dma_start3A_207 : memref<128xi32, #tpu.memory_space<vmem>>) semaphore(%run_scoped3A_204 : memref<!tpu.dma_semaphore, #tpu.memory_space<semaphore_mem>>) {add = true}
          %dma_wait3A_211 = arith.constant 0 : i32
          %dma_wait3A_212 = tpu.memref_slice %arg6[%select_n3A_57, %run_scoped3A_91, %run_scoped3A_92, %dma_wait3A_211] : memref<2x8x2x128xi32, #tpu.memory_space<vmem>> -> memref<1x1x1x128xi32, #tpu.memory_space<vmem>>
          %dma_wait3A_213 = tpu.memref_squeeze %dma_wait3A_212 : memref<1x1x1x128xi32, #tpu.memory_space<vmem>> -> memref<128xi32, #tpu.memory_space<vmem>>
          %dma_wait3A_214 = arith.constant 0 : i32
          %dma_wait3A_215 = arith.constant 0 : i32
          %dma_wait3A_216 = tpu.memref_slice %arg12[%dma_wait3A_214, %dma_wait3A_215] : memref<10240x128xf32, #tpu.memory_space<vmem_shared>> -> memref<10240x128xf32, #tpu.memory_space<vmem_shared>>
          tpu.wait_indirect_dma semaphore(%run_scoped3A_204 : memref<!tpu.dma_semaphore, #tpu.memory_space<semaphore_mem>>) src(%arg8 : memref<128x128xf32, #tpu.memory_space<vmem>>) dst(%dma_wait3A_216 : memref<10240x128xf32, #tpu.memory_space<vmem_shared>>)
          tpu.yield
        }) : () -> ()
        %dma_start3A_93 = arith.constant 3 : i32
        %dma_start3A_94 = arith.constant 0 : i32
        %dma_start3A_95 = arith.constant 0 : i32
        %dma_start3A_96 = tpu.memref_slice %arg6[%select_n3A_57, %dma_start3A_93, %dma_start3A_94, %dma_start3A_95] : memref<2x8x2x128xi32, #tpu.memory_space<vmem>> -> memref<1x1x1x128xi32, #tpu.memory_space<vmem>>
        %dma_start3A_97 = tpu.memref_squeeze %dma_start3A_96 : memref<1x1x1x128xi32, #tpu.memory_space<vmem>> -> memref<128xi32, #tpu.memory_space<vmem>>
        %dma_start3A_98 = arith.constant 0 : i32
        %dma_start3A_99 = arith.constant 0 : i32
        %dma_start3A_100 = tpu.memref_slice %arg2[%dma_start3A_98, %dma_start3A_99] : memref<10240x128xf32, #tpu.memory_space<hbm>> -> memref<10240x128xf32, #tpu.memory_space<hbm>>
        tpu.enqueue_indirect_dma source(%dma_start3A_100 : memref<10240x128xf32, #tpu.memory_space<hbm>>) target(%arg8 : memref<128x128xf32, #tpu.memory_space<vmem>>) offsets(%dma_start3A_97 : memref<128xi32, #tpu.memory_space<vmem>>) semaphore(%arg11 : memref<!tpu.dma_semaphore, #tpu.memory_space<semaphore_mem>>)
        %dma_wait3A_101 = arith.constant 2 : i32
        %dma_wait3A_102 = arith.constant 0 : i32
        %dma_wait3A_103 = arith.constant 0 : i32
        %dma_wait3A_104 = tpu.memref_slice %arg6[%select_n3A_57, %dma_wait3A_101, %dma_wait3A_102, %dma_wait3A_103] : memref<2x8x2x128xi32, #tpu.memory_space<vmem>> -> memref<1x1x1x128xi32, #tpu.memory_space<vmem>>
        %dma_wait3A_105 = tpu.memref_squeeze %dma_wait3A_104 : memref<1x1x1x128xi32, #tpu.memory_space<vmem>> -> memref<128xi32, #tpu.memory_space<vmem>>
        %dma_wait3A_106 = arith.constant 0 : i32
        %dma_wait3A_107 = arith.constant 0 : i32
        %dma_wait3A_108 = tpu.memref_slice %arg2[%dma_wait3A_106, %dma_wait3A_107] : memref<10240x128xf32, #tpu.memory_space<hbm>> -> memref<10240x128xf32, #tpu.memory_space<hbm>>
        tpu.wait_indirect_dma semaphore(%arg10 : memref<!tpu.dma_semaphore, #tpu.memory_space<semaphore_mem>>) src(%dma_wait3A_108 : memref<10240x128xf32, #tpu.memory_space<hbm>>) dst(%arg7 : memref<128x128xf32, #tpu.memory_space<vmem>>)
        %run_scoped3A_109 = arith.constant 2 : i32
        %run_scoped3A_110 = arith.constant 1 : i32
        "tpu.region"() ({
          %run_scoped3A_204 = tpu.sem_alloc : memref<!tpu.dma_semaphore, #tpu.memory_space<semaphore_mem>>
          %dma_start3A_205 = arith.constant 0 : i32
          %dma_start3A_206 = tpu.memref_slice %arg6[%select_n3A_57, %run_scoped3A_109, %run_scoped3A_110, %dma_start3A_205] : memref<2x8x2x128xi32, #tpu.memory_space<vmem>> -> memref<1x1x1x128xi32, #tpu.memory_space<vmem>>
          %dma_start3A_207 = tpu.memref_squeeze %dma_start3A_206 : memref<1x1x1x128xi32, #tpu.memory_space<vmem>> -> memref<128xi32, #tpu.memory_space<vmem>>
          %dma_start3A_208 = arith.constant 0 : i32
          %dma_start3A_209 = arith.constant 0 : i32
          %dma_start3A_210 = tpu.memref_slice %arg12[%dma_start3A_208, %dma_start3A_209] : memref<10240x128xf32, #tpu.memory_space<vmem_shared>> -> memref<10240x128xf32, #tpu.memory_space<vmem_shared>>
          tpu.enqueue_indirect_dma source(%arg7 : memref<128x128xf32, #tpu.memory_space<vmem>>) target(%dma_start3A_210 : memref<10240x128xf32, #tpu.memory_space<vmem_shared>>) offsets(%dma_start3A_207 : memref<128xi32, #tpu.memory_space<vmem>>) semaphore(%run_scoped3A_204 : memref<!tpu.dma_semaphore, #tpu.memory_space<semaphore_mem>>) {add = true}
          %dma_wait3A_211 = arith.constant 0 : i32
          %dma_wait3A_212 = tpu.memref_slice %arg6[%select_n3A_57, %run_scoped3A_109, %run_scoped3A_110, %dma_wait3A_211] : memref<2x8x2x128xi32, #tpu.memory_space<vmem>> -> memref<1x1x1x128xi32, #tpu.memory_space<vmem>>
          %dma_wait3A_213 = tpu.memref_squeeze %dma_wait3A_212 : memref<1x1x1x128xi32, #tpu.memory_space<vmem>> -> memref<128xi32, #tpu.memory_space<vmem>>
          %dma_wait3A_214 = arith.constant 0 : i32
          %dma_wait3A_215 = arith.constant 0 : i32
          %dma_wait3A_216 = tpu.memref_slice %arg12[%dma_wait3A_214, %dma_wait3A_215] : memref<10240x128xf32, #tpu.memory_space<vmem_shared>> -> memref<10240x128xf32, #tpu.memory_space<vmem_shared>>
          tpu.wait_indirect_dma semaphore(%run_scoped3A_204 : memref<!tpu.dma_semaphore, #tpu.memory_space<semaphore_mem>>) src(%arg7 : memref<128x128xf32, #tpu.memory_space<vmem>>) dst(%dma_wait3A_216 : memref<10240x128xf32, #tpu.memory_space<vmem_shared>>)
          tpu.yield
        }) : () -> ()
        %dma_start3A_111 = arith.constant 4 : i32
        %dma_start3A_112 = arith.constant 0 : i32
        %dma_start3A_113 = arith.constant 0 : i32
        %dma_start3A_114 = tpu.memref_slice %arg6[%select_n3A_57, %dma_start3A_111, %dma_start3A_112, %dma_start3A_113] : memref<2x8x2x128xi32, #tpu.memory_space<vmem>> -> memref<1x1x1x128xi32, #tpu.memory_space<vmem>>
        %dma_start3A_115 = tpu.memref_squeeze %dma_start3A_114 : memref<1x1x1x128xi32, #tpu.memory_space<vmem>> -> memref<128xi32, #tpu.memory_space<vmem>>
        %dma_start3A_116 = arith.constant 0 : i32
        %dma_start3A_117 = arith.constant 0 : i32
        %dma_start3A_118 = tpu.memref_slice %arg2[%dma_start3A_116, %dma_start3A_117] : memref<10240x128xf32, #tpu.memory_space<hbm>> -> memref<10240x128xf32, #tpu.memory_space<hbm>>
        tpu.enqueue_indirect_dma source(%dma_start3A_118 : memref<10240x128xf32, #tpu.memory_space<hbm>>) target(%arg7 : memref<128x128xf32, #tpu.memory_space<vmem>>) offsets(%dma_start3A_115 : memref<128xi32, #tpu.memory_space<vmem>>) semaphore(%arg10 : memref<!tpu.dma_semaphore, #tpu.memory_space<semaphore_mem>>)
        %dma_wait3A_119 = arith.constant 3 : i32
        %dma_wait3A_120 = arith.constant 0 : i32
        %dma_wait3A_121 = arith.constant 0 : i32
        %dma_wait3A_122 = tpu.memref_slice %arg6[%select_n3A_57, %dma_wait3A_119, %dma_wait3A_120, %dma_wait3A_121] : memref<2x8x2x128xi32, #tpu.memory_space<vmem>> -> memref<1x1x1x128xi32, #tpu.memory_space<vmem>>
        %dma_wait3A_123 = tpu.memref_squeeze %dma_wait3A_122 : memref<1x1x1x128xi32, #tpu.memory_space<vmem>> -> memref<128xi32, #tpu.memory_space<vmem>>
        %dma_wait3A_124 = arith.constant 0 : i32
        %dma_wait3A_125 = arith.constant 0 : i32
        %dma_wait3A_126 = tpu.memref_slice %arg2[%dma_wait3A_124, %dma_wait3A_125] : memref<10240x128xf32, #tpu.memory_space<hbm>> -> memref<10240x128xf32, #tpu.memory_space<hbm>>
        tpu.wait_indirect_dma semaphore(%arg11 : memref<!tpu.dma_semaphore, #tpu.memory_space<semaphore_mem>>) src(%dma_wait3A_126 : memref<10240x128xf32, #tpu.memory_space<hbm>>) dst(%arg8 : memref<128x128xf32, #tpu.memory_space<vmem>>)
        %run_scoped3A_127 = arith.constant 3 : i32
        %run_scoped3A_128 = arith.constant 1 : i32
        "tpu.region"() ({
          %run_scoped3A_204 = tpu.sem_alloc : memref<!tpu.dma_semaphore, #tpu.memory_space<semaphore_mem>>
          %dma_start3A_205 = arith.constant 0 : i32
          %dma_start3A_206 = tpu.memref_slice %arg6[%select_n3A_57, %run_scoped3A_127, %run_scoped3A_128, %dma_start3A_205] : memref<2x8x2x128xi32, #tpu.memory_space<vmem>> -> memref<1x1x1x128xi32, #tpu.memory_space<vmem>>
          %dma_start3A_207 = tpu.memref_squeeze %dma_start3A_206 : memref<1x1x1x128xi32, #tpu.memory_space<vmem>> -> memref<128xi32, #tpu.memory_space<vmem>>
          %dma_start3A_208 = arith.constant 0 : i32
          %dma_start3A_209 = arith.constant 0 : i32
          %dma_start3A_210 = tpu.memref_slice %arg12[%dma_start3A_208, %dma_start3A_209] : memref<10240x128xf32, #tpu.memory_space<vmem_shared>> -> memref<10240x128xf32, #tpu.memory_space<vmem_shared>>
          tpu.enqueue_indirect_dma source(%arg8 : memref<128x128xf32, #tpu.memory_space<vmem>>) target(%dma_start3A_210 : memref<10240x128xf32, #tpu.memory_space<vmem_shared>>) offsets(%dma_start3A_207 : memref<128xi32, #tpu.memory_space<vmem>>) semaphore(%run_scoped3A_204 : memref<!tpu.dma_semaphore, #tpu.memory_space<semaphore_mem>>) {add = true}
          %dma_wait3A_211 = arith.constant 0 : i32
          %dma_wait3A_212 = tpu.memref_slice %arg6[%select_n3A_57, %run_scoped3A_127, %run_scoped3A_128, %dma_wait3A_211] : memref<2x8x2x128xi32, #tpu.memory_space<vmem>> -> memref<1x1x1x128xi32, #tpu.memory_space<vmem>>
          %dma_wait3A_213 = tpu.memref_squeeze %dma_wait3A_212 : memref<1x1x1x128xi32, #tpu.memory_space<vmem>> -> memref<128xi32, #tpu.memory_space<vmem>>
          %dma_wait3A_214 = arith.constant 0 : i32
          %dma_wait3A_215 = arith.constant 0 : i32
          %dma_wait3A_216 = tpu.memref_slice %arg12[%dma_wait3A_214, %dma_wait3A_215] : memref<10240x128xf32, #tpu.memory_space<vmem_shared>> -> memref<10240x128xf32, #tpu.memory_space<vmem_shared>>
          tpu.wait_indirect_dma semaphore(%run_scoped3A_204 : memref<!tpu.dma_semaphore, #tpu.memory_space<semaphore_mem>>) src(%arg8 : memref<128x128xf32, #tpu.memory_space<vmem>>) dst(%dma_wait3A_216 : memref<10240x128xf32, #tpu.memory_space<vmem_shared>>)
          tpu.yield
        }) : () -> ()
        %dma_start3A_129 = arith.constant 5 : i32
        %dma_start3A_130 = arith.constant 0 : i32
        %dma_start3A_131 = arith.constant 0 : i32
        %dma_start3A_132 = tpu.memref_slice %arg6[%select_n3A_57, %dma_start3A_129, %dma_start3A_130, %dma_start3A_131] : memref<2x8x2x128xi32, #tpu.memory_space<vmem>> -> memref<1x1x1x128xi32, #tpu.memory_space<vmem>>
        %dma_start3A_133 = tpu.memref_squeeze %dma_start3A_132 : memref<1x1x1x128xi32, #tpu.memory_space<vmem>> -> memref<128xi32, #tpu.memory_space<vmem>>
        %dma_start3A_134 = arith.constant 0 : i32
        %dma_start3A_135 = arith.constant 0 : i32
        %dma_start3A_136 = tpu.memref_slice %arg2[%dma_start3A_134, %dma_start3A_135] : memref<10240x128xf32, #tpu.memory_space<hbm>> -> memref<10240x128xf32, #tpu.memory_space<hbm>>
        tpu.enqueue_indirect_dma source(%dma_start3A_136 : memref<10240x128xf32, #tpu.memory_space<hbm>>) target(%arg8 : memref<128x128xf32, #tpu.memory_space<vmem>>) offsets(%dma_start3A_133 : memref<128xi32, #tpu.memory_space<vmem>>) semaphore(%arg11 : memref<!tpu.dma_semaphore, #tpu.memory_space<semaphore_mem>>)
        %dma_wait3A_137 = arith.constant 4 : i32
        %dma_wait3A_138 = arith.constant 0 : i32
        %dma_wait3A_139 = arith.constant 0 : i32
        %dma_wait3A_140 = tpu.memref_slice %arg6[%select_n3A_57, %dma_wait3A_137, %dma_wait3A_138, %dma_wait3A_139] : memref<2x8x2x128xi32, #tpu.memory_space<vmem>> -> memref<1x1x1x128xi32, #tpu.memory_space<vmem>>
        %dma_wait3A_141 = tpu.memref_squeeze %dma_wait3A_140 : memref<1x1x1x128xi32, #tpu.memory_space<vmem>> -> memref<128xi32, #tpu.memory_space<vmem>>
        %dma_wait3A_142 = arith.constant 0 : i32
        %dma_wait3A_143 = arith.constant 0 : i32
        %dma_wait3A_144 = tpu.memref_slice %arg2[%dma_wait3A_142, %dma_wait3A_143] : memref<10240x128xf32, #tpu.memory_space<hbm>> -> memref<10240x128xf32, #tpu.memory_space<hbm>>
        tpu.wait_indirect_dma semaphore(%arg10 : memref<!tpu.dma_semaphore, #tpu.memory_space<semaphore_mem>>) src(%dma_wait3A_144 : memref<10240x128xf32, #tpu.memory_space<hbm>>) dst(%arg7 : memref<128x128xf32, #tpu.memory_space<vmem>>)
        %run_scoped3A_145 = arith.constant 4 : i32
        %run_scoped3A_146 = arith.constant 1 : i32
        "tpu.region"() ({
          %run_scoped3A_204 = tpu.sem_alloc : memref<!tpu.dma_semaphore, #tpu.memory_space<semaphore_mem>>
          %dma_start3A_205 = arith.constant 0 : i32
          %dma_start3A_206 = tpu.memref_slice %arg6[%select_n3A_57, %run_scoped3A_145, %run_scoped3A_146, %dma_start3A_205] : memref<2x8x2x128xi32, #tpu.memory_space<vmem>> -> memref<1x1x1x128xi32, #tpu.memory_space<vmem>>
          %dma_start3A_207 = tpu.memref_squeeze %dma_start3A_206 : memref<1x1x1x128xi32, #tpu.memory_space<vmem>> -> memref<128xi32, #tpu.memory_space<vmem>>
          %dma_start3A_208 = arith.constant 0 : i32
          %dma_start3A_209 = arith.constant 0 : i32
          %dma_start3A_210 = tpu.memref_slice %arg12[%dma_start3A_208, %dma_start3A_209] : memref<10240x128xf32, #tpu.memory_space<vmem_shared>> -> memref<10240x128xf32, #tpu.memory_space<vmem_shared>>
          tpu.enqueue_indirect_dma source(%arg7 : memref<128x128xf32, #tpu.memory_space<vmem>>) target(%dma_start3A_210 : memref<10240x128xf32, #tpu.memory_space<vmem_shared>>) offsets(%dma_start3A_207 : memref<128xi32, #tpu.memory_space<vmem>>) semaphore(%run_scoped3A_204 : memref<!tpu.dma_semaphore, #tpu.memory_space<semaphore_mem>>) {add = true}
          %dma_wait3A_211 = arith.constant 0 : i32
          %dma_wait3A_212 = tpu.memref_slice %arg6[%select_n3A_57, %run_scoped3A_145, %run_scoped3A_146, %dma_wait3A_211] : memref<2x8x2x128xi32, #tpu.memory_space<vmem>> -> memref<1x1x1x128xi32, #tpu.memory_space<vmem>>
          %dma_wait3A_213 = tpu.memref_squeeze %dma_wait3A_212 : memref<1x1x1x128xi32, #tpu.memory_space<vmem>> -> memref<128xi32, #tpu.memory_space<vmem>>
          %dma_wait3A_214 = arith.constant 0 : i32
          %dma_wait3A_215 = arith.constant 0 : i32
          %dma_wait3A_216 = tpu.memref_slice %arg12[%dma_wait3A_214, %dma_wait3A_215] : memref<10240x128xf32, #tpu.memory_space<vmem_shared>> -> memref<10240x128xf32, #tpu.memory_space<vmem_shared>>
          tpu.wait_indirect_dma semaphore(%run_scoped3A_204 : memref<!tpu.dma_semaphore, #tpu.memory_space<semaphore_mem>>) src(%arg7 : memref<128x128xf32, #tpu.memory_space<vmem>>) dst(%dma_wait3A_216 : memref<10240x128xf32, #tpu.memory_space<vmem_shared>>)
          tpu.yield
        }) : () -> ()
        %dma_start3A_147 = arith.constant 6 : i32
        %dma_start3A_148 = arith.constant 0 : i32
        %dma_start3A_149 = arith.constant 0 : i32
        %dma_start3A_150 = tpu.memref_slice %arg6[%select_n3A_57, %dma_start3A_147, %dma_start3A_148, %dma_start3A_149] : memref<2x8x2x128xi32, #tpu.memory_space<vmem>> -> memref<1x1x1x128xi32, #tpu.memory_space<vmem>>
        %dma_start3A_151 = tpu.memref_squeeze %dma_start3A_150 : memref<1x1x1x128xi32, #tpu.memory_space<vmem>> -> memref<128xi32, #tpu.memory_space<vmem>>
        %dma_start3A_152 = arith.constant 0 : i32
        %dma_start3A_153 = arith.constant 0 : i32
        %dma_start3A_154 = tpu.memref_slice %arg2[%dma_start3A_152, %dma_start3A_153] : memref<10240x128xf32, #tpu.memory_space<hbm>> -> memref<10240x128xf32, #tpu.memory_space<hbm>>
        tpu.enqueue_indirect_dma source(%dma_start3A_154 : memref<10240x128xf32, #tpu.memory_space<hbm>>) target(%arg7 : memref<128x128xf32, #tpu.memory_space<vmem>>) offsets(%dma_start3A_151 : memref<128xi32, #tpu.memory_space<vmem>>) semaphore(%arg10 : memref<!tpu.dma_semaphore, #tpu.memory_space<semaphore_mem>>)
        %dma_wait3A_155 = arith.constant 5 : i32
        %dma_wait3A_156 = arith.constant 0 : i32
        %dma_wait3A_157 = arith.constant 0 : i32
        %dma_wait3A_158 = tpu.memref_slice %arg6[%select_n3A_57, %dma_wait3A_155, %dma_wait3A_156, %dma_wait3A_157] : memref<2x8x2x128xi32, #tpu.memory_space<vmem>> -> memref<1x1x1x128xi32, #tpu.memory_space<vmem>>
        %dma_wait3A_159 = tpu.memref_squeeze %dma_wait3A_158 : memref<1x1x1x128xi32, #tpu.memory_space<vmem>> -> memref<128xi32, #tpu.memory_space<vmem>>
        %dma_wait3A_160 = arith.constant 0 : i32
        %dma_wait3A_161 = arith.constant 0 : i32
        %dma_wait3A_162 = tpu.memref_slice %arg2[%dma_wait3A_160, %dma_wait3A_161] : memref<10240x128xf32, #tpu.memory_space<hbm>> -> memref<10240x128xf32, #tpu.memory_space<hbm>>
        tpu.wait_indirect_dma semaphore(%arg11 : memref<!tpu.dma_semaphore, #tpu.memory_space<semaphore_mem>>) src(%dma_wait3A_162 : memref<10240x128xf32, #tpu.memory_space<hbm>>) dst(%arg8 : memref<128x128xf32, #tpu.memory_space<vmem>>)
        %run_scoped3A_163 = arith.constant 5 : i32
        %run_scoped3A_164 = arith.constant 1 : i32
        "tpu.region"() ({
          %run_scoped3A_204 = tpu.sem_alloc : memref<!tpu.dma_semaphore, #tpu.memory_space<semaphore_mem>>
          %dma_start3A_205 = arith.constant 0 : i32
          %dma_start3A_206 = tpu.memref_slice %arg6[%select_n3A_57, %run_scoped3A_163, %run_scoped3A_164, %dma_start3A_205] : memref<2x8x2x128xi32, #tpu.memory_space<vmem>> -> memref<1x1x1x128xi32, #tpu.memory_space<vmem>>
          %dma_start3A_207 = tpu.memref_squeeze %dma_start3A_206 : memref<1x1x1x128xi32, #tpu.memory_space<vmem>> -> memref<128xi32, #tpu.memory_space<vmem>>
          %dma_start3A_208 = arith.constant 0 : i32
          %dma_start3A_209 = arith.constant 0 : i32
          %dma_start3A_210 = tpu.memref_slice %arg12[%dma_start3A_208, %dma_start3A_209] : memref<10240x128xf32, #tpu.memory_space<vmem_shared>> -> memref<10240x128xf32, #tpu.memory_space<vmem_shared>>
          tpu.enqueue_indirect_dma source(%arg8 : memref<128x128xf32, #tpu.memory_space<vmem>>) target(%dma_start3A_210 : memref<10240x128xf32, #tpu.memory_space<vmem_shared>>) offsets(%dma_start3A_207 : memref<128xi32, #tpu.memory_space<vmem>>) semaphore(%run_scoped3A_204 : memref<!tpu.dma_semaphore, #tpu.memory_space<semaphore_mem>>) {add = true}
          %dma_wait3A_211 = arith.constant 0 : i32
          %dma_wait3A_212 = tpu.memref_slice %arg6[%select_n3A_57, %run_scoped3A_163, %run_scoped3A_164, %dma_wait3A_211] : memref<2x8x2x128xi32, #tpu.memory_space<vmem>> -> memref<1x1x1x128xi32, #tpu.memory_space<vmem>>
          %dma_wait3A_213 = tpu.memref_squeeze %dma_wait3A_212 : memref<1x1x1x128xi32, #tpu.memory_space<vmem>> -> memref<128xi32, #tpu.memory_space<vmem>>
          %dma_wait3A_214 = arith.constant 0 : i32
          %dma_wait3A_215 = arith.constant 0 : i32
          %dma_wait3A_216 = tpu.memref_slice %arg12[%dma_wait3A_214, %dma_wait3A_215] : memref<10240x128xf32, #tpu.memory_space<vmem_shared>> -> memref<10240x128xf32, #tpu.memory_space<vmem_shared>>
          tpu.wait_indirect_dma semaphore(%run_scoped3A_204 : memref<!tpu.dma_semaphore, #tpu.memory_space<semaphore_mem>>) src(%arg8 : memref<128x128xf32, #tpu.memory_space<vmem>>) dst(%dma_wait3A_216 : memref<10240x128xf32, #tpu.memory_space<vmem_shared>>)
          tpu.yield
        }) : () -> ()
        %dma_start3A_165 = arith.constant 7 : i32
        %dma_start3A_166 = arith.constant 0 : i32
        %dma_start3A_167 = arith.constant 0 : i32
        %dma_start3A_168 = tpu.memref_slice %arg6[%select_n3A_57, %dma_start3A_165, %dma_start3A_166, %dma_start3A_167] : memref<2x8x2x128xi32, #tpu.memory_space<vmem>> -> memref<1x1x1x128xi32, #tpu.memory_space<vmem>>
        %dma_start3A_169 = tpu.memref_squeeze %dma_start3A_168 : memref<1x1x1x128xi32, #tpu.memory_space<vmem>> -> memref<128xi32, #tpu.memory_space<vmem>>
        %dma_start3A_170 = arith.constant 0 : i32
        %dma_start3A_171 = arith.constant 0 : i32
        %dma_start3A_172 = tpu.memref_slice %arg2[%dma_start3A_170, %dma_start3A_171] : memref<10240x128xf32, #tpu.memory_space<hbm>> -> memref<10240x128xf32, #tpu.memory_space<hbm>>
        tpu.enqueue_indirect_dma source(%dma_start3A_172 : memref<10240x128xf32, #tpu.memory_space<hbm>>) target(%arg8 : memref<128x128xf32, #tpu.memory_space<vmem>>) offsets(%dma_start3A_169 : memref<128xi32, #tpu.memory_space<vmem>>) semaphore(%arg11 : memref<!tpu.dma_semaphore, #tpu.memory_space<semaphore_mem>>)
        %dma_wait3A_173 = arith.constant 6 : i32
        %dma_wait3A_174 = arith.constant 0 : i32
        %dma_wait3A_175 = arith.constant 0 : i32
        %dma_wait3A_176 = tpu.memref_slice %arg6[%select_n3A_57, %dma_wait3A_173, %dma_wait3A_174, %dma_wait3A_175] : memref<2x8x2x128xi32, #tpu.memory_space<vmem>> -> memref<1x1x1x128xi32, #tpu.memory_space<vmem>>
        %dma_wait3A_177 = tpu.memref_squeeze %dma_wait3A_176 : memref<1x1x1x128xi32, #tpu.memory_space<vmem>> -> memref<128xi32, #tpu.memory_space<vmem>>
        %dma_wait3A_178 = arith.constant 0 : i32
        %dma_wait3A_179 = arith.constant 0 : i32
        %dma_wait3A_180 = tpu.memref_slice %arg2[%dma_wait3A_178, %dma_wait3A_179] : memref<10240x128xf32, #tpu.memory_space<hbm>> -> memref<10240x128xf32, #tpu.memory_space<hbm>>
        tpu.wait_indirect_dma semaphore(%arg10 : memref<!tpu.dma_semaphore, #tpu.memory_space<semaphore_mem>>) src(%dma_wait3A_180 : memref<10240x128xf32, #tpu.memory_space<hbm>>) dst(%arg7 : memref<128x128xf32, #tpu.memory_space<vmem>>)
        %run_scoped3A_181 = arith.constant 6 : i32
        %run_scoped3A_182 = arith.constant 1 : i32
        "tpu.region"() ({
          %run_scoped3A_204 = tpu.sem_alloc : memref<!tpu.dma_semaphore, #tpu.memory_space<semaphore_mem>>
          %dma_start3A_205 = arith.constant 0 : i32
          %dma_start3A_206 = tpu.memref_slice %arg6[%select_n3A_57, %run_scoped3A_181, %run_scoped3A_182, %dma_start3A_205] : memref<2x8x2x128xi32, #tpu.memory_space<vmem>> -> memref<1x1x1x128xi32, #tpu.memory_space<vmem>>
          %dma_start3A_207 = tpu.memref_squeeze %dma_start3A_206 : memref<1x1x1x128xi32, #tpu.memory_space<vmem>> -> memref<128xi32, #tpu.memory_space<vmem>>
          %dma_start3A_208 = arith.constant 0 : i32
          %dma_start3A_209 = arith.constant 0 : i32
          %dma_start3A_210 = tpu.memref_slice %arg12[%dma_start3A_208, %dma_start3A_209] : memref<10240x128xf32, #tpu.memory_space<vmem_shared>> -> memref<10240x128xf32, #tpu.memory_space<vmem_shared>>
          tpu.enqueue_indirect_dma source(%arg7 : memref<128x128xf32, #tpu.memory_space<vmem>>) target(%dma_start3A_210 : memref<10240x128xf32, #tpu.memory_space<vmem_shared>>) offsets(%dma_start3A_207 : memref<128xi32, #tpu.memory_space<vmem>>) semaphore(%run_scoped3A_204 : memref<!tpu.dma_semaphore, #tpu.memory_space<semaphore_mem>>) {add = true}
          %dma_wait3A_211 = arith.constant 0 : i32
          %dma_wait3A_212 = tpu.memref_slice %arg6[%select_n3A_57, %run_scoped3A_181, %run_scoped3A_182, %dma_wait3A_211] : memref<2x8x2x128xi32, #tpu.memory_space<vmem>> -> memref<1x1x1x128xi32, #tpu.memory_space<vmem>>
          %dma_wait3A_213 = tpu.memref_squeeze %dma_wait3A_212 : memref<1x1x1x128xi32, #tpu.memory_space<vmem>> -> memref<128xi32, #tpu.memory_space<vmem>>
          %dma_wait3A_214 = arith.constant 0 : i32
          %dma_wait3A_215 = arith.constant 0 : i32
          %dma_wait3A_216 = tpu.memref_slice %arg12[%dma_wait3A_214, %dma_wait3A_215] : memref<10240x128xf32, #tpu.memory_space<vmem_shared>> -> memref<10240x128xf32, #tpu.memory_space<vmem_shared>>
          tpu.wait_indirect_dma semaphore(%run_scoped3A_204 : memref<!tpu.dma_semaphore, #tpu.memory_space<semaphore_mem>>) src(%arg7 : memref<128x128xf32, #tpu.memory_space<vmem>>) dst(%dma_wait3A_216 : memref<10240x128xf32, #tpu.memory_space<vmem_shared>>)
          tpu.yield
        }) : () -> ()
        %lt3A_183 = arith.constant 19 : i32
        %lt3A_184 = arith.cmpi slt, %scan3A_47, %lt3A_183 : i32
        %convert_element_type3A_185 = arith.extui %lt3A_184 : i1 to i32
        %cond3A_186 = arith.constant 0 : i32
        %cond3A_187 = arith.cmpi ne, %convert_element_type3A_185, %cond3A_186 : i32
        scf.if %cond3A_187 {
          %dma_wait3A_204 = arith.constant 0 : i32
          %dma_wait3A_205 = arith.constant 0 : i32
          %dma_wait3A_206 = arith.constant 0 : i32
          %dma_wait3A_207 = arith.constant 0 : i32
          %dma_wait3A_208 = arith.constant 0 : i32
          %dma_wait3A_209 = tpu.memref_slice %arg6[%dma_wait3A_205, %dma_wait3A_206, %dma_wait3A_207, %dma_wait3A_208] : memref<2x8x2x128xi32, #tpu.memory_space<vmem>> -> memref<1x8x2x128xi32, #tpu.memory_space<vmem>>
          %dma_wait3A_210 = tpu.memref_squeeze %dma_wait3A_209 : memref<1x8x2x128xi32, #tpu.memory_space<vmem>> -> memref<8x2x128xi32, #tpu.memory_space<vmem>>
          %dma_wait3A_211 = arith.constant 0 : i32
          %dma_wait3A_212 = arith.constant 0 : i32
          %dma_wait3A_213 = arith.constant 0 : i32
          %dma_wait3A_214 = tpu.memref_slice %arg3[%arg1, %dma_wait3A_204, %dma_wait3A_211, %dma_wait3A_212, %dma_wait3A_213] : memref<16x20x8x2x128xi32, #tpu.memory_space<hbm>> -> memref<1x1x8x2x128xi32, #tpu.memory_space<hbm>>
          %dma_wait3A_215 = tpu.memref_squeeze %dma_wait3A_214 : memref<1x1x8x2x128xi32, #tpu.memory_space<hbm>> -> memref<8x2x128xi32, #tpu.memory_space<hbm>>
          %dma_wait3A_216 = arith.constant 0 : i32
          %dma_wait3A_217 = arith.constant 0 : i32
          %dma_wait3A_218 = arith.constant 0 : i32
          %dma_wait3A_219 = tpu.memref_slice %arg6[%dma_wait3A_205, %dma_wait3A_216, %dma_wait3A_217, %dma_wait3A_218] : memref<2x8x2x128xi32, #tpu.memory_space<vmem>> -> memref<1x8x2x128xi32, #tpu.memory_space<vmem>>
          %dma_wait3A_220 = tpu.memref_squeeze %dma_wait3A_219 : memref<1x8x2x128xi32, #tpu.memory_space<vmem>> -> memref<8x2x128xi32, #tpu.memory_space<vmem>>
          %dma_wait3A_221 = arith.constant 0 : i32
          %dma_wait3A_222 = arith.constant 0 : i32
          %dma_wait3A_223 = arith.constant 0 : i32
          %dma_wait3A_224 = tpu.memref_slice %arg3[%arg1, %dma_wait3A_204, %dma_wait3A_221, %dma_wait3A_222, %dma_wait3A_223] : memref<16x20x8x2x128xi32, #tpu.memory_space<hbm>> -> memref<1x1x8x2x128xi32, #tpu.memory_space<hbm>>
          %dma_wait3A_225 = tpu.memref_squeeze %dma_wait3A_224 : memref<1x1x8x2x128xi32, #tpu.memory_space<hbm>> -> memref<8x2x128xi32, #tpu.memory_space<hbm>>
          tpu.wait_dma2 semaphore(%arg9 : memref<!tpu.dma_semaphore, #tpu.memory_space<semaphore_mem>>) src(%dma_wait3A_225 : memref<8x2x128xi32, #tpu.memory_space<hbm>>) dst(%dma_wait3A_220 : memref<8x2x128xi32, #tpu.memory_space<vmem>>)
          %sub3A = arith.constant 1 : i32
          %sub3A_226 = arith.subi %sub3A, %select_n3A_57 : i32
          %dma_start3A_227 = arith.constant 0 : i32
          %dma_start3A_228 = arith.constant 0 : i32
          %dma_start3A_229 = arith.constant 0 : i32
          %dma_start3A_230 = tpu.memref_slice %arg6[%sub3A_226, %dma_start3A_227, %dma_start3A_228, %dma_start3A_229] : memref<2x8x2x128xi32, #tpu.memory_space<vmem>> -> memref<1x1x1x128xi32, #tpu.memory_space<vmem>>
          %dma_start3A_231 = tpu.memref_squeeze %dma_start3A_230 : memref<1x1x1x128xi32, #tpu.memory_space<vmem>> -> memref<128xi32, #tpu.memory_space<vmem>>
          %dma_start3A_232 = arith.constant 0 : i32
          %dma_start3A_233 = arith.constant 0 : i32
          %dma_start3A_234 = tpu.memref_slice %arg2[%dma_start3A_232, %dma_start3A_233] : memref<10240x128xf32, #tpu.memory_space<hbm>> -> memref<10240x128xf32, #tpu.memory_space<hbm>>
          tpu.enqueue_indirect_dma source(%dma_start3A_234 : memref<10240x128xf32, #tpu.memory_space<hbm>>) target(%arg7 : memref<128x128xf32, #tpu.memory_space<vmem>>) offsets(%dma_start3A_231 : memref<128xi32, #tpu.memory_space<vmem>>) semaphore(%arg10 : memref<!tpu.dma_semaphore, #tpu.memory_space<semaphore_mem>>)
        } else {
        }
        %dma_wait3A_188 = arith.constant 7 : i32
        %dma_wait3A_189 = arith.constant 0 : i32
        %dma_wait3A_190 = arith.constant 0 : i32
        %dma_wait3A_191 = tpu.memref_slice %arg6[%select_n3A_57, %dma_wait3A_188, %dma_wait3A_189, %dma_wait3A_190] : memref<2x8x2x128xi32, #tpu.memory_space<vmem>> -> memref<1x1x1x128xi32, #tpu.memory_space<vmem>>
        %dma_wait3A_192 = tpu.memref_squeeze %dma_wait3A_191 : memref<1x1x1x128xi32, #tpu.memory_space<vmem>> -> memref<128xi32, #tpu.memory_space<vmem>>
        %dma_wait3A_193 = arith.constant 0 : i32
        %dma_wait3A_194 = arith.constant 0 : i32
        %dma_wait3A_195 = tpu.memref_slice %arg2[%dma_wait3A_193, %dma_wait3A_194] : memref<10240x128xf32, #tpu.memory_space<hbm>> -> memref<10240x128xf32, #tpu.memory_space<hbm>>
        tpu.wait_indirect_dma semaphore(%arg11 : memref<!tpu.dma_semaphore, #tpu.memory_space<semaphore_mem>>) src(%dma_wait3A_195 : memref<10240x128xf32, #tpu.memory_space<hbm>>) dst(%arg8 : memref<128x128xf32, #tpu.memory_space<vmem>>)
        %run_scoped3A_196 = arith.constant 7 : i32
        %run_scoped3A_197 = arith.constant 1 : i32
        "tpu.region"() ({
          %run_scoped3A_204 = tpu.sem_alloc : memref<!tpu.dma_semaphore, #tpu.memory_space<semaphore_mem>>
          %dma_start3A_205 = arith.constant 0 : i32
          %dma_start3A_206 = tpu.memref_slice %arg6[%select_n3A_57, %run_scoped3A_196, %run_scoped3A_197, %dma_start3A_205] : memref<2x8x2x128xi32, #tpu.memory_space<vmem>> -> memref<1x1x1x128xi32, #tpu.memory_space<vmem>>
          %dma_start3A_207 = tpu.memref_squeeze %dma_start3A_206 : memref<1x1x1x128xi32, #tpu.memory_space<vmem>> -> memref<128xi32, #tpu.memory_space<vmem>>
          %dma_start3A_208 = arith.constant 0 : i32
          %dma_start3A_209 = arith.constant 0 : i32
          %dma_start3A_210 = tpu.memref_slice %arg12[%dma_start3A_208, %dma_start3A_209] : memref<10240x128xf32, #tpu.memory_space<vmem_shared>> -> memref<10240x128xf32, #tpu.memory_space<vmem_shared>>
          tpu.enqueue_indirect_dma source(%arg8 : memref<128x128xf32, #tpu.memory_space<vmem>>) target(%dma_start3A_210 : memref<10240x128xf32, #tpu.memory_space<vmem_shared>>) offsets(%dma_start3A_207 : memref<128xi32, #tpu.memory_space<vmem>>) semaphore(%run_scoped3A_204 : memref<!tpu.dma_semaphore, #tpu.memory_space<semaphore_mem>>) {add = true}
          %dma_wait3A_211 = arith.constant 0 : i32
          %dma_wait3A_212 = tpu.memref_slice %arg6[%select_n3A_57, %run_scoped3A_196, %run_scoped3A_197, %dma_wait3A_211] : memref<2x8x2x128xi32, #tpu.memory_space<vmem>> -> memref<1x1x1x128xi32, #tpu.memory_space<vmem>>
          %dma_wait3A_213 = tpu.memref_squeeze %dma_wait3A_212 : memref<1x1x1x128xi32, #tpu.memory_space<vmem>> -> memref<128xi32, #tpu.memory_space<vmem>>
          %dma_wait3A_214 = arith.constant 0 : i32
          %dma_wait3A_215 = arith.constant 0 : i32
          %dma_wait3A_216 = tpu.memref_slice %arg12[%dma_wait3A_214, %dma_wait3A_215] : memref<10240x128xf32, #tpu.memory_space<vmem_shared>> -> memref<10240x128xf32, #tpu.memory_space<vmem_shared>>
          tpu.wait_indirect_dma semaphore(%run_scoped3A_204 : memref<!tpu.dma_semaphore, #tpu.memory_space<semaphore_mem>>) src(%arg8 : memref<128x128xf32, #tpu.memory_space<vmem>>) dst(%dma_wait3A_216 : memref<10240x128xf32, #tpu.memory_space<vmem_shared>>)
          tpu.yield
        }) : () -> ()
        %lt3A_198 = arith.constant 18 : i32
        %lt3A_199 = arith.cmpi slt, %scan3A_47, %lt3A_198 : i32
        %convert_element_type3A_200 = arith.extui %lt3A_199 : i1 to i32
        %cond3A_201 = arith.constant 0 : i32
        %cond3A_202 = arith.cmpi ne, %convert_element_type3A_200, %cond3A_201 : i32
        scf.if %cond3A_202 {
          %add3A_204 = arith.constant 2 : i32
          %add3A_205 = arith.addi %scan3A_47, %add3A_204 : i32
          %dma_start3A_206 = arith.constant 0 : i32
          %dma_start3A_207 = arith.constant 0 : i32
          %dma_start3A_208 = arith.constant 0 : i32
          %dma_start3A_209 = tpu.memref_slice %arg6[%select_n3A_57, %dma_start3A_206, %dma_start3A_207, %dma_start3A_208] : memref<2x8x2x128xi32, #tpu.memory_space<vmem>> -> memref<1x8x2x128xi32, #tpu.memory_space<vmem>>
          %dma_start3A_210 = tpu.memref_squeeze %dma_start3A_209 : memref<1x8x2x128xi32, #tpu.memory_space<vmem>> -> memref<8x2x128xi32, #tpu.memory_space<vmem>>
          %dma_start3A_211 = arith.constant 0 : i32
          %dma_start3A_212 = arith.constant 0 : i32
          %dma_start3A_213 = arith.constant 0 : i32
          %dma_start3A_214 = tpu.memref_slice %arg3[%arg1, %add3A_205, %dma_start3A_211, %dma_start3A_212, %dma_start3A_213] : memref<16x20x8x2x128xi32, #tpu.memory_space<hbm>> -> memref<1x1x8x2x128xi32, #tpu.memory_space<hbm>>
          %dma_start3A_215 = tpu.memref_squeeze %dma_start3A_214 : memref<1x1x8x2x128xi32, #tpu.memory_space<hbm>> -> memref<8x2x128xi32, #tpu.memory_space<hbm>>
          %dma_start3A_216 = arith.constant 0 : i32
          %dma_start3A_217 = arith.constant 0 : i32
          %dma_start3A_218 = arith.constant 0 : i32
          %dma_start3A_219 = tpu.memref_slice %arg6[%select_n3A_57, %dma_start3A_216, %dma_start3A_217, %dma_start3A_218] : memref<2x8x2x128xi32, #tpu.memory_space<vmem>> -> memref<1x8x2x128xi32, #tpu.memory_space<vmem>>
          %dma_start3A_220 = tpu.memref_squeeze %dma_start3A_219 : memref<1x8x2x128xi32, #tpu.memory_space<vmem>> -> memref<8x2x128xi32, #tpu.memory_space<vmem>>
          %dma_start3A_221 = arith.constant 0 : i32
          %dma_start3A_222 = arith.constant 0 : i32
          %dma_start3A_223 = arith.constant 0 : i32
          %dma_start3A_224 = tpu.memref_slice %arg3[%arg1, %add3A_205, %dma_start3A_221, %dma_start3A_222, %dma_start3A_223] : memref<16x20x8x2x128xi32, #tpu.memory_space<hbm>> -> memref<1x1x8x2x128xi32, #tpu.memory_space<hbm>>
          %dma_start3A_225 = tpu.memref_squeeze %dma_start3A_224 : memref<1x1x8x2x128xi32, #tpu.memory_space<hbm>> -> memref<8x2x128xi32, #tpu.memory_space<hbm>>
          tpu.enqueue_dma source(%dma_start3A_225 : memref<8x2x128xi32, #tpu.memory_space<hbm>>) target(%dma_start3A_220 : memref<8x2x128xi32, #tpu.memory_space<vmem>>) target_semaphore(%arg9 : memref<!tpu.dma_semaphore, #tpu.memory_space<semaphore_mem>>)
        } else {
        }
        %scan3A_203 = arith.constant 0 : i32
        scf.yield %scan3A_203 : i32
      }
      %scan3A_41 = arith.constant 20 : i32
      "tpu.trace_stop"() : () -> ()
      "tpu.trace_start"() <{level = 10 : i32, message = "agg_dump"}> : () -> ()
      %barrier3A_42 = arith.constant 0 : index
      tpu.barrier barrier_id(%barrier3A_42)
      %mul3A_43 = arith.constant 640 : i32
      %mul3A_44 = arith.muli %arg1, %mul3A_43 : i32
      %mul3A_45 = arith.constant 640 : i32
      %mul3A_46 = arith.muli %arg1, %mul3A_45 : i32
      "tpu.region"() ({
        %run_scoped3A_47 = tpu.sem_alloc : memref<!tpu.dma_semaphore, #tpu.memory_space<semaphore_mem>>
        %dma_start3A_48 = arith.constant 0 : i32
        %dma_start3A_49 = tpu.memref_slice %arg5[%mul3A_46, %dma_start3A_48] : memref<10240x128xf32, #tpu.memory_space<hbm>> -> memref<640x128xf32, #tpu.memory_space<hbm>>
        %dma_start3A_50 = arith.constant 0 : i32
        %dma_start3A_51 = tpu.memref_slice %arg12[%mul3A_44, %dma_start3A_50] : memref<10240x128xf32, #tpu.memory_space<vmem_shared>> -> memref<640x128xf32, #tpu.memory_space<vmem_shared>>
        tpu.enqueue_dma source(%dma_start3A_51 : memref<640x128xf32, #tpu.memory_space<vmem_shared>>) target(%dma_start3A_49 : memref<640x128xf32, #tpu.memory_space<hbm>>) target_semaphore(%run_scoped3A_47 : memref<!tpu.dma_semaphore, #tpu.memory_space<semaphore_mem>>)
        %dma_wait3A = arith.constant 0 : i32
        %dma_wait3A_52 = tpu.memref_slice %arg5[%mul3A_46, %dma_wait3A] : memref<10240x128xf32, #tpu.memory_space<hbm>> -> memref<640x128xf32, #tpu.memory_space<hbm>>
        %dma_wait3A_53 = arith.constant 0 : i32
        %dma_wait3A_54 = tpu.memref_slice %arg12[%mul3A_44, %dma_wait3A_53] : memref<10240x128xf32, #tpu.memory_space<vmem_shared>> -> memref<640x128xf32, #tpu.memory_space<vmem_shared>>
        tpu.wait_dma2 semaphore(%run_scoped3A_47 : memref<!tpu.dma_semaphore, #tpu.memory_space<semaphore_mem>>) src(%dma_wait3A_54 : memref<640x128xf32, #tpu.memory_space<vmem_shared>>) dst(%dma_wait3A_52 : memref<640x128xf32, #tpu.memory_space<hbm>>)
        tpu.yield
      }) : () -> ()
      "tpu.trace_stop"() : () -> ()
    } else {
    }
    return
  }
}

#map = affine_map<(d0, d1) -> (0, 0, 0)>
#map1 = affine_map<(d0, d1) -> (0)>
#map2 = affine_map<(d0, d1) -> (0, 0)>
module attributes {stable_mosaic.version = 14 : i64} {
  func.func @_deg_body(%arg0: i32, %arg1: i32, %arg2: memref<32x80x128xi32, #tpu.memory_space<hbm>>, %arg3: memref<10240xf32, #tpu.memory_space<hbm>>, %arg4: memref<2x10240xf32, #tpu.memory_space<hbm>>, %arg5: memref<80x128xi32, #tpu.memory_space<vmem>>, %arg6: memref<128xf32, #tpu.memory_space<vmem>>, %arg7: memref<!tpu.dma_semaphore, #tpu.memory_space<semaphore_mem>>, %arg8: memref<!tpu.dma_semaphore, #tpu.memory_space<semaphore_mem>>, %arg9: memref<10240xf32, #tpu.memory_space<vmem_shared>>) attributes {dimension_semantics = [#tpu.dimension_semantics<core_parallel>, #tpu.dimension_semantics<subcore_parallel>], iteration_bounds = array<i64: 2, 16>, scalar_prefetch = 0 : i64, scratch_operands = 5 : i64, tpu.core_type = #tpu.core_type<sc_vector_subcore>, window_params = [{transform_indices = #map}, {transform_indices = #map1}, {transform_indices = #map2}]} {
    %mul3A = arith.constant 2 : i32
    %mul3A_0 = arith.muli %arg1, %mul3A : i32
    %add3A = arith.addi %mul3A_0, %arg0 : i32
    "tpu.region"() ({
      %run_scoped3A = tpu.sem_alloc : memref<!tpu.dma_semaphore, #tpu.memory_space<semaphore_mem>>
      %dma_start3A = arith.constant 0 : i32
      %dma_start3A_62 = arith.constant 0 : i32
      %dma_start3A_63 = tpu.memref_slice %arg2[%add3A, %dma_start3A, %dma_start3A_62] : memref<32x80x128xi32, #tpu.memory_space<hbm>> -> memref<1x80x128xi32, #tpu.memory_space<hbm>>
      %dma_start3A_64 = tpu.memref_squeeze %dma_start3A_63 : memref<1x80x128xi32, #tpu.memory_space<hbm>> -> memref<80x128xi32, #tpu.memory_space<hbm>>
      %dma_start3A_65 = arith.constant 0 : i32
      %dma_start3A_66 = arith.constant 0 : i32
      %dma_start3A_67 = tpu.memref_slice %arg2[%add3A, %dma_start3A_65, %dma_start3A_66] : memref<32x80x128xi32, #tpu.memory_space<hbm>> -> memref<1x80x128xi32, #tpu.memory_space<hbm>>
      %dma_start3A_68 = tpu.memref_squeeze %dma_start3A_67 : memref<1x80x128xi32, #tpu.memory_space<hbm>> -> memref<80x128xi32, #tpu.memory_space<hbm>>
      tpu.enqueue_dma source(%dma_start3A_68 : memref<80x128xi32, #tpu.memory_space<hbm>>) target(%arg5 : memref<80x128xi32, #tpu.memory_space<vmem>>) target_semaphore(%run_scoped3A : memref<!tpu.dma_semaphore, #tpu.memory_space<semaphore_mem>>)
      %dma_wait3A = arith.constant 0 : i32
      %dma_wait3A_69 = arith.constant 0 : i32
      %dma_wait3A_70 = tpu.memref_slice %arg2[%add3A, %dma_wait3A, %dma_wait3A_69] : memref<32x80x128xi32, #tpu.memory_space<hbm>> -> memref<1x80x128xi32, #tpu.memory_space<hbm>>
      %dma_wait3A_71 = tpu.memref_squeeze %dma_wait3A_70 : memref<1x80x128xi32, #tpu.memory_space<hbm>> -> memref<80x128xi32, #tpu.memory_space<hbm>>
      %dma_wait3A_72 = arith.constant 0 : i32
      %dma_wait3A_73 = arith.constant 0 : i32
      %dma_wait3A_74 = tpu.memref_slice %arg2[%add3A, %dma_wait3A_72, %dma_wait3A_73] : memref<32x80x128xi32, #tpu.memory_space<hbm>> -> memref<1x80x128xi32, #tpu.memory_space<hbm>>
      %dma_wait3A_75 = tpu.memref_squeeze %dma_wait3A_74 : memref<1x80x128xi32, #tpu.memory_space<hbm>> -> memref<80x128xi32, #tpu.memory_space<hbm>>
      tpu.wait_dma2 semaphore(%run_scoped3A : memref<!tpu.dma_semaphore, #tpu.memory_space<semaphore_mem>>) src(%dma_wait3A_75 : memref<80x128xi32, #tpu.memory_space<hbm>>) dst(%arg5 : memref<80x128xi32, #tpu.memory_space<vmem>>)
      tpu.yield
    }) : () -> ()
    %broadcast_in_dim3A = arith.constant 1.000000e+00 : f32
    %broadcast_in_dim3A_1 = vector.broadcast %broadcast_in_dim3A : f32 to vector<16xf32>
    %swap3A = arith.constant 0 : index
    %swap3A_2 = tpu.vector_load %arg6[%swap3A] {strides = array<i32>} : memref<128xf32, #tpu.memory_space<vmem>>, vector<16xf32>,
    %swap3A_3 = vector.shape_cast %swap3A_2 : vector<16xf32> to vector<16xf32>
    %swap3A_4 = vector.shape_cast %broadcast_in_dim3A_1 : vector<16xf32> to vector<16xf32>
    tpu.vector_store %arg6[%swap3A], %swap3A_4 {strides = array<i32>} : memref<128xf32, #tpu.memory_space<vmem>>, vector<16xf32>,
    %broadcast_in_dim3A_5 = arith.constant 1.000000e+00 : f32
    %broadcast_in_dim3A_6 = vector.broadcast %broadcast_in_dim3A_5 : f32 to vector<16xf32>
    %swap3A_7 = arith.constant 16 : index
    %swap3A_8 = tpu.vector_load %arg6[%swap3A_7] {strides = array<i32>} : memref<128xf32, #tpu.memory_space<vmem>>, vector<16xf32>,
    %swap3A_9 = vector.shape_cast %swap3A_8 : vector<16xf32> to vector<16xf32>
    %swap3A_10 = vector.shape_cast %broadcast_in_dim3A_6 : vector<16xf32> to vector<16xf32>
    tpu.vector_store %arg6[%swap3A_7], %swap3A_10 {strides = array<i32>} : memref<128xf32, #tpu.memory_space<vmem>>, vector<16xf32>,
    %broadcast_in_dim3A_11 = arith.constant 1.000000e+00 : f32
    %broadcast_in_dim3A_12 = vector.broadcast %broadcast_in_dim3A_11 : f32 to vector<16xf32>
    %swap3A_13 = arith.constant 32 : index
    %swap3A_14 = tpu.vector_load %arg6[%swap3A_13] {strides = array<i32>} : memref<128xf32, #tpu.memory_space<vmem>>, vector<16xf32>,
    %swap3A_15 = vector.shape_cast %swap3A_14 : vector<16xf32> to vector<16xf32>
    %swap3A_16 = vector.shape_cast %broadcast_in_dim3A_12 : vector<16xf32> to vector<16xf32>
    tpu.vector_store %arg6[%swap3A_13], %swap3A_16 {strides = array<i32>} : memref<128xf32, #tpu.memory_space<vmem>>, vector<16xf32>,
    %broadcast_in_dim3A_17 = arith.constant 1.000000e+00 : f32
    %broadcast_in_dim3A_18 = vector.broadcast %broadcast_in_dim3A_17 : f32 to vector<16xf32>
    %swap3A_19 = arith.constant 48 : index
    %swap3A_20 = tpu.vector_load %arg6[%swap3A_19] {strides = array<i32>} : memref<128xf32, #tpu.memory_space<vmem>>, vector<16xf32>,
    %swap3A_21 = vector.shape_cast %swap3A_20 : vector<16xf32> to vector<16xf32>
    %swap3A_22 = vector.shape_cast %broadcast_in_dim3A_18 : vector<16xf32> to vector<16xf32>
    tpu.vector_store %arg6[%swap3A_19], %swap3A_22 {strides = array<i32>} : memref<128xf32, #tpu.memory_space<vmem>>, vector<16xf32>,
    %broadcast_in_dim3A_23 = arith.constant 1.000000e+00 : f32
    %broadcast_in_dim3A_24 = vector.broadcast %broadcast_in_dim3A_23 : f32 to vector<16xf32>
    %swap3A_25 = arith.constant 64 : index
    %swap3A_26 = tpu.vector_load %arg6[%swap3A_25] {strides = array<i32>} : memref<128xf32, #tpu.memory_space<vmem>>, vector<16xf32>,
    %swap3A_27 = vector.shape_cast %swap3A_26 : vector<16xf32> to vector<16xf32>
    %swap3A_28 = vector.shape_cast %broadcast_in_dim3A_24 : vector<16xf32> to vector<16xf32>
    tpu.vector_store %arg6[%swap3A_25], %swap3A_28 {strides = array<i32>} : memref<128xf32, #tpu.memory_space<vmem>>, vector<16xf32>,
    %broadcast_in_dim3A_29 = arith.constant 1.000000e+00 : f32
    %broadcast_in_dim3A_30 = vector.broadcast %broadcast_in_dim3A_29 : f32 to vector<16xf32>
    %swap3A_31 = arith.constant 80 : index
    %swap3A_32 = tpu.vector_load %arg6[%swap3A_31] {strides = array<i32>} : memref<128xf32, #tpu.memory_space<vmem>>, vector<16xf32>,
    %swap3A_33 = vector.shape_cast %swap3A_32 : vector<16xf32> to vector<16xf32>
    %swap3A_34 = vector.shape_cast %broadcast_in_dim3A_30 : vector<16xf32> to vector<16xf32>
    tpu.vector_store %arg6[%swap3A_31], %swap3A_34 {strides = array<i32>} : memref<128xf32, #tpu.memory_space<vmem>>, vector<16xf32>,
    %broadcast_in_dim3A_35 = arith.constant 1.000000e+00 : f32
    %broadcast_in_dim3A_36 = vector.broadcast %broadcast_in_dim3A_35 : f32 to vector<16xf32>
    %swap3A_37 = arith.constant 96 : index
    %swap3A_38 = tpu.vector_load %arg6[%swap3A_37] {strides = array<i32>} : memref<128xf32, #tpu.memory_space<vmem>>, vector<16xf32>,
    %swap3A_39 = vector.shape_cast %swap3A_38 : vector<16xf32> to vector<16xf32>
    %swap3A_40 = vector.shape_cast %broadcast_in_dim3A_36 : vector<16xf32> to vector<16xf32>
    tpu.vector_store %arg6[%swap3A_37], %swap3A_40 {strides = array<i32>} : memref<128xf32, #tpu.memory_space<vmem>>, vector<16xf32>,
    %broadcast_in_dim3A_41 = arith.constant 1.000000e+00 : f32
    %broadcast_in_dim3A_42 = vector.broadcast %broadcast_in_dim3A_41 : f32 to vector<16xf32>
    %swap3A_43 = arith.constant 112 : index
    %swap3A_44 = tpu.vector_load %arg6[%swap3A_43] {strides = array<i32>} : memref<128xf32, #tpu.memory_space<vmem>>, vector<16xf32>,
    %swap3A_45 = vector.shape_cast %swap3A_44 : vector<16xf32> to vector<16xf32>
    %swap3A_46 = vector.shape_cast %broadcast_in_dim3A_42 : vector<16xf32> to vector<16xf32>
    tpu.vector_store %arg6[%swap3A_43], %swap3A_46 {strides = array<i32>} : memref<128xf32, #tpu.memory_space<vmem>>, vector<16xf32>,
    %mul3A_47 = arith.constant 640 : i32
    %mul3A_48 = arith.muli %arg1, %mul3A_47 : i32
    %mul3A_49 = arith.constant 640 : i32
    %mul3A_50 = arith.muli %arg1, %mul3A_49 : i32
    "tpu.region"() ({
      %run_scoped3A = tpu.sem_alloc : memref<!tpu.dma_semaphore, #tpu.memory_space<semaphore_mem>>
      %dma_start3A = tpu.memref_slice %arg9[%mul3A_50] : memref<10240xf32, #tpu.memory_space<vmem_shared>> -> memref<640xf32, #tpu.memory_space<vmem_shared>>
      %dma_start3A_62 = tpu.memref_slice %arg3[%mul3A_48] : memref<10240xf32, #tpu.memory_space<hbm>> -> memref<640xf32, #tpu.memory_space<hbm>>
      tpu.enqueue_dma source(%dma_start3A_62 : memref<640xf32, #tpu.memory_space<hbm>>) target(%dma_start3A : memref<640xf32, #tpu.memory_space<vmem_shared>>) target_semaphore(%run_scoped3A : memref<!tpu.dma_semaphore, #tpu.memory_space<semaphore_mem>>)
      %dma_wait3A = tpu.memref_slice %arg9[%mul3A_50] : memref<10240xf32, #tpu.memory_space<vmem_shared>> -> memref<640xf32, #tpu.memory_space<vmem_shared>>
      %dma_wait3A_63 = tpu.memref_slice %arg3[%mul3A_48] : memref<10240xf32, #tpu.memory_space<hbm>> -> memref<640xf32, #tpu.memory_space<hbm>>
      tpu.wait_dma2 semaphore(%run_scoped3A : memref<!tpu.dma_semaphore, #tpu.memory_space<semaphore_mem>>) src(%dma_wait3A_63 : memref<640xf32, #tpu.memory_space<hbm>>) dst(%dma_wait3A : memref<640xf32, #tpu.memory_space<vmem_shared>>)
      tpu.yield
    }) : () -> ()
    %barrier3A = arith.constant 0 : index
    tpu.barrier barrier_id(%barrier3A)
    %scan3A = arith.constant 0 : i32
    %scan3A_51 = arith.constant 0 : i32
    %scan3A_52 = arith.constant 40 : i32
    %scan3A_53 = arith.addi %scan3A_51, %scan3A_52 : i32
    %scan3A_54 = arith.constant 1 : i32
    %scan3A_55 = scf.for %scan3A_62 = %scan3A_51 to %scan3A_53 step %scan3A_54 iter_args(%scan3A_63 = %scan3A) -> (i32)  : i32 {
      %mul3A_64 = arith.constant 2 : i32
      %mul3A_65 = arith.muli %mul3A_64, %scan3A_62 : i32
      %dma_start3A = arith.constant 0 : i32
      %dma_start3A_66 = tpu.memref_slice %arg5[%mul3A_65, %dma_start3A] : memref<80x128xi32, #tpu.memory_space<vmem>> -> memref<1x128xi32, #tpu.memory_space<vmem>>
      %dma_start3A_67 = tpu.memref_squeeze %dma_start3A_66 : memref<1x128xi32, #tpu.memory_space<vmem>> -> memref<128xi32, #tpu.memory_space<vmem>>
      %dma_start3A_68 = arith.constant 0 : i32
      %dma_start3A_69 = tpu.memref_slice %arg9[%dma_start3A_68] : memref<10240xf32, #tpu.memory_space<vmem_shared>> -> memref<10240xf32, #tpu.memory_space<vmem_shared>>
      tpu.enqueue_indirect_dma source(%arg6 : memref<128xf32, #tpu.memory_space<vmem>>) target(%dma_start3A_69 : memref<10240xf32, #tpu.memory_space<vmem_shared>>) offsets(%dma_start3A_67 : memref<128xi32, #tpu.memory_space<vmem>>) semaphore(%arg7 : memref<!tpu.dma_semaphore, #tpu.memory_space<semaphore_mem>>) {add = true}
      %add3A_70 = arith.constant 1 : i32
      %add3A_71 = arith.addi %mul3A_65, %add3A_70 : i32
      %dma_start3A_72 = arith.constant 0 : i32
      %dma_start3A_73 = tpu.memref_slice %arg5[%add3A_71, %dma_start3A_72] : memref<80x128xi32, #tpu.memory_space<vmem>> -> memref<1x128xi32, #tpu.memory_space<vmem>>
      %dma_start3A_74 = tpu.memref_squeeze %dma_start3A_73 : memref<1x128xi32, #tpu.memory_space<vmem>> -> memref<128xi32, #tpu.memory_space<vmem>>
      %dma_start3A_75 = arith.constant 0 : i32
      %dma_start3A_76 = tpu.memref_slice %arg9[%dma_start3A_75] : memref<10240xf32, #tpu.memory_space<vmem_shared>> -> memref<10240xf32, #tpu.memory_space<vmem_shared>>
      tpu.enqueue_indirect_dma source(%arg6 : memref<128xf32, #tpu.memory_space<vmem>>) target(%dma_start3A_76 : memref<10240xf32, #tpu.memory_space<vmem_shared>>) offsets(%dma_start3A_74 : memref<128xi32, #tpu.memory_space<vmem>>) semaphore(%arg8 : memref<!tpu.dma_semaphore, #tpu.memory_space<semaphore_mem>>) {add = true}
      %dma_wait3A = arith.constant 0 : i32
      %dma_wait3A_77 = tpu.memref_slice %arg5[%mul3A_65, %dma_wait3A] : memref<80x128xi32, #tpu.memory_space<vmem>> -> memref<1x128xi32, #tpu.memory_space<vmem>>
      %dma_wait3A_78 = tpu.memref_squeeze %dma_wait3A_77 : memref<1x128xi32, #tpu.memory_space<vmem>> -> memref<128xi32, #tpu.memory_space<vmem>>
      %dma_wait3A_79 = arith.constant 0 : i32
      %dma_wait3A_80 = tpu.memref_slice %arg9[%dma_wait3A_79] : memref<10240xf32, #tpu.memory_space<vmem_shared>> -> memref<10240xf32, #tpu.memory_space<vmem_shared>>
      tpu.wait_indirect_dma semaphore(%arg7 : memref<!tpu.dma_semaphore, #tpu.memory_space<semaphore_mem>>) src(%arg6 : memref<128xf32, #tpu.memory_space<vmem>>) dst(%dma_wait3A_80 : memref<10240xf32, #tpu.memory_space<vmem_shared>>)
      %add3A_81 = arith.constant 1 : i32
      %add3A_82 = arith.addi %mul3A_65, %add3A_81 : i32
      %dma_wait3A_83 = arith.constant 0 : i32
      %dma_wait3A_84 = tpu.memref_slice %arg5[%add3A_82, %dma_wait3A_83] : memref<80x128xi32, #tpu.memory_space<vmem>> -> memref<1x128xi32, #tpu.memory_space<vmem>>
      %dma_wait3A_85 = tpu.memref_squeeze %dma_wait3A_84 : memref<1x128xi32, #tpu.memory_space<vmem>> -> memref<128xi32, #tpu.memory_space<vmem>>
      %dma_wait3A_86 = arith.constant 0 : i32
      %dma_wait3A_87 = tpu.memref_slice %arg9[%dma_wait3A_86] : memref<10240xf32, #tpu.memory_space<vmem_shared>> -> memref<10240xf32, #tpu.memory_space<vmem_shared>>
      tpu.wait_indirect_dma semaphore(%arg8 : memref<!tpu.dma_semaphore, #tpu.memory_space<semaphore_mem>>) src(%arg6 : memref<128xf32, #tpu.memory_space<vmem>>) dst(%dma_wait3A_87 : memref<10240xf32, #tpu.memory_space<vmem_shared>>)
      %scan3A_88 = arith.constant 0 : i32
      scf.yield %scan3A_88 : i32
    }
    %scan3A_56 = arith.constant 40 : i32
    %barrier3A_57 = arith.constant 0 : index
    tpu.barrier barrier_id(%barrier3A_57)
    %mul3A_58 = arith.constant 640 : i32
    %mul3A_59 = arith.muli %arg1, %mul3A_58 : i32
    %mul3A_60 = arith.constant 640 : i32
    %mul3A_61 = arith.muli %arg1, %mul3A_60 : i32
    "tpu.region"() ({
      %run_scoped3A = tpu.sem_alloc : memref<!tpu.dma_semaphore, #tpu.memory_space<semaphore_mem>>
      %dma_start3A = tpu.memref_slice %arg4[%arg0, %mul3A_61] : memref<2x10240xf32, #tpu.memory_space<hbm>> -> memref<1x640xf32, #tpu.memory_space<hbm>>
      %dma_start3A_62 = tpu.memref_squeeze %dma_start3A : memref<1x640xf32, #tpu.memory_space<hbm>> -> memref<640xf32, #tpu.memory_space<hbm>>
      %dma_start3A_63 = tpu.memref_slice %arg9[%mul3A_59] : memref<10240xf32, #tpu.memory_space<vmem_shared>> -> memref<640xf32, #tpu.memory_space<vmem_shared>>
      tpu.enqueue_dma source(%dma_start3A_63 : memref<640xf32, #tpu.memory_space<vmem_shared>>) target(%dma_start3A_62 : memref<640xf32, #tpu.memory_space<hbm>>) target_semaphore(%run_scoped3A : memref<!tpu.dma_semaphore, #tpu.memory_space<semaphore_mem>>)
      %dma_wait3A = tpu.memref_slice %arg4[%arg0, %mul3A_61] : memref<2x10240xf32, #tpu.memory_space<hbm>> -> memref<1x640xf32, #tpu.memory_space<hbm>>
      %dma_wait3A_64 = tpu.memref_squeeze %dma_wait3A : memref<1x640xf32, #tpu.memory_space<hbm>> -> memref<640xf32, #tpu.memory_space<hbm>>
      %dma_wait3A_65 = tpu.memref_slice %arg9[%mul3A_59] : memref<10240xf32, #tpu.memory_space<vmem_shared>> -> memref<640xf32, #tpu.memory_space<vmem_shared>>
      tpu.wait_dma2 semaphore(%run_scoped3A : memref<!tpu.dma_semaphore, #tpu.memory_space<semaphore_mem>>) src(%dma_wait3A_65 : memref<640xf32, #tpu.memory_space<vmem_shared>>) dst(%dma_wait3A_64 : memref<640xf32, #tpu.memory_space<hbm>>)
      tpu.yield
    }) : () -> ()
    return
  }
}

#map = affine_map<(d0, d1) -> (0, 0)>
#map1 = affine_map<(d0, d1) -> (0, 0, 0, 0, 0)>
module attributes {stable_mosaic.version = 14 : i64} {
  func.func @_agg_body(%arg0: i32, %arg1: i32, %arg2: memref<10240x128xf32, #tpu.memory_space<hbm>>, %arg3: memref<16x20x8x2x128xi32, #tpu.memory_space<hbm>>, %arg4: memref<10240x128xf32, #tpu.memory_space<hbm>>, %arg5: memref<10240x128xf32, #tpu.memory_space<hbm>>, %arg6: memref<2x8x2x128xi32, #tpu.memory_space<vmem>>, %arg7: memref<128x128xf32, #tpu.memory_space<vmem>>, %arg8: memref<128x128xf32, #tpu.memory_space<vmem>>, %arg9: memref<!tpu.dma_semaphore, #tpu.memory_space<semaphore_mem>>, %arg10: memref<!tpu.dma_semaphore, #tpu.memory_space<semaphore_mem>>, %arg11: memref<!tpu.dma_semaphore, #tpu.memory_space<semaphore_mem>>, %arg12: memref<10240x128xf32, #tpu.memory_space<vmem_shared>>) attributes {dimension_semantics = [#tpu.dimension_semantics<core_parallel>, #tpu.dimension_semantics<subcore_parallel>], iteration_bounds = array<i64: 2, 16>, scalar_prefetch = 0 : i64, scratch_operands = 7 : i64, tpu.core_type = #tpu.core_type<sc_vector_subcore>, window_params = [{transform_indices = #map}, {transform_indices = #map1}, {transform_indices = #map}, {transform_indices = #map}]} {
    %eq3A = arith.constant 0 : i32
    %eq3A_0 = arith.cmpi eq, %arg0, %eq3A : i32
    %convert_element_type3A = arith.extui %eq3A_0 : i1 to i32
    %cond3A = arith.constant 0 : i32
    %cond3A_1 = arith.cmpi ne, %convert_element_type3A, %cond3A : i32
    scf.if %cond3A_1 {
      "tpu.trace_start"() <{level = 10 : i32, message = "agg_zeroinit"}> : () -> ()
      %mul3A = arith.constant 640 : i32
      %mul3A_2 = arith.muli %arg1, %mul3A : i32
      %mul3A_3 = arith.constant 640 : i32
      %mul3A_4 = arith.muli %arg1, %mul3A_3 : i32
      "tpu.region"() ({
        %run_scoped3A_47 = tpu.sem_alloc : memref<!tpu.dma_semaphore, #tpu.memory_space<semaphore_mem>>
        %dma_start3A_48 = arith.constant 0 : i32
        %dma_start3A_49 = tpu.memref_slice %arg12[%mul3A_4, %dma_start3A_48] : memref<10240x128xf32, #tpu.memory_space<vmem_shared>> -> memref<640x128xf32, #tpu.memory_space<vmem_shared>>
        %dma_start3A_50 = arith.constant 0 : i32
        %dma_start3A_51 = tpu.memref_slice %arg4[%mul3A_2, %dma_start3A_50] : memref<10240x128xf32, #tpu.memory_space<hbm>> -> memref<640x128xf32, #tpu.memory_space<hbm>>
        tpu.enqueue_dma source(%dma_start3A_51 : memref<640x128xf32, #tpu.memory_space<hbm>>) target(%dma_start3A_49 : memref<640x128xf32, #tpu.memory_space<vmem_shared>>) target_semaphore(%run_scoped3A_47 : memref<!tpu.dma_semaphore, #tpu.memory_space<semaphore_mem>>)
        %dma_wait3A = arith.constant 0 : i32
        %dma_wait3A_52 = tpu.memref_slice %arg12[%mul3A_4, %dma_wait3A] : memref<10240x128xf32, #tpu.memory_space<vmem_shared>> -> memref<640x128xf32, #tpu.memory_space<vmem_shared>>
        %dma_wait3A_53 = arith.constant 0 : i32
        %dma_wait3A_54 = tpu.memref_slice %arg4[%mul3A_2, %dma_wait3A_53] : memref<10240x128xf32, #tpu.memory_space<hbm>> -> memref<640x128xf32, #tpu.memory_space<hbm>>
        tpu.wait_dma2 semaphore(%run_scoped3A_47 : memref<!tpu.dma_semaphore, #tpu.memory_space<semaphore_mem>>) src(%dma_wait3A_54 : memref<640x128xf32, #tpu.memory_space<hbm>>) dst(%dma_wait3A_52 : memref<640x128xf32, #tpu.memory_space<vmem_shared>>)
        tpu.yield
      }) : () -> ()
      %run_scoped3A = arith.constant 0 : i32
      %run_scoped3A_5 = arith.constant 0 : i32
      "tpu.trace_stop"() : () -> ()
      "tpu.trace_start"() <{level = 10 : i32, message = "agg_main"}> : () -> ()
      "tpu.region"() ({
        %run_scoped3A_47 = tpu.sem_alloc : memref<!tpu.dma_semaphore, #tpu.memory_space<semaphore_mem>>
        %dma_start3A_48 = arith.constant 0 : i32
        %dma_start3A_49 = arith.constant 0 : i32
        %dma_start3A_50 = arith.constant 0 : i32
        %dma_start3A_51 = tpu.memref_slice %arg6[%run_scoped3A_5, %dma_start3A_48, %dma_start3A_49, %dma_start3A_50] : memref<2x8x2x128xi32, #tpu.memory_space<vmem>> -> memref<1x8x2x128xi32, #tpu.memory_space<vmem>>
        %dma_start3A_52 = tpu.memref_squeeze %dma_start3A_51 : memref<1x8x2x128xi32, #tpu.memory_space<vmem>> -> memref<8x2x128xi32, #tpu.memory_space<vmem>>
        %dma_start3A_53 = arith.constant 0 : i32
        %dma_start3A_54 = arith.constant 0 : i32
        %dma_start3A_55 = arith.constant 0 : i32
        %dma_start3A_56 = tpu.memref_slice %arg3[%arg1, %run_scoped3A, %dma_start3A_53, %dma_start3A_54, %dma_start3A_55] : memref<16x20x8x2x128xi32, #tpu.memory_space<hbm>> -> memref<1x1x8x2x128xi32, #tpu.memory_space<hbm>>
        %dma_start3A_57 = tpu.memref_squeeze %dma_start3A_56 : memref<1x1x8x2x128xi32, #tpu.memory_space<hbm>> -> memref<8x2x128xi32, #tpu.memory_space<hbm>>
        %dma_start3A_58 = arith.constant 0 : i32
        %dma_start3A_59 = arith.constant 0 : i32
        %dma_start3A_60 = arith.constant 0 : i32
        %dma_start3A_61 = tpu.memref_slice %arg6[%run_scoped3A_5, %dma_start3A_58, %dma_start3A_59, %dma_start3A_60] : memref<2x8x2x128xi32, #tpu.memory_space<vmem>> -> memref<1x8x2x128xi32, #tpu.memory_space<vmem>>
        %dma_start3A_62 = tpu.memref_squeeze %dma_start3A_61 : memref<1x8x2x128xi32, #tpu.memory_space<vmem>> -> memref<8x2x128xi32, #tpu.memory_space<vmem>>
        %dma_start3A_63 = arith.constant 0 : i32
        %dma_start3A_64 = arith.constant 0 : i32
        %dma_start3A_65 = arith.constant 0 : i32
        %dma_start3A_66 = tpu.memref_slice %arg3[%arg1, %run_scoped3A, %dma_start3A_63, %dma_start3A_64, %dma_start3A_65] : memref<16x20x8x2x128xi32, #tpu.memory_space<hbm>> -> memref<1x1x8x2x128xi32, #tpu.memory_space<hbm>>
        %dma_start3A_67 = tpu.memref_squeeze %dma_start3A_66 : memref<1x1x8x2x128xi32, #tpu.memory_space<hbm>> -> memref<8x2x128xi32, #tpu.memory_space<hbm>>
        tpu.enqueue_dma source(%dma_start3A_67 : memref<8x2x128xi32, #tpu.memory_space<hbm>>) target(%dma_start3A_62 : memref<8x2x128xi32, #tpu.memory_space<vmem>>) target_semaphore(%run_scoped3A_47 : memref<!tpu.dma_semaphore, #tpu.memory_space<semaphore_mem>>)
        %dma_wait3A = arith.constant 0 : i32
        %dma_wait3A_68 = arith.constant 0 : i32
        %dma_wait3A_69 = arith.constant 0 : i32
        %dma_wait3A_70 = tpu.memref_slice %arg6[%run_scoped3A_5, %dma_wait3A, %dma_wait3A_68, %dma_wait3A_69] : memref<2x8x2x128xi32, #tpu.memory_space<vmem>> -> memref<1x8x2x128xi32, #tpu.memory_space<vmem>>
        %dma_wait3A_71 = tpu.memref_squeeze %dma_wait3A_70 : memref<1x8x2x128xi32, #tpu.memory_space<vmem>> -> memref<8x2x128xi32, #tpu.memory_space<vmem>>
        %dma_wait3A_72 = arith.constant 0 : i32
        %dma_wait3A_73 = arith.constant 0 : i32
        %dma_wait3A_74 = arith.constant 0 : i32
        %dma_wait3A_75 = tpu.memref_slice %arg3[%arg1, %run_scoped3A, %dma_wait3A_72, %dma_wait3A_73, %dma_wait3A_74] : memref<16x20x8x2x128xi32, #tpu.memory_space<hbm>> -> memref<1x1x8x2x128xi32, #tpu.memory_space<hbm>>
        %dma_wait3A_76 = tpu.memref_squeeze %dma_wait3A_75 : memref<1x1x8x2x128xi32, #tpu.memory_space<hbm>> -> memref<8x2x128xi32, #tpu.memory_space<hbm>>
        %dma_wait3A_77 = arith.constant 0 : i32
        %dma_wait3A_78 = arith.constant 0 : i32
        %dma_wait3A_79 = arith.constant 0 : i32
        %dma_wait3A_80 = tpu.memref_slice %arg6[%run_scoped3A_5, %dma_wait3A_77, %dma_wait3A_78, %dma_wait3A_79] : memref<2x8x2x128xi32, #tpu.memory_space<vmem>> -> memref<1x8x2x128xi32, #tpu.memory_space<vmem>>
        %dma_wait3A_81 = tpu.memref_squeeze %dma_wait3A_80 : memref<1x8x2x128xi32, #tpu.memory_space<vmem>> -> memref<8x2x128xi32, #tpu.memory_space<vmem>>
        %dma_wait3A_82 = arith.constant 0 : i32
        %dma_wait3A_83 = arith.constant 0 : i32
        %dma_wait3A_84 = arith.constant 0 : i32
        %dma_wait3A_85 = tpu.memref_slice %arg3[%arg1, %run_scoped3A, %dma_wait3A_82, %dma_wait3A_83, %dma_wait3A_84] : memref<16x20x8x2x128xi32, #tpu.memory_space<hbm>> -> memref<1x1x8x2x128xi32, #tpu.memory_space<hbm>>
        %dma_wait3A_86 = tpu.memref_squeeze %dma_wait3A_85 : memref<1x1x8x2x128xi32, #tpu.memory_space<hbm>> -> memref<8x2x128xi32, #tpu.memory_space<hbm>>
        tpu.wait_dma2 semaphore(%run_scoped3A_47 : memref<!tpu.dma_semaphore, #tpu.memory_space<semaphore_mem>>) src(%dma_wait3A_86 : memref<8x2x128xi32, #tpu.memory_space<hbm>>) dst(%dma_wait3A_81 : memref<8x2x128xi32, #tpu.memory_space<vmem>>)
        tpu.yield
      }) : () -> ()
      %barrier3A = arith.constant 0 : index
      tpu.barrier barrier_id(%barrier3A)
      %dma_start3A = arith.constant 0 : i32
      %dma_start3A_6 = arith.constant 0 : i32
      %dma_start3A_7 = arith.constant 0 : i32
      %dma_start3A_8 = arith.constant 0 : i32
      %dma_start3A_9 = tpu.memref_slice %arg6[%dma_start3A, %dma_start3A_6, %dma_start3A_7, %dma_start3A_8] : memref<2x8x2x128xi32, #tpu.memory_space<vmem>> -> memref<1x1x1x128xi32, #tpu.memory_space<vmem>>
      %dma_start3A_10 = tpu.memref_squeeze %dma_start3A_9 : memref<1x1x1x128xi32, #tpu.memory_space<vmem>> -> memref<128xi32, #tpu.memory_space<vmem>>
      %dma_start3A_11 = arith.constant 0 : i32
      %dma_start3A_12 = arith.constant 0 : i32
      %dma_start3A_13 = tpu.memref_slice %arg2[%dma_start3A_11, %dma_start3A_12] : memref<10240x128xf32, #tpu.memory_space<hbm>> -> memref<10240x128xf32, #tpu.memory_space<hbm>>
      tpu.enqueue_indirect_dma source(%dma_start3A_13 : memref<10240x128xf32, #tpu.memory_space<hbm>>) target(%arg7 : memref<128x128xf32, #tpu.memory_space<vmem>>) offsets(%dma_start3A_10 : memref<128xi32, #tpu.memory_space<vmem>>) semaphore(%arg10 : memref<!tpu.dma_semaphore, #tpu.memory_space<semaphore_mem>>)
      %dma_start3A_14 = arith.constant 1 : i32
      %dma_start3A_15 = arith.constant 1 : i32
      %dma_start3A_16 = arith.constant 0 : i32
      %dma_start3A_17 = arith.constant 0 : i32
      %dma_start3A_18 = arith.constant 0 : i32
      %dma_start3A_19 = tpu.memref_slice %arg6[%dma_start3A_15, %dma_start3A_16, %dma_start3A_17, %dma_start3A_18] : memref<2x8x2x128xi32, #tpu.memory_space<vmem>> -> memref<1x8x2x128xi32, #tpu.memory_space<vmem>>
      %dma_start3A_20 = tpu.memref_squeeze %dma_start3A_19 : memref<1x8x2x128xi32, #tpu.memory_space<vmem>> -> memref<8x2x128xi32, #tpu.memory_space<vmem>>
      %dma_start3A_21 = arith.constant 0 : i32
      %dma_start3A_22 = arith.constant 0 : i32
      %dma_start3A_23 = arith.constant 0 : i32
      %dma_start3A_24 = tpu.memref_slice %arg3[%arg1, %dma_start3A_14, %dma_start3A_21, %dma_start3A_22, %dma_start3A_23] : memref<16x20x8x2x128xi32, #tpu.memory_space<hbm>> -> memref<1x1x8x2x128xi32, #tpu.memory_space<hbm>>
      %dma_start3A_25 = tpu.memref_squeeze %dma_start3A_24 : memref<1x1x8x2x128xi32, #tpu.memory_space<hbm>> -> memref<8x2x128xi32, #tpu.memory_space<hbm>>
      %dma_start3A_26 = arith.constant 0 : i32
      %dma_start3A_27 = arith.constant 0 : i32
      %dma_start3A_28 = arith.constant 0 : i32
      %dma_start3A_29 = tpu.memref_slice %arg6[%dma_start3A_15, %dma_start3A_26, %dma_start3A_27, %dma_start3A_28] : memref<2x8x2x128xi32, #tpu.memory_space<vmem>> -> memref<1x8x2x128xi32, #tpu.memory_space<vmem>>
      %dma_start3A_30 = tpu.memref_squeeze %dma_start3A_29 : memref<1x8x2x128xi32, #tpu.memory_space<vmem>> -> memref<8x2x128xi32, #tpu.memory_space<vmem>>
      %dma_start3A_31 = arith.constant 0 : i32
      %dma_start3A_32 = arith.constant 0 : i32
      %dma_start3A_33 = arith.constant 0 : i32
      %dma_start3A_34 = tpu.memref_slice %arg3[%arg1, %dma_start3A_14, %dma_start3A_31, %dma_start3A_32, %dma_start3A_33] : memref<16x20x8x2x128xi32, #tpu.memory_space<hbm>> -> memref<1x1x8x2x128xi32, #tpu.memory_space<hbm>>
      %dma_start3A_35 = tpu.memref_squeeze %dma_start3A_34 : memref<1x1x8x2x128xi32, #tpu.memory_space<hbm>> -> memref<8x2x128xi32, #tpu.memory_space<hbm>>
      tpu.enqueue_dma source(%dma_start3A_35 : memref<8x2x128xi32, #tpu.memory_space<hbm>>) target(%dma_start3A_30 : memref<8x2x128xi32, #tpu.memory_space<vmem>>) target_semaphore(%arg9 : memref<!tpu.dma_semaphore, #tpu.memory_space<semaphore_mem>>)
      %scan3A = arith.constant 0 : i32
      %scan3A_36 = arith.constant 0 : i32
      %scan3A_37 = arith.constant 20 : i32
      %scan3A_38 = arith.addi %scan3A_36, %scan3A_37 : i32
      %scan3A_39 = arith.constant 1 : i32
      %scan3A_40 = scf.for %scan3A_47 = %scan3A_36 to %scan3A_38 step %scan3A_39 iter_args(%scan3A_48 = %scan3A) -> (i32)  : i32 {
        %jit3A = arith.constant 2 : i32
        %eq3A_49 = arith.constant 0 : i32
        %eq3A_50 = arith.cmpi eq, %jit3A, %eq3A_49 : i32
        %jit3A_51 = arith.constant 1 : i32
        %select_n3A = arith.select %eq3A_50, %jit3A_51, %jit3A : i32
        %rem3A = arith.remsi %scan3A_47, %select_n3A : i32
        %ne3A = arith.constant 0 : i32
        %ne3A_52 = arith.cmpi ne, %rem3A, %ne3A : i32
        %lt3A = arith.constant 0 : i32
        %lt3A_53 = arith.cmpi slt, %rem3A, %lt3A : i32
        %lt3A_54 = arith.constant 0 : i32
        %lt3A_55 = arith.cmpi slt, %select_n3A, %lt3A_54 : i32
        %ne3A_56 = arith.xori %lt3A_53, %lt3A_55 : i1
        %and3A = arith.andi %ne3A_56, %ne3A_52 : i1
        %add3A = arith.addi %rem3A, %select_n3A : i32
        %select_n3A_57 = arith.select %and3A, %add3A, %rem3A : i32
        %dma_start3A_58 = arith.constant 1 : i32
        %dma_start3A_59 = arith.constant 0 : i32
        %dma_start3A_60 = arith.constant 0 : i32
        %dma_start3A_61 = tpu.memref_slice %arg6[%select_n3A_57, %dma_start3A_58, %dma_start3A_59, %dma_start3A_60] : memref<2x8x2x128xi32, #tpu.memory_space<vmem>> -> memref<1x1x1x128xi32, #tpu.memory_space<vmem>>
        %dma_start3A_62 = tpu.memref_squeeze %dma_start3A_61 : memref<1x1x1x128xi32, #tpu.memory_space<vmem>> -> memref<128xi32, #tpu.memory_space<vmem>>
        %dma_start3A_63 = arith.constant 0 : i32
        %dma_start3A_64 = arith.constant 0 : i32
        %dma_start3A_65 = tpu.memref_slice %arg2[%dma_start3A_63, %dma_start3A_64] : memref<10240x128xf32, #tpu.memory_space<hbm>> -> memref<10240x128xf32, #tpu.memory_space<hbm>>
        tpu.enqueue_indirect_dma source(%dma_start3A_65 : memref<10240x128xf32, #tpu.memory_space<hbm>>) target(%arg8 : memref<128x128xf32, #tpu.memory_space<vmem>>) offsets(%dma_start3A_62 : memref<128xi32, #tpu.memory_space<vmem>>) semaphore(%arg11 : memref<!tpu.dma_semaphore, #tpu.memory_space<semaphore_mem>>)
        %dma_wait3A = arith.constant 0 : i32
        %dma_wait3A_66 = arith.constant 0 : i32
        %dma_wait3A_67 = arith.constant 0 : i32
        %dma_wait3A_68 = tpu.memref_slice %arg6[%select_n3A_57, %dma_wait3A, %dma_wait3A_66, %dma_wait3A_67] : memref<2x8x2x128xi32, #tpu.memory_space<vmem>> -> memref<1x1x1x128xi32, #tpu.memory_space<vmem>>
        %dma_wait3A_69 = tpu.memref_squeeze %dma_wait3A_68 : memref<1x1x1x128xi32, #tpu.memory_space<vmem>> -> memref<128xi32, #tpu.memory_space<vmem>>
        %dma_wait3A_70 = arith.constant 0 : i32
        %dma_wait3A_71 = arith.constant 0 : i32
        %dma_wait3A_72 = tpu.memref_slice %arg2[%dma_wait3A_70, %dma_wait3A_71] : memref<10240x128xf32, #tpu.memory_space<hbm>> -> memref<10240x128xf32, #tpu.memory_space<hbm>>
        tpu.wait_indirect_dma semaphore(%arg10 : memref<!tpu.dma_semaphore, #tpu.memory_space<semaphore_mem>>) src(%dma_wait3A_72 : memref<10240x128xf32, #tpu.memory_space<hbm>>) dst(%arg7 : memref<128x128xf32, #tpu.memory_space<vmem>>)
        %run_scoped3A_73 = arith.constant 0 : i32
        %run_scoped3A_74 = arith.constant 1 : i32
        "tpu.region"() ({
          %run_scoped3A_204 = tpu.sem_alloc : memref<!tpu.dma_semaphore, #tpu.memory_space<semaphore_mem>>
          %dma_start3A_205 = arith.constant 0 : i32
          %dma_start3A_206 = tpu.memref_slice %arg6[%select_n3A_57, %run_scoped3A_73, %run_scoped3A_74, %dma_start3A_205] : memref<2x8x2x128xi32, #tpu.memory_space<vmem>> -> memref<1x1x1x128xi32, #tpu.memory_space<vmem>>
          %dma_start3A_207 = tpu.memref_squeeze %dma_start3A_206 : memref<1x1x1x128xi32, #tpu.memory_space<vmem>> -> memref<128xi32, #tpu.memory_space<vmem>>
          %dma_start3A_208 = arith.constant 0 : i32
          %dma_start3A_209 = arith.constant 0 : i32
          %dma_start3A_210 = tpu.memref_slice %arg12[%dma_start3A_208, %dma_start3A_209] : memref<10240x128xf32, #tpu.memory_space<vmem_shared>> -> memref<10240x128xf32, #tpu.memory_space<vmem_shared>>
          tpu.enqueue_indirect_dma source(%arg7 : memref<128x128xf32, #tpu.memory_space<vmem>>) target(%dma_start3A_210 : memref<10240x128xf32, #tpu.memory_space<vmem_shared>>) offsets(%dma_start3A_207 : memref<128xi32, #tpu.memory_space<vmem>>) semaphore(%run_scoped3A_204 : memref<!tpu.dma_semaphore, #tpu.memory_space<semaphore_mem>>) {add = true}
          %dma_wait3A_211 = arith.constant 0 : i32
          %dma_wait3A_212 = tpu.memref_slice %arg6[%select_n3A_57, %run_scoped3A_73, %run_scoped3A_74, %dma_wait3A_211] : memref<2x8x2x128xi32, #tpu.memory_space<vmem>> -> memref<1x1x1x128xi32, #tpu.memory_space<vmem>>
          %dma_wait3A_213 = tpu.memref_squeeze %dma_wait3A_212 : memref<1x1x1x128xi32, #tpu.memory_space<vmem>> -> memref<128xi32, #tpu.memory_space<vmem>>
          %dma_wait3A_214 = arith.constant 0 : i32
          %dma_wait3A_215 = arith.constant 0 : i32
          %dma_wait3A_216 = tpu.memref_slice %arg12[%dma_wait3A_214, %dma_wait3A_215] : memref<10240x128xf32, #tpu.memory_space<vmem_shared>> -> memref<10240x128xf32, #tpu.memory_space<vmem_shared>>
          tpu.wait_indirect_dma semaphore(%run_scoped3A_204 : memref<!tpu.dma_semaphore, #tpu.memory_space<semaphore_mem>>) src(%arg7 : memref<128x128xf32, #tpu.memory_space<vmem>>) dst(%dma_wait3A_216 : memref<10240x128xf32, #tpu.memory_space<vmem_shared>>)
          tpu.yield
        }) : () -> ()
        %dma_start3A_75 = arith.constant 2 : i32
        %dma_start3A_76 = arith.constant 0 : i32
        %dma_start3A_77 = arith.constant 0 : i32
        %dma_start3A_78 = tpu.memref_slice %arg6[%select_n3A_57, %dma_start3A_75, %dma_start3A_76, %dma_start3A_77] : memref<2x8x2x128xi32, #tpu.memory_space<vmem>> -> memref<1x1x1x128xi32, #tpu.memory_space<vmem>>
        %dma_start3A_79 = tpu.memref_squeeze %dma_start3A_78 : memref<1x1x1x128xi32, #tpu.memory_space<vmem>> -> memref<128xi32, #tpu.memory_space<vmem>>
        %dma_start3A_80 = arith.constant 0 : i32
        %dma_start3A_81 = arith.constant 0 : i32
        %dma_start3A_82 = tpu.memref_slice %arg2[%dma_start3A_80, %dma_start3A_81] : memref<10240x128xf32, #tpu.memory_space<hbm>> -> memref<10240x128xf32, #tpu.memory_space<hbm>>
        tpu.enqueue_indirect_dma source(%dma_start3A_82 : memref<10240x128xf32, #tpu.memory_space<hbm>>) target(%arg7 : memref<128x128xf32, #tpu.memory_space<vmem>>) offsets(%dma_start3A_79 : memref<128xi32, #tpu.memory_space<vmem>>) semaphore(%arg10 : memref<!tpu.dma_semaphore, #tpu.memory_space<semaphore_mem>>)
        %dma_wait3A_83 = arith.constant 1 : i32
        %dma_wait3A_84 = arith.constant 0 : i32
        %dma_wait3A_85 = arith.constant 0 : i32
        %dma_wait3A_86 = tpu.memref_slice %arg6[%select_n3A_57, %dma_wait3A_83, %dma_wait3A_84, %dma_wait3A_85] : memref<2x8x2x128xi32, #tpu.memory_space<vmem>> -> memref<1x1x1x128xi32, #tpu.memory_space<vmem>>
        %dma_wait3A_87 = tpu.memref_squeeze %dma_wait3A_86 : memref<1x1x1x128xi32, #tpu.memory_space<vmem>> -> memref<128xi32, #tpu.memory_space<vmem>>
        %dma_wait3A_88 = arith.constant 0 : i32
        %dma_wait3A_89 = arith.constant 0 : i32
        %dma_wait3A_90 = tpu.memref_slice %arg2[%dma_wait3A_88, %dma_wait3A_89] : memref<10240x128xf32, #tpu.memory_space<hbm>> -> memref<10240x128xf32, #tpu.memory_space<hbm>>
        tpu.wait_indirect_dma semaphore(%arg11 : memref<!tpu.dma_semaphore, #tpu.memory_space<semaphore_mem>>) src(%dma_wait3A_90 : memref<10240x128xf32, #tpu.memory_space<hbm>>) dst(%arg8 : memref<128x128xf32, #tpu.memory_space<vmem>>)
        %run_scoped3A_91 = arith.constant 1 : i32
        %run_scoped3A_92 = arith.constant 1 : i32
        "tpu.region"() ({
          %run_scoped3A_204 = tpu.sem_alloc : memref<!tpu.dma_semaphore, #tpu.memory_space<semaphore_mem>>
          %dma_start3A_205 = arith.constant 0 : i32
          %dma_start3A_206 = tpu.memref_slice %arg6[%select_n3A_57, %run_scoped3A_91, %run_scoped3A_92, %dma_start3A_205] : memref<2x8x2x128xi32, #tpu.memory_space<vmem>> -> memref<1x1x1x128xi32, #tpu.memory_space<vmem>>
          %dma_start3A_207 = tpu.memref_squeeze %dma_start3A_206 : memref<1x1x1x128xi32, #tpu.memory_space<vmem>> -> memref<128xi32, #tpu.memory_space<vmem>>
          %dma_start3A_208 = arith.constant 0 : i32
          %dma_start3A_209 = arith.constant 0 : i32
          %dma_start3A_210 = tpu.memref_slice %arg12[%dma_start3A_208, %dma_start3A_209] : memref<10240x128xf32, #tpu.memory_space<vmem_shared>> -> memref<10240x128xf32, #tpu.memory_space<vmem_shared>>
          tpu.enqueue_indirect_dma source(%arg8 : memref<128x128xf32, #tpu.memory_space<vmem>>) target(%dma_start3A_210 : memref<10240x128xf32, #tpu.memory_space<vmem_shared>>) offsets(%dma_start3A_207 : memref<128xi32, #tpu.memory_space<vmem>>) semaphore(%run_scoped3A_204 : memref<!tpu.dma_semaphore, #tpu.memory_space<semaphore_mem>>) {add = true}
          %dma_wait3A_211 = arith.constant 0 : i32
          %dma_wait3A_212 = tpu.memref_slice %arg6[%select_n3A_57, %run_scoped3A_91, %run_scoped3A_92, %dma_wait3A_211] : memref<2x8x2x128xi32, #tpu.memory_space<vmem>> -> memref<1x1x1x128xi32, #tpu.memory_space<vmem>>
          %dma_wait3A_213 = tpu.memref_squeeze %dma_wait3A_212 : memref<1x1x1x128xi32, #tpu.memory_space<vmem>> -> memref<128xi32, #tpu.memory_space<vmem>>
          %dma_wait3A_214 = arith.constant 0 : i32
          %dma_wait3A_215 = arith.constant 0 : i32
          %dma_wait3A_216 = tpu.memref_slice %arg12[%dma_wait3A_214, %dma_wait3A_215] : memref<10240x128xf32, #tpu.memory_space<vmem_shared>> -> memref<10240x128xf32, #tpu.memory_space<vmem_shared>>
          tpu.wait_indirect_dma semaphore(%run_scoped3A_204 : memref<!tpu.dma_semaphore, #tpu.memory_space<semaphore_mem>>) src(%arg8 : memref<128x128xf32, #tpu.memory_space<vmem>>) dst(%dma_wait3A_216 : memref<10240x128xf32, #tpu.memory_space<vmem_shared>>)
          tpu.yield
        }) : () -> ()
        %dma_start3A_93 = arith.constant 3 : i32
        %dma_start3A_94 = arith.constant 0 : i32
        %dma_start3A_95 = arith.constant 0 : i32
        %dma_start3A_96 = tpu.memref_slice %arg6[%select_n3A_57, %dma_start3A_93, %dma_start3A_94, %dma_start3A_95] : memref<2x8x2x128xi32, #tpu.memory_space<vmem>> -> memref<1x1x1x128xi32, #tpu.memory_space<vmem>>
        %dma_start3A_97 = tpu.memref_squeeze %dma_start3A_96 : memref<1x1x1x128xi32, #tpu.memory_space<vmem>> -> memref<128xi32, #tpu.memory_space<vmem>>
        %dma_start3A_98 = arith.constant 0 : i32
        %dma_start3A_99 = arith.constant 0 : i32
        %dma_start3A_100 = tpu.memref_slice %arg2[%dma_start3A_98, %dma_start3A_99] : memref<10240x128xf32, #tpu.memory_space<hbm>> -> memref<10240x128xf32, #tpu.memory_space<hbm>>
        tpu.enqueue_indirect_dma source(%dma_start3A_100 : memref<10240x128xf32, #tpu.memory_space<hbm>>) target(%arg8 : memref<128x128xf32, #tpu.memory_space<vmem>>) offsets(%dma_start3A_97 : memref<128xi32, #tpu.memory_space<vmem>>) semaphore(%arg11 : memref<!tpu.dma_semaphore, #tpu.memory_space<semaphore_mem>>)
        %dma_wait3A_101 = arith.constant 2 : i32
        %dma_wait3A_102 = arith.constant 0 : i32
        %dma_wait3A_103 = arith.constant 0 : i32
        %dma_wait3A_104 = tpu.memref_slice %arg6[%select_n3A_57, %dma_wait3A_101, %dma_wait3A_102, %dma_wait3A_103] : memref<2x8x2x128xi32, #tpu.memory_space<vmem>> -> memref<1x1x1x128xi32, #tpu.memory_space<vmem>>
        %dma_wait3A_105 = tpu.memref_squeeze %dma_wait3A_104 : memref<1x1x1x128xi32, #tpu.memory_space<vmem>> -> memref<128xi32, #tpu.memory_space<vmem>>
        %dma_wait3A_106 = arith.constant 0 : i32
        %dma_wait3A_107 = arith.constant 0 : i32
        %dma_wait3A_108 = tpu.memref_slice %arg2[%dma_wait3A_106, %dma_wait3A_107] : memref<10240x128xf32, #tpu.memory_space<hbm>> -> memref<10240x128xf32, #tpu.memory_space<hbm>>
        tpu.wait_indirect_dma semaphore(%arg10 : memref<!tpu.dma_semaphore, #tpu.memory_space<semaphore_mem>>) src(%dma_wait3A_108 : memref<10240x128xf32, #tpu.memory_space<hbm>>) dst(%arg7 : memref<128x128xf32, #tpu.memory_space<vmem>>)
        %run_scoped3A_109 = arith.constant 2 : i32
        %run_scoped3A_110 = arith.constant 1 : i32
        "tpu.region"() ({
          %run_scoped3A_204 = tpu.sem_alloc : memref<!tpu.dma_semaphore, #tpu.memory_space<semaphore_mem>>
          %dma_start3A_205 = arith.constant 0 : i32
          %dma_start3A_206 = tpu.memref_slice %arg6[%select_n3A_57, %run_scoped3A_109, %run_scoped3A_110, %dma_start3A_205] : memref<2x8x2x128xi32, #tpu.memory_space<vmem>> -> memref<1x1x1x128xi32, #tpu.memory_space<vmem>>
          %dma_start3A_207 = tpu.memref_squeeze %dma_start3A_206 : memref<1x1x1x128xi32, #tpu.memory_space<vmem>> -> memref<128xi32, #tpu.memory_space<vmem>>
          %dma_start3A_208 = arith.constant 0 : i32
          %dma_start3A_209 = arith.constant 0 : i32
          %dma_start3A_210 = tpu.memref_slice %arg12[%dma_start3A_208, %dma_start3A_209] : memref<10240x128xf32, #tpu.memory_space<vmem_shared>> -> memref<10240x128xf32, #tpu.memory_space<vmem_shared>>
          tpu.enqueue_indirect_dma source(%arg7 : memref<128x128xf32, #tpu.memory_space<vmem>>) target(%dma_start3A_210 : memref<10240x128xf32, #tpu.memory_space<vmem_shared>>) offsets(%dma_start3A_207 : memref<128xi32, #tpu.memory_space<vmem>>) semaphore(%run_scoped3A_204 : memref<!tpu.dma_semaphore, #tpu.memory_space<semaphore_mem>>) {add = true}
          %dma_wait3A_211 = arith.constant 0 : i32
          %dma_wait3A_212 = tpu.memref_slice %arg6[%select_n3A_57, %run_scoped3A_109, %run_scoped3A_110, %dma_wait3A_211] : memref<2x8x2x128xi32, #tpu.memory_space<vmem>> -> memref<1x1x1x128xi32, #tpu.memory_space<vmem>>
          %dma_wait3A_213 = tpu.memref_squeeze %dma_wait3A_212 : memref<1x1x1x128xi32, #tpu.memory_space<vmem>> -> memref<128xi32, #tpu.memory_space<vmem>>
          %dma_wait3A_214 = arith.constant 0 : i32
          %dma_wait3A_215 = arith.constant 0 : i32
          %dma_wait3A_216 = tpu.memref_slice %arg12[%dma_wait3A_214, %dma_wait3A_215] : memref<10240x128xf32, #tpu.memory_space<vmem_shared>> -> memref<10240x128xf32, #tpu.memory_space<vmem_shared>>
          tpu.wait_indirect_dma semaphore(%run_scoped3A_204 : memref<!tpu.dma_semaphore, #tpu.memory_space<semaphore_mem>>) src(%arg7 : memref<128x128xf32, #tpu.memory_space<vmem>>) dst(%dma_wait3A_216 : memref<10240x128xf32, #tpu.memory_space<vmem_shared>>)
          tpu.yield
        }) : () -> ()
        %dma_start3A_111 = arith.constant 4 : i32
        %dma_start3A_112 = arith.constant 0 : i32
        %dma_start3A_113 = arith.constant 0 : i32
        %dma_start3A_114 = tpu.memref_slice %arg6[%select_n3A_57, %dma_start3A_111, %dma_start3A_112, %dma_start3A_113] : memref<2x8x2x128xi32, #tpu.memory_space<vmem>> -> memref<1x1x1x128xi32, #tpu.memory_space<vmem>>
        %dma_start3A_115 = tpu.memref_squeeze %dma_start3A_114 : memref<1x1x1x128xi32, #tpu.memory_space<vmem>> -> memref<128xi32, #tpu.memory_space<vmem>>
        %dma_start3A_116 = arith.constant 0 : i32
        %dma_start3A_117 = arith.constant 0 : i32
        %dma_start3A_118 = tpu.memref_slice %arg2[%dma_start3A_116, %dma_start3A_117] : memref<10240x128xf32, #tpu.memory_space<hbm>> -> memref<10240x128xf32, #tpu.memory_space<hbm>>
        tpu.enqueue_indirect_dma source(%dma_start3A_118 : memref<10240x128xf32, #tpu.memory_space<hbm>>) target(%arg7 : memref<128x128xf32, #tpu.memory_space<vmem>>) offsets(%dma_start3A_115 : memref<128xi32, #tpu.memory_space<vmem>>) semaphore(%arg10 : memref<!tpu.dma_semaphore, #tpu.memory_space<semaphore_mem>>)
        %dma_wait3A_119 = arith.constant 3 : i32
        %dma_wait3A_120 = arith.constant 0 : i32
        %dma_wait3A_121 = arith.constant 0 : i32
        %dma_wait3A_122 = tpu.memref_slice %arg6[%select_n3A_57, %dma_wait3A_119, %dma_wait3A_120, %dma_wait3A_121] : memref<2x8x2x128xi32, #tpu.memory_space<vmem>> -> memref<1x1x1x128xi32, #tpu.memory_space<vmem>>
        %dma_wait3A_123 = tpu.memref_squeeze %dma_wait3A_122 : memref<1x1x1x128xi32, #tpu.memory_space<vmem>> -> memref<128xi32, #tpu.memory_space<vmem>>
        %dma_wait3A_124 = arith.constant 0 : i32
        %dma_wait3A_125 = arith.constant 0 : i32
        %dma_wait3A_126 = tpu.memref_slice %arg2[%dma_wait3A_124, %dma_wait3A_125] : memref<10240x128xf32, #tpu.memory_space<hbm>> -> memref<10240x128xf32, #tpu.memory_space<hbm>>
        tpu.wait_indirect_dma semaphore(%arg11 : memref<!tpu.dma_semaphore, #tpu.memory_space<semaphore_mem>>) src(%dma_wait3A_126 : memref<10240x128xf32, #tpu.memory_space<hbm>>) dst(%arg8 : memref<128x128xf32, #tpu.memory_space<vmem>>)
        %run_scoped3A_127 = arith.constant 3 : i32
        %run_scoped3A_128 = arith.constant 1 : i32
        "tpu.region"() ({
          %run_scoped3A_204 = tpu.sem_alloc : memref<!tpu.dma_semaphore, #tpu.memory_space<semaphore_mem>>
          %dma_start3A_205 = arith.constant 0 : i32
          %dma_start3A_206 = tpu.memref_slice %arg6[%select_n3A_57, %run_scoped3A_127, %run_scoped3A_128, %dma_start3A_205] : memref<2x8x2x128xi32, #tpu.memory_space<vmem>> -> memref<1x1x1x128xi32, #tpu.memory_space<vmem>>
          %dma_start3A_207 = tpu.memref_squeeze %dma_start3A_206 : memref<1x1x1x128xi32, #tpu.memory_space<vmem>> -> memref<128xi32, #tpu.memory_space<vmem>>
          %dma_start3A_208 = arith.constant 0 : i32
          %dma_start3A_209 = arith.constant 0 : i32
          %dma_start3A_210 = tpu.memref_slice %arg12[%dma_start3A_208, %dma_start3A_209] : memref<10240x128xf32, #tpu.memory_space<vmem_shared>> -> memref<10240x128xf32, #tpu.memory_space<vmem_shared>>
          tpu.enqueue_indirect_dma source(%arg8 : memref<128x128xf32, #tpu.memory_space<vmem>>) target(%dma_start3A_210 : memref<10240x128xf32, #tpu.memory_space<vmem_shared>>) offsets(%dma_start3A_207 : memref<128xi32, #tpu.memory_space<vmem>>) semaphore(%run_scoped3A_204 : memref<!tpu.dma_semaphore, #tpu.memory_space<semaphore_mem>>) {add = true}
          %dma_wait3A_211 = arith.constant 0 : i32
          %dma_wait3A_212 = tpu.memref_slice %arg6[%select_n3A_57, %run_scoped3A_127, %run_scoped3A_128, %dma_wait3A_211] : memref<2x8x2x128xi32, #tpu.memory_space<vmem>> -> memref<1x1x1x128xi32, #tpu.memory_space<vmem>>
          %dma_wait3A_213 = tpu.memref_squeeze %dma_wait3A_212 : memref<1x1x1x128xi32, #tpu.memory_space<vmem>> -> memref<128xi32, #tpu.memory_space<vmem>>
          %dma_wait3A_214 = arith.constant 0 : i32
          %dma_wait3A_215 = arith.constant 0 : i32
          %dma_wait3A_216 = tpu.memref_slice %arg12[%dma_wait3A_214, %dma_wait3A_215] : memref<10240x128xf32, #tpu.memory_space<vmem_shared>> -> memref<10240x128xf32, #tpu.memory_space<vmem_shared>>
          tpu.wait_indirect_dma semaphore(%run_scoped3A_204 : memref<!tpu.dma_semaphore, #tpu.memory_space<semaphore_mem>>) src(%arg8 : memref<128x128xf32, #tpu.memory_space<vmem>>) dst(%dma_wait3A_216 : memref<10240x128xf32, #tpu.memory_space<vmem_shared>>)
          tpu.yield
        }) : () -> ()
        %dma_start3A_129 = arith.constant 5 : i32
        %dma_start3A_130 = arith.constant 0 : i32
        %dma_start3A_131 = arith.constant 0 : i32
        %dma_start3A_132 = tpu.memref_slice %arg6[%select_n3A_57, %dma_start3A_129, %dma_start3A_130, %dma_start3A_131] : memref<2x8x2x128xi32, #tpu.memory_space<vmem>> -> memref<1x1x1x128xi32, #tpu.memory_space<vmem>>
        %dma_start3A_133 = tpu.memref_squeeze %dma_start3A_132 : memref<1x1x1x128xi32, #tpu.memory_space<vmem>> -> memref<128xi32, #tpu.memory_space<vmem>>
        %dma_start3A_134 = arith.constant 0 : i32
        %dma_start3A_135 = arith.constant 0 : i32
        %dma_start3A_136 = tpu.memref_slice %arg2[%dma_start3A_134, %dma_start3A_135] : memref<10240x128xf32, #tpu.memory_space<hbm>> -> memref<10240x128xf32, #tpu.memory_space<hbm>>
        tpu.enqueue_indirect_dma source(%dma_start3A_136 : memref<10240x128xf32, #tpu.memory_space<hbm>>) target(%arg8 : memref<128x128xf32, #tpu.memory_space<vmem>>) offsets(%dma_start3A_133 : memref<128xi32, #tpu.memory_space<vmem>>) semaphore(%arg11 : memref<!tpu.dma_semaphore, #tpu.memory_space<semaphore_mem>>)
        %dma_wait3A_137 = arith.constant 4 : i32
        %dma_wait3A_138 = arith.constant 0 : i32
        %dma_wait3A_139 = arith.constant 0 : i32
        %dma_wait3A_140 = tpu.memref_slice %arg6[%select_n3A_57, %dma_wait3A_137, %dma_wait3A_138, %dma_wait3A_139] : memref<2x8x2x128xi32, #tpu.memory_space<vmem>> -> memref<1x1x1x128xi32, #tpu.memory_space<vmem>>
        %dma_wait3A_141 = tpu.memref_squeeze %dma_wait3A_140 : memref<1x1x1x128xi32, #tpu.memory_space<vmem>> -> memref<128xi32, #tpu.memory_space<vmem>>
        %dma_wait3A_142 = arith.constant 0 : i32
        %dma_wait3A_143 = arith.constant 0 : i32
        %dma_wait3A_144 = tpu.memref_slice %arg2[%dma_wait3A_142, %dma_wait3A_143] : memref<10240x128xf32, #tpu.memory_space<hbm>> -> memref<10240x128xf32, #tpu.memory_space<hbm>>
        tpu.wait_indirect_dma semaphore(%arg10 : memref<!tpu.dma_semaphore, #tpu.memory_space<semaphore_mem>>) src(%dma_wait3A_144 : memref<10240x128xf32, #tpu.memory_space<hbm>>) dst(%arg7 : memref<128x128xf32, #tpu.memory_space<vmem>>)
        %run_scoped3A_145 = arith.constant 4 : i32
        %run_scoped3A_146 = arith.constant 1 : i32
        "tpu.region"() ({
          %run_scoped3A_204 = tpu.sem_alloc : memref<!tpu.dma_semaphore, #tpu.memory_space<semaphore_mem>>
          %dma_start3A_205 = arith.constant 0 : i32
          %dma_start3A_206 = tpu.memref_slice %arg6[%select_n3A_57, %run_scoped3A_145, %run_scoped3A_146, %dma_start3A_205] : memref<2x8x2x128xi32, #tpu.memory_space<vmem>> -> memref<1x1x1x128xi32, #tpu.memory_space<vmem>>
          %dma_start3A_207 = tpu.memref_squeeze %dma_start3A_206 : memref<1x1x1x128xi32, #tpu.memory_space<vmem>> -> memref<128xi32, #tpu.memory_space<vmem>>
          %dma_start3A_208 = arith.constant 0 : i32
          %dma_start3A_209 = arith.constant 0 : i32
          %dma_start3A_210 = tpu.memref_slice %arg12[%dma_start3A_208, %dma_start3A_209] : memref<10240x128xf32, #tpu.memory_space<vmem_shared>> -> memref<10240x128xf32, #tpu.memory_space<vmem_shared>>
          tpu.enqueue_indirect_dma source(%arg7 : memref<128x128xf32, #tpu.memory_space<vmem>>) target(%dma_start3A_210 : memref<10240x128xf32, #tpu.memory_space<vmem_shared>>) offsets(%dma_start3A_207 : memref<128xi32, #tpu.memory_space<vmem>>) semaphore(%run_scoped3A_204 : memref<!tpu.dma_semaphore, #tpu.memory_space<semaphore_mem>>) {add = true}
          %dma_wait3A_211 = arith.constant 0 : i32
          %dma_wait3A_212 = tpu.memref_slice %arg6[%select_n3A_57, %run_scoped3A_145, %run_scoped3A_146, %dma_wait3A_211] : memref<2x8x2x128xi32, #tpu.memory_space<vmem>> -> memref<1x1x1x128xi32, #tpu.memory_space<vmem>>
          %dma_wait3A_213 = tpu.memref_squeeze %dma_wait3A_212 : memref<1x1x1x128xi32, #tpu.memory_space<vmem>> -> memref<128xi32, #tpu.memory_space<vmem>>
          %dma_wait3A_214 = arith.constant 0 : i32
          %dma_wait3A_215 = arith.constant 0 : i32
          %dma_wait3A_216 = tpu.memref_slice %arg12[%dma_wait3A_214, %dma_wait3A_215] : memref<10240x128xf32, #tpu.memory_space<vmem_shared>> -> memref<10240x128xf32, #tpu.memory_space<vmem_shared>>
          tpu.wait_indirect_dma semaphore(%run_scoped3A_204 : memref<!tpu.dma_semaphore, #tpu.memory_space<semaphore_mem>>) src(%arg7 : memref<128x128xf32, #tpu.memory_space<vmem>>) dst(%dma_wait3A_216 : memref<10240x128xf32, #tpu.memory_space<vmem_shared>>)
          tpu.yield
        }) : () -> ()
        %dma_start3A_147 = arith.constant 6 : i32
        %dma_start3A_148 = arith.constant 0 : i32
        %dma_start3A_149 = arith.constant 0 : i32
        %dma_start3A_150 = tpu.memref_slice %arg6[%select_n3A_57, %dma_start3A_147, %dma_start3A_148, %dma_start3A_149] : memref<2x8x2x128xi32, #tpu.memory_space<vmem>> -> memref<1x1x1x128xi32, #tpu.memory_space<vmem>>
        %dma_start3A_151 = tpu.memref_squeeze %dma_start3A_150 : memref<1x1x1x128xi32, #tpu.memory_space<vmem>> -> memref<128xi32, #tpu.memory_space<vmem>>
        %dma_start3A_152 = arith.constant 0 : i32
        %dma_start3A_153 = arith.constant 0 : i32
        %dma_start3A_154 = tpu.memref_slice %arg2[%dma_start3A_152, %dma_start3A_153] : memref<10240x128xf32, #tpu.memory_space<hbm>> -> memref<10240x128xf32, #tpu.memory_space<hbm>>
        tpu.enqueue_indirect_dma source(%dma_start3A_154 : memref<10240x128xf32, #tpu.memory_space<hbm>>) target(%arg7 : memref<128x128xf32, #tpu.memory_space<vmem>>) offsets(%dma_start3A_151 : memref<128xi32, #tpu.memory_space<vmem>>) semaphore(%arg10 : memref<!tpu.dma_semaphore, #tpu.memory_space<semaphore_mem>>)
        %dma_wait3A_155 = arith.constant 5 : i32
        %dma_wait3A_156 = arith.constant 0 : i32
        %dma_wait3A_157 = arith.constant 0 : i32
        %dma_wait3A_158 = tpu.memref_slice %arg6[%select_n3A_57, %dma_wait3A_155, %dma_wait3A_156, %dma_wait3A_157] : memref<2x8x2x128xi32, #tpu.memory_space<vmem>> -> memref<1x1x1x128xi32, #tpu.memory_space<vmem>>
        %dma_wait3A_159 = tpu.memref_squeeze %dma_wait3A_158 : memref<1x1x1x128xi32, #tpu.memory_space<vmem>> -> memref<128xi32, #tpu.memory_space<vmem>>
        %dma_wait3A_160 = arith.constant 0 : i32
        %dma_wait3A_161 = arith.constant 0 : i32
        %dma_wait3A_162 = tpu.memref_slice %arg2[%dma_wait3A_160, %dma_wait3A_161] : memref<10240x128xf32, #tpu.memory_space<hbm>> -> memref<10240x128xf32, #tpu.memory_space<hbm>>
        tpu.wait_indirect_dma semaphore(%arg11 : memref<!tpu.dma_semaphore, #tpu.memory_space<semaphore_mem>>) src(%dma_wait3A_162 : memref<10240x128xf32, #tpu.memory_space<hbm>>) dst(%arg8 : memref<128x128xf32, #tpu.memory_space<vmem>>)
        %run_scoped3A_163 = arith.constant 5 : i32
        %run_scoped3A_164 = arith.constant 1 : i32
        "tpu.region"() ({
          %run_scoped3A_204 = tpu.sem_alloc : memref<!tpu.dma_semaphore, #tpu.memory_space<semaphore_mem>>
          %dma_start3A_205 = arith.constant 0 : i32
          %dma_start3A_206 = tpu.memref_slice %arg6[%select_n3A_57, %run_scoped3A_163, %run_scoped3A_164, %dma_start3A_205] : memref<2x8x2x128xi32, #tpu.memory_space<vmem>> -> memref<1x1x1x128xi32, #tpu.memory_space<vmem>>
          %dma_start3A_207 = tpu.memref_squeeze %dma_start3A_206 : memref<1x1x1x128xi32, #tpu.memory_space<vmem>> -> memref<128xi32, #tpu.memory_space<vmem>>
          %dma_start3A_208 = arith.constant 0 : i32
          %dma_start3A_209 = arith.constant 0 : i32
          %dma_start3A_210 = tpu.memref_slice %arg12[%dma_start3A_208, %dma_start3A_209] : memref<10240x128xf32, #tpu.memory_space<vmem_shared>> -> memref<10240x128xf32, #tpu.memory_space<vmem_shared>>
          tpu.enqueue_indirect_dma source(%arg8 : memref<128x128xf32, #tpu.memory_space<vmem>>) target(%dma_start3A_210 : memref<10240x128xf32, #tpu.memory_space<vmem_shared>>) offsets(%dma_start3A_207 : memref<128xi32, #tpu.memory_space<vmem>>) semaphore(%run_scoped3A_204 : memref<!tpu.dma_semaphore, #tpu.memory_space<semaphore_mem>>) {add = true}
          %dma_wait3A_211 = arith.constant 0 : i32
          %dma_wait3A_212 = tpu.memref_slice %arg6[%select_n3A_57, %run_scoped3A_163, %run_scoped3A_164, %dma_wait3A_211] : memref<2x8x2x128xi32, #tpu.memory_space<vmem>> -> memref<1x1x1x128xi32, #tpu.memory_space<vmem>>
          %dma_wait3A_213 = tpu.memref_squeeze %dma_wait3A_212 : memref<1x1x1x128xi32, #tpu.memory_space<vmem>> -> memref<128xi32, #tpu.memory_space<vmem>>
          %dma_wait3A_214 = arith.constant 0 : i32
          %dma_wait3A_215 = arith.constant 0 : i32
          %dma_wait3A_216 = tpu.memref_slice %arg12[%dma_wait3A_214, %dma_wait3A_215] : memref<10240x128xf32, #tpu.memory_space<vmem_shared>> -> memref<10240x128xf32, #tpu.memory_space<vmem_shared>>
          tpu.wait_indirect_dma semaphore(%run_scoped3A_204 : memref<!tpu.dma_semaphore, #tpu.memory_space<semaphore_mem>>) src(%arg8 : memref<128x128xf32, #tpu.memory_space<vmem>>) dst(%dma_wait3A_216 : memref<10240x128xf32, #tpu.memory_space<vmem_shared>>)
          tpu.yield
        }) : () -> ()
        %dma_start3A_165 = arith.constant 7 : i32
        %dma_start3A_166 = arith.constant 0 : i32
        %dma_start3A_167 = arith.constant 0 : i32
        %dma_start3A_168 = tpu.memref_slice %arg6[%select_n3A_57, %dma_start3A_165, %dma_start3A_166, %dma_start3A_167] : memref<2x8x2x128xi32, #tpu.memory_space<vmem>> -> memref<1x1x1x128xi32, #tpu.memory_space<vmem>>
        %dma_start3A_169 = tpu.memref_squeeze %dma_start3A_168 : memref<1x1x1x128xi32, #tpu.memory_space<vmem>> -> memref<128xi32, #tpu.memory_space<vmem>>
        %dma_start3A_170 = arith.constant 0 : i32
        %dma_start3A_171 = arith.constant 0 : i32
        %dma_start3A_172 = tpu.memref_slice %arg2[%dma_start3A_170, %dma_start3A_171] : memref<10240x128xf32, #tpu.memory_space<hbm>> -> memref<10240x128xf32, #tpu.memory_space<hbm>>
        tpu.enqueue_indirect_dma source(%dma_start3A_172 : memref<10240x128xf32, #tpu.memory_space<hbm>>) target(%arg8 : memref<128x128xf32, #tpu.memory_space<vmem>>) offsets(%dma_start3A_169 : memref<128xi32, #tpu.memory_space<vmem>>) semaphore(%arg11 : memref<!tpu.dma_semaphore, #tpu.memory_space<semaphore_mem>>)
        %dma_wait3A_173 = arith.constant 6 : i32
        %dma_wait3A_174 = arith.constant 0 : i32
        %dma_wait3A_175 = arith.constant 0 : i32
        %dma_wait3A_176 = tpu.memref_slice %arg6[%select_n3A_57, %dma_wait3A_173, %dma_wait3A_174, %dma_wait3A_175] : memref<2x8x2x128xi32, #tpu.memory_space<vmem>> -> memref<1x1x1x128xi32, #tpu.memory_space<vmem>>
        %dma_wait3A_177 = tpu.memref_squeeze %dma_wait3A_176 : memref<1x1x1x128xi32, #tpu.memory_space<vmem>> -> memref<128xi32, #tpu.memory_space<vmem>>
        %dma_wait3A_178 = arith.constant 0 : i32
        %dma_wait3A_179 = arith.constant 0 : i32
        %dma_wait3A_180 = tpu.memref_slice %arg2[%dma_wait3A_178, %dma_wait3A_179] : memref<10240x128xf32, #tpu.memory_space<hbm>> -> memref<10240x128xf32, #tpu.memory_space<hbm>>
        tpu.wait_indirect_dma semaphore(%arg10 : memref<!tpu.dma_semaphore, #tpu.memory_space<semaphore_mem>>) src(%dma_wait3A_180 : memref<10240x128xf32, #tpu.memory_space<hbm>>) dst(%arg7 : memref<128x128xf32, #tpu.memory_space<vmem>>)
        %run_scoped3A_181 = arith.constant 6 : i32
        %run_scoped3A_182 = arith.constant 1 : i32
        "tpu.region"() ({
          %run_scoped3A_204 = tpu.sem_alloc : memref<!tpu.dma_semaphore, #tpu.memory_space<semaphore_mem>>
          %dma_start3A_205 = arith.constant 0 : i32
          %dma_start3A_206 = tpu.memref_slice %arg6[%select_n3A_57, %run_scoped3A_181, %run_scoped3A_182, %dma_start3A_205] : memref<2x8x2x128xi32, #tpu.memory_space<vmem>> -> memref<1x1x1x128xi32, #tpu.memory_space<vmem>>
          %dma_start3A_207 = tpu.memref_squeeze %dma_start3A_206 : memref<1x1x1x128xi32, #tpu.memory_space<vmem>> -> memref<128xi32, #tpu.memory_space<vmem>>
          %dma_start3A_208 = arith.constant 0 : i32
          %dma_start3A_209 = arith.constant 0 : i32
          %dma_start3A_210 = tpu.memref_slice %arg12[%dma_start3A_208, %dma_start3A_209] : memref<10240x128xf32, #tpu.memory_space<vmem_shared>> -> memref<10240x128xf32, #tpu.memory_space<vmem_shared>>
          tpu.enqueue_indirect_dma source(%arg7 : memref<128x128xf32, #tpu.memory_space<vmem>>) target(%dma_start3A_210 : memref<10240x128xf32, #tpu.memory_space<vmem_shared>>) offsets(%dma_start3A_207 : memref<128xi32, #tpu.memory_space<vmem>>) semaphore(%run_scoped3A_204 : memref<!tpu.dma_semaphore, #tpu.memory_space<semaphore_mem>>) {add = true}
          %dma_wait3A_211 = arith.constant 0 : i32
          %dma_wait3A_212 = tpu.memref_slice %arg6[%select_n3A_57, %run_scoped3A_181, %run_scoped3A_182, %dma_wait3A_211] : memref<2x8x2x128xi32, #tpu.memory_space<vmem>> -> memref<1x1x1x128xi32, #tpu.memory_space<vmem>>
          %dma_wait3A_213 = tpu.memref_squeeze %dma_wait3A_212 : memref<1x1x1x128xi32, #tpu.memory_space<vmem>> -> memref<128xi32, #tpu.memory_space<vmem>>
          %dma_wait3A_214 = arith.constant 0 : i32
          %dma_wait3A_215 = arith.constant 0 : i32
          %dma_wait3A_216 = tpu.memref_slice %arg12[%dma_wait3A_214, %dma_wait3A_215] : memref<10240x128xf32, #tpu.memory_space<vmem_shared>> -> memref<10240x128xf32, #tpu.memory_space<vmem_shared>>
          tpu.wait_indirect_dma semaphore(%run_scoped3A_204 : memref<!tpu.dma_semaphore, #tpu.memory_space<semaphore_mem>>) src(%arg7 : memref<128x128xf32, #tpu.memory_space<vmem>>) dst(%dma_wait3A_216 : memref<10240x128xf32, #tpu.memory_space<vmem_shared>>)
          tpu.yield
        }) : () -> ()
        %lt3A_183 = arith.constant 19 : i32
        %lt3A_184 = arith.cmpi slt, %scan3A_47, %lt3A_183 : i32
        %convert_element_type3A_185 = arith.extui %lt3A_184 : i1 to i32
        %cond3A_186 = arith.constant 0 : i32
        %cond3A_187 = arith.cmpi ne, %convert_element_type3A_185, %cond3A_186 : i32
        scf.if %cond3A_187 {
          %dma_wait3A_204 = arith.constant 0 : i32
          %dma_wait3A_205 = arith.constant 0 : i32
          %dma_wait3A_206 = arith.constant 0 : i32
          %dma_wait3A_207 = arith.constant 0 : i32
          %dma_wait3A_208 = arith.constant 0 : i32
          %dma_wait3A_209 = tpu.memref_slice %arg6[%dma_wait3A_205, %dma_wait3A_206, %dma_wait3A_207, %dma_wait3A_208] : memref<2x8x2x128xi32, #tpu.memory_space<vmem>> -> memref<1x8x2x128xi32, #tpu.memory_space<vmem>>
          %dma_wait3A_210 = tpu.memref_squeeze %dma_wait3A_209 : memref<1x8x2x128xi32, #tpu.memory_space<vmem>> -> memref<8x2x128xi32, #tpu.memory_space<vmem>>
          %dma_wait3A_211 = arith.constant 0 : i32
          %dma_wait3A_212 = arith.constant 0 : i32
          %dma_wait3A_213 = arith.constant 0 : i32
          %dma_wait3A_214 = tpu.memref_slice %arg3[%arg1, %dma_wait3A_204, %dma_wait3A_211, %dma_wait3A_212, %dma_wait3A_213] : memref<16x20x8x2x128xi32, #tpu.memory_space<hbm>> -> memref<1x1x8x2x128xi32, #tpu.memory_space<hbm>>
          %dma_wait3A_215 = tpu.memref_squeeze %dma_wait3A_214 : memref<1x1x8x2x128xi32, #tpu.memory_space<hbm>> -> memref<8x2x128xi32, #tpu.memory_space<hbm>>
          %dma_wait3A_216 = arith.constant 0 : i32
          %dma_wait3A_217 = arith.constant 0 : i32
          %dma_wait3A_218 = arith.constant 0 : i32
          %dma_wait3A_219 = tpu.memref_slice %arg6[%dma_wait3A_205, %dma_wait3A_216, %dma_wait3A_217, %dma_wait3A_218] : memref<2x8x2x128xi32, #tpu.memory_space<vmem>> -> memref<1x8x2x128xi32, #tpu.memory_space<vmem>>
          %dma_wait3A_220 = tpu.memref_squeeze %dma_wait3A_219 : memref<1x8x2x128xi32, #tpu.memory_space<vmem>> -> memref<8x2x128xi32, #tpu.memory_space<vmem>>
          %dma_wait3A_221 = arith.constant 0 : i32
          %dma_wait3A_222 = arith.constant 0 : i32
          %dma_wait3A_223 = arith.constant 0 : i32
          %dma_wait3A_224 = tpu.memref_slice %arg3[%arg1, %dma_wait3A_204, %dma_wait3A_221, %dma_wait3A_222, %dma_wait3A_223] : memref<16x20x8x2x128xi32, #tpu.memory_space<hbm>> -> memref<1x1x8x2x128xi32, #tpu.memory_space<hbm>>
          %dma_wait3A_225 = tpu.memref_squeeze %dma_wait3A_224 : memref<1x1x8x2x128xi32, #tpu.memory_space<hbm>> -> memref<8x2x128xi32, #tpu.memory_space<hbm>>
          tpu.wait_dma2 semaphore(%arg9 : memref<!tpu.dma_semaphore, #tpu.memory_space<semaphore_mem>>) src(%dma_wait3A_225 : memref<8x2x128xi32, #tpu.memory_space<hbm>>) dst(%dma_wait3A_220 : memref<8x2x128xi32, #tpu.memory_space<vmem>>)
          %sub3A = arith.constant 1 : i32
          %sub3A_226 = arith.subi %sub3A, %select_n3A_57 : i32
          %dma_start3A_227 = arith.constant 0 : i32
          %dma_start3A_228 = arith.constant 0 : i32
          %dma_start3A_229 = arith.constant 0 : i32
          %dma_start3A_230 = tpu.memref_slice %arg6[%sub3A_226, %dma_start3A_227, %dma_start3A_228, %dma_start3A_229] : memref<2x8x2x128xi32, #tpu.memory_space<vmem>> -> memref<1x1x1x128xi32, #tpu.memory_space<vmem>>
          %dma_start3A_231 = tpu.memref_squeeze %dma_start3A_230 : memref<1x1x1x128xi32, #tpu.memory_space<vmem>> -> memref<128xi32, #tpu.memory_space<vmem>>
          %dma_start3A_232 = arith.constant 0 : i32
          %dma_start3A_233 = arith.constant 0 : i32
          %dma_start3A_234 = tpu.memref_slice %arg2[%dma_start3A_232, %dma_start3A_233] : memref<10240x128xf32, #tpu.memory_space<hbm>> -> memref<10240x128xf32, #tpu.memory_space<hbm>>
          tpu.enqueue_indirect_dma source(%dma_start3A_234 : memref<10240x128xf32, #tpu.memory_space<hbm>>) target(%arg7 : memref<128x128xf32, #tpu.memory_space<vmem>>) offsets(%dma_start3A_231 : memref<128xi32, #tpu.memory_space<vmem>>) semaphore(%arg10 : memref<!tpu.dma_semaphore, #tpu.memory_space<semaphore_mem>>)
        } else {
        }
        %dma_wait3A_188 = arith.constant 7 : i32
        %dma_wait3A_189 = arith.constant 0 : i32
        %dma_wait3A_190 = arith.constant 0 : i32
        %dma_wait3A_191 = tpu.memref_slice %arg6[%select_n3A_57, %dma_wait3A_188, %dma_wait3A_189, %dma_wait3A_190] : memref<2x8x2x128xi32, #tpu.memory_space<vmem>> -> memref<1x1x1x128xi32, #tpu.memory_space<vmem>>
        %dma_wait3A_192 = tpu.memref_squeeze %dma_wait3A_191 : memref<1x1x1x128xi32, #tpu.memory_space<vmem>> -> memref<128xi32, #tpu.memory_space<vmem>>
        %dma_wait3A_193 = arith.constant 0 : i32
        %dma_wait3A_194 = arith.constant 0 : i32
        %dma_wait3A_195 = tpu.memref_slice %arg2[%dma_wait3A_193, %dma_wait3A_194] : memref<10240x128xf32, #tpu.memory_space<hbm>> -> memref<10240x128xf32, #tpu.memory_space<hbm>>
        tpu.wait_indirect_dma semaphore(%arg11 : memref<!tpu.dma_semaphore, #tpu.memory_space<semaphore_mem>>) src(%dma_wait3A_195 : memref<10240x128xf32, #tpu.memory_space<hbm>>) dst(%arg8 : memref<128x128xf32, #tpu.memory_space<vmem>>)
        %run_scoped3A_196 = arith.constant 7 : i32
        %run_scoped3A_197 = arith.constant 1 : i32
        "tpu.region"() ({
          %run_scoped3A_204 = tpu.sem_alloc : memref<!tpu.dma_semaphore, #tpu.memory_space<semaphore_mem>>
          %dma_start3A_205 = arith.constant 0 : i32
          %dma_start3A_206 = tpu.memref_slice %arg6[%select_n3A_57, %run_scoped3A_196, %run_scoped3A_197, %dma_start3A_205] : memref<2x8x2x128xi32, #tpu.memory_space<vmem>> -> memref<1x1x1x128xi32, #tpu.memory_space<vmem>>
          %dma_start3A_207 = tpu.memref_squeeze %dma_start3A_206 : memref<1x1x1x128xi32, #tpu.memory_space<vmem>> -> memref<128xi32, #tpu.memory_space<vmem>>
          %dma_start3A_208 = arith.constant 0 : i32
          %dma_start3A_209 = arith.constant 0 : i32
          %dma_start3A_210 = tpu.memref_slice %arg12[%dma_start3A_208, %dma_start3A_209] : memref<10240x128xf32, #tpu.memory_space<vmem_shared>> -> memref<10240x128xf32, #tpu.memory_space<vmem_shared>>
          tpu.enqueue_indirect_dma source(%arg8 : memref<128x128xf32, #tpu.memory_space<vmem>>) target(%dma_start3A_210 : memref<10240x128xf32, #tpu.memory_space<vmem_shared>>) offsets(%dma_start3A_207 : memref<128xi32, #tpu.memory_space<vmem>>) semaphore(%run_scoped3A_204 : memref<!tpu.dma_semaphore, #tpu.memory_space<semaphore_mem>>) {add = true}
          %dma_wait3A_211 = arith.constant 0 : i32
          %dma_wait3A_212 = tpu.memref_slice %arg6[%select_n3A_57, %run_scoped3A_196, %run_scoped3A_197, %dma_wait3A_211] : memref<2x8x2x128xi32, #tpu.memory_space<vmem>> -> memref<1x1x1x128xi32, #tpu.memory_space<vmem>>
          %dma_wait3A_213 = tpu.memref_squeeze %dma_wait3A_212 : memref<1x1x1x128xi32, #tpu.memory_space<vmem>> -> memref<128xi32, #tpu.memory_space<vmem>>
          %dma_wait3A_214 = arith.constant 0 : i32
          %dma_wait3A_215 = arith.constant 0 : i32
          %dma_wait3A_216 = tpu.memref_slice %arg12[%dma_wait3A_214, %dma_wait3A_215] : memref<10240x128xf32, #tpu.memory_space<vmem_shared>> -> memref<10240x128xf32, #tpu.memory_space<vmem_shared>>
          tpu.wait_indirect_dma semaphore(%run_scoped3A_204 : memref<!tpu.dma_semaphore, #tpu.memory_space<semaphore_mem>>) src(%arg8 : memref<128x128xf32, #tpu.memory_space<vmem>>) dst(%dma_wait3A_216 : memref<10240x128xf32, #tpu.memory_space<vmem_shared>>)
          tpu.yield
        }) : () -> ()
        %lt3A_198 = arith.constant 18 : i32
        %lt3A_199 = arith.cmpi slt, %scan3A_47, %lt3A_198 : i32
        %convert_element_type3A_200 = arith.extui %lt3A_199 : i1 to i32
        %cond3A_201 = arith.constant 0 : i32
        %cond3A_202 = arith.cmpi ne, %convert_element_type3A_200, %cond3A_201 : i32
        scf.if %cond3A_202 {
          %add3A_204 = arith.constant 2 : i32
          %add3A_205 = arith.addi %scan3A_47, %add3A_204 : i32
          %dma_start3A_206 = arith.constant 0 : i32
          %dma_start3A_207 = arith.constant 0 : i32
          %dma_start3A_208 = arith.constant 0 : i32
          %dma_start3A_209 = tpu.memref_slice %arg6[%select_n3A_57, %dma_start3A_206, %dma_start3A_207, %dma_start3A_208] : memref<2x8x2x128xi32, #tpu.memory_space<vmem>> -> memref<1x8x2x128xi32, #tpu.memory_space<vmem>>
          %dma_start3A_210 = tpu.memref_squeeze %dma_start3A_209 : memref<1x8x2x128xi32, #tpu.memory_space<vmem>> -> memref<8x2x128xi32, #tpu.memory_space<vmem>>
          %dma_start3A_211 = arith.constant 0 : i32
          %dma_start3A_212 = arith.constant 0 : i32
          %dma_start3A_213 = arith.constant 0 : i32
          %dma_start3A_214 = tpu.memref_slice %arg3[%arg1, %add3A_205, %dma_start3A_211, %dma_start3A_212, %dma_start3A_213] : memref<16x20x8x2x128xi32, #tpu.memory_space<hbm>> -> memref<1x1x8x2x128xi32, #tpu.memory_space<hbm>>
          %dma_start3A_215 = tpu.memref_squeeze %dma_start3A_214 : memref<1x1x8x2x128xi32, #tpu.memory_space<hbm>> -> memref<8x2x128xi32, #tpu.memory_space<hbm>>
          %dma_start3A_216 = arith.constant 0 : i32
          %dma_start3A_217 = arith.constant 0 : i32
          %dma_start3A_218 = arith.constant 0 : i32
          %dma_start3A_219 = tpu.memref_slice %arg6[%select_n3A_57, %dma_start3A_216, %dma_start3A_217, %dma_start3A_218] : memref<2x8x2x128xi32, #tpu.memory_space<vmem>> -> memref<1x8x2x128xi32, #tpu.memory_space<vmem>>
          %dma_start3A_220 = tpu.memref_squeeze %dma_start3A_219 : memref<1x8x2x128xi32, #tpu.memory_space<vmem>> -> memref<8x2x128xi32, #tpu.memory_space<vmem>>
          %dma_start3A_221 = arith.constant 0 : i32
          %dma_start3A_222 = arith.constant 0 : i32
          %dma_start3A_223 = arith.constant 0 : i32
          %dma_start3A_224 = tpu.memref_slice %arg3[%arg1, %add3A_205, %dma_start3A_221, %dma_start3A_222, %dma_start3A_223] : memref<16x20x8x2x128xi32, #tpu.memory_space<hbm>> -> memref<1x1x8x2x128xi32, #tpu.memory_space<hbm>>
          %dma_start3A_225 = tpu.memref_squeeze %dma_start3A_224 : memref<1x1x8x2x128xi32, #tpu.memory_space<hbm>> -> memref<8x2x128xi32, #tpu.memory_space<hbm>>
          tpu.enqueue_dma source(%dma_start3A_225 : memref<8x2x128xi32, #tpu.memory_space<hbm>>) target(%dma_start3A_220 : memref<8x2x128xi32, #tpu.memory_space<vmem>>) target_semaphore(%arg9 : memref<!tpu.dma_semaphore, #tpu.memory_space<semaphore_mem>>)
        } else {
        }
        %scan3A_203 = arith.constant 0 : i32
        scf.yield %scan3A_203 : i32
      }
      %scan3A_41 = arith.constant 20 : i32
      "tpu.trace_stop"() : () -> ()
      "tpu.trace_start"() <{level = 10 : i32, message = "agg_dump"}> : () -> ()
      %barrier3A_42 = arith.constant 0 : index
      tpu.barrier barrier_id(%barrier3A_42)
      %mul3A_43 = arith.constant 640 : i32
      %mul3A_44 = arith.muli %arg1, %mul3A_43 : i32
      %mul3A_45 = arith.constant 640 : i32
      %mul3A_46 = arith.muli %arg1, %mul3A_45 : i32
      "tpu.region"() ({
        %run_scoped3A_47 = tpu.sem_alloc : memref<!tpu.dma_semaphore, #tpu.memory_space<semaphore_mem>>
        %dma_start3A_48 = arith.constant 0 : i32
        %dma_start3A_49 = tpu.memref_slice %arg5[%mul3A_46, %dma_start3A_48] : memref<10240x128xf32, #tpu.memory_space<hbm>> -> memref<640x128xf32, #tpu.memory_space<hbm>>
        %dma_start3A_50 = arith.constant 0 : i32
        %dma_start3A_51 = tpu.memref_slice %arg12[%mul3A_44, %dma_start3A_50] : memref<10240x128xf32, #tpu.memory_space<vmem_shared>> -> memref<640x128xf32, #tpu.memory_space<vmem_shared>>
        tpu.enqueue_dma source(%dma_start3A_51 : memref<640x128xf32, #tpu.memory_space<vmem_shared>>) target(%dma_start3A_49 : memref<640x128xf32, #tpu.memory_space<hbm>>) target_semaphore(%run_scoped3A_47 : memref<!tpu.dma_semaphore, #tpu.memory_space<semaphore_mem>>)
        %dma_wait3A = arith.constant 0 : i32
        %dma_wait3A_52 = tpu.memref_slice %arg5[%mul3A_46, %dma_wait3A] : memref<10240x128xf32, #tpu.memory_space<hbm>> -> memref<640x128xf32, #tpu.memory_space<hbm>>
        %dma_wait3A_53 = arith.constant 0 : i32
        %dma_wait3A_54 = tpu.memref_slice %arg12[%mul3A_44, %dma_wait3A_53] : memref<10240x128xf32, #tpu.memory_space<vmem_shared>> -> memref<640x128xf32, #tpu.memory_space<vmem_shared>>
        tpu.wait_dma2 semaphore(%run_scoped3A_47 : memref<!tpu.dma_semaphore, #tpu.memory_space<semaphore_mem>>) src(%dma_wait3A_54 : memref<640x128xf32, #tpu.memory_space<vmem_shared>>) dst(%dma_wait3A_52 : memref<640x128xf32, #tpu.memory_space<hbm>>)
        tpu.yield
      }) : () -> ()
      "tpu.trace_stop"() : () -> ()
    } else {
    }
    return
  }
}

module attributes {stable_mosaic.version = 14 : i64} {
  func.func @_b1_body(%arg0: i32, %arg1: memref<1024x128xf32, #tpu.memory_space<vmem>>, %arg2: memref<128x128xf32, #tpu.memory_space<vmem>>, %arg3: memref<2x1024x1xf32, #tpu.memory_space<vmem>>, %arg4: memref<1024x128xf32, #tpu.memory_space<vmem>>) attributes {dimension_semantics = [#tpu.dimension_semantics<arbitrary>], iteration_bounds = array<i64: 10>, scalar_prefetch = 0 : i64, scratch_operands = 0 : i64, tpu.core_type = #tpu.core_type<tc>, window_params = [{transform_indices = @transform_0, window_bounds = array<i64: 1024, 128>}, {pipeline_mode = #tpu.pipeline_mode<synchronous>, transform_indices = @transform_1, window_bounds = array<i64: 128, 128>}, {transform_indices = @transform_2, window_bounds = array<i64: 2, 1024, 1>}, {transform_indices = @transform_3, window_bounds = array<i64: 1024, 128>}]} {
    %get3A = arith.constant 0 : index
    %get3A_0 = arith.constant 0 : index
    %get3A_1 = arith.constant 0 : index
    %get3A_2 = vector.load %arg3[%get3A, %get3A_0, %get3A_1] : memref<2x1024x1xf32, #tpu.memory_space<vmem>>, vector<2x1024x1xf32>
    %slice3A = vector.extract_strided_slice %get3A_2 {offsets = [0, 0, 0], sizes = [1, 1024, 1], strides = [1, 1, 1]} : vector<2x1024x1xf32> to vector<1x1024x1xf32>
    %squeeze3A = vector.shape_cast %slice3A : vector<1x1024x1xf32> to vector<1024x1xf32>
    %slice3A_3 = vector.extract_strided_slice %get3A_2 {offsets = [1, 0, 0], sizes = [1, 1024, 1], strides = [1, 1, 1]} : vector<2x1024x1xf32> to vector<1x1024x1xf32>
    %squeeze3A_4 = vector.shape_cast %slice3A_3 : vector<1x1024x1xf32> to vector<1024x1xf32>
    %add3A = arith.addf %squeeze3A, %squeeze3A_4 : vector<1024x1xf32>
    %add3A_5 = arith.constant 1.000000e+00 : f32
    %add3A_6 = vector.broadcast %add3A_5 : f32 to vector<1024x1xf32>
    %add3A_7 = arith.addf %add3A, %add3A_6 : vector<1024x1xf32>
    %rsqrt3A = math.rsqrt %add3A_7 : vector<1024x1xf32>
    %get3A_8 = arith.constant 0 : index
    %get3A_9 = arith.constant 0 : index
    %get3A_10 = vector.load %arg1[%get3A_8, %get3A_9] : memref<1024x128xf32, #tpu.memory_space<vmem>>, vector<1024x128xf32>
    %get3A_11 = arith.constant 0 : index
    %get3A_12 = arith.constant 0 : index
    %get3A_13 = vector.load %arg2[%get3A_11, %get3A_12] : memref<128x128xf32, #tpu.memory_space<vmem>>, vector<128x128xf32>
    %dot_general3A = arith.constant dense<0.000000e+00> : vector<1024x128xf32>
    %dot_general3A_14 = tpu.matmul %get3A_10, %get3A_13, %dot_general3A {dimension_numbers = #tpu.dot_dimension_numbers<[1], [0], [0], [1], [0, 0, 1, 1], [], []>, transpose_lhs_hint = false} : vector<1024x128xf32>, vector<128x128xf32>, vector<1024x128xf32> -> vector<1024x128xf32>
    %mul3A = vector.broadcast %rsqrt3A : vector<1024x1xf32> to vector<1024x128xf32>
    %mul3A_15 = arith.mulf %dot_general3A_14, %mul3A : vector<1024x128xf32>
    %swap3A = arith.constant 0 : index
    %swap3A_16 = arith.constant 0 : index
    %swap3A_17 = vector.load %arg4[%swap3A, %swap3A_16] : memref<1024x128xf32, #tpu.memory_space<vmem>>, vector<1024x128xf32>
    tpu.vector_store %arg4[%swap3A, %swap3A_16], %mul3A_15 {strides = array<i32>} : memref<1024x128xf32, #tpu.memory_space<vmem>>, vector<1024x128xf32>,
    return
  }
  func.func @transform_0(%arg0: i32) -> (i32, i32) {
    %c0_i32 = arith.constant 0 : i32
    %c0_i32_0 = arith.constant 0 : i32
    return %arg0, %c0_i32 : i32, i32
  }
  func.func @transform_1(%arg0: i32) -> (i32, i32) {
    %c0_i32 = arith.constant 0 : i32
    %c0_i32_0 = arith.constant 0 : i32
    %c0_i32_1 = arith.constant 0 : i32
    return %c0_i32, %c0_i32_0 : i32, i32
  }
  func.func @transform_2(%arg0: i32) -> (i32, i32, i32) {
    %c0_i32 = arith.constant 0 : i32
    %c0_i32_0 = arith.constant 0 : i32
    %c0_i32_1 = arith.constant 0 : i32
    return %c0_i32, %arg0, %c0_i32_0 : i32, i32, i32
  }
  func.func @transform_3(%arg0: i32) -> (i32, i32) {
    %c0_i32 = arith.constant 0 : i32
    %c0_i32_0 = arith.constant 0 : i32
    return %arg0, %c0_i32 : i32, i32
  }
}

module attributes {stable_mosaic.version = 14 : i64} {
  func.func @_b2_body(%arg0: i32, %arg1: memref<1024x128xf32, #tpu.memory_space<vmem>>, %arg2: memref<1024x128xf32, #tpu.memory_space<vmem>>, %arg3: memref<2x1024x1xf32, #tpu.memory_space<vmem>>, %arg4: memref<1x128xf32, #tpu.memory_space<vmem>>, %arg5: memref<128x128xf32, #tpu.memory_space<vmem>>, %arg6: memref<1024x128xf32, #tpu.memory_space<vmem>>) attributes {dimension_semantics = [#tpu.dimension_semantics<arbitrary>], iteration_bounds = array<i64: 10>, scalar_prefetch = 0 : i64, scratch_operands = 0 : i64, tpu.core_type = #tpu.core_type<tc>, window_params = [{transform_indices = @transform_0, window_bounds = array<i64: 1024, 128>}, {transform_indices = @transform_1, window_bounds = array<i64: 1024, 128>}, {transform_indices = @transform_2, window_bounds = array<i64: 2, 1024, 1>}, {pipeline_mode = #tpu.pipeline_mode<synchronous>, transform_indices = @transform_3, window_bounds = array<i64: 1, 128>}, {pipeline_mode = #tpu.pipeline_mode<synchronous>, transform_indices = @transform_4, window_bounds = array<i64: 128, 128>}, {transform_indices = @transform_5, window_bounds = array<i64: 1024, 128>}]} {
    %get3A = arith.constant 0 : index
    %get3A_0 = arith.constant 0 : index
    %get3A_1 = arith.constant 0 : index
    %get3A_2 = vector.load %arg3[%get3A, %get3A_0, %get3A_1] : memref<2x1024x1xf32, #tpu.memory_space<vmem>>, vector<2x1024x1xf32>
    %slice3A = vector.extract_strided_slice %get3A_2 {offsets = [0, 0, 0], sizes = [1, 1024, 1], strides = [1, 1, 1]} : vector<2x1024x1xf32> to vector<1x1024x1xf32>
    %squeeze3A = vector.shape_cast %slice3A : vector<1x1024x1xf32> to vector<1024x1xf32>
    %slice3A_3 = vector.extract_strided_slice %get3A_2 {offsets = [1, 0, 0], sizes = [1, 1024, 1], strides = [1, 1, 1]} : vector<2x1024x1xf32> to vector<1x1024x1xf32>
    %squeeze3A_4 = vector.shape_cast %slice3A_3 : vector<1x1024x1xf32> to vector<1024x1xf32>
    %add3A = arith.addf %squeeze3A, %squeeze3A_4 : vector<1024x1xf32>
    %add3A_5 = arith.constant 1.000000e+00 : f32
    %add3A_6 = vector.broadcast %add3A_5 : f32 to vector<1024x1xf32>
    %add3A_7 = arith.addf %add3A, %add3A_6 : vector<1024x1xf32>
    %rsqrt3A = math.rsqrt %add3A_7 : vector<1024x1xf32>
    %get3A_8 = arith.constant 0 : index
    %get3A_9 = arith.constant 0 : index
    %get3A_10 = vector.load %arg1[%get3A_8, %get3A_9] : memref<1024x128xf32, #tpu.memory_space<vmem>>, vector<1024x128xf32>
    %get3A_11 = arith.constant 0 : index
    %get3A_12 = arith.constant 0 : index
    %get3A_13 = vector.load %arg2[%get3A_11, %get3A_12] : memref<1024x128xf32, #tpu.memory_space<vmem>>, vector<1024x128xf32>
    %add3A_14 = arith.addf %get3A_10, %get3A_13 : vector<1024x128xf32>
    %mul3A = vector.broadcast %rsqrt3A : vector<1024x1xf32> to vector<1024x128xf32>
    %mul3A_15 = arith.mulf %add3A_14, %mul3A : vector<1024x128xf32>
    %get3A_16 = arith.constant 0 : index
    %get3A_17 = arith.constant 0 : index
    %get3A_18 = vector.load %arg4[%get3A_16, %get3A_17] : memref<1x128xf32, #tpu.memory_space<vmem>>, vector<1x128xf32>
    %add3A_19 = vector.broadcast %get3A_18 : vector<1x128xf32> to vector<1024x128xf32>
    %add3A_20 = arith.addf %mul3A_15, %add3A_19 : vector<1024x128xf32>
    %max3A = arith.constant 0.000000e+00 : f32
    %max3A_21 = vector.broadcast %max3A : f32 to vector<1024x128xf32>
    %max3A_22 = arith.maximumf %add3A_20, %max3A_21 : vector<1024x128xf32>
    %get3A_23 = arith.constant 0 : index
    %get3A_24 = arith.constant 0 : index
    %get3A_25 = vector.load %arg5[%get3A_23, %get3A_24] : memref<128x128xf32, #tpu.memory_space<vmem>>, vector<128x128xf32>
    %dot_general3A = arith.constant dense<0.000000e+00> : vector<1024x128xf32>
    %dot_general3A_26 = tpu.matmul %max3A_22, %get3A_25, %dot_general3A {dimension_numbers = #tpu.dot_dimension_numbers<[1], [0], [0], [1], [0, 0, 1, 1], [], []>, transpose_lhs_hint = false} : vector<1024x128xf32>, vector<128x128xf32>, vector<1024x128xf32> -> vector<1024x128xf32>
    %mul3A_27 = vector.broadcast %rsqrt3A : vector<1024x1xf32> to vector<1024x128xf32>
    %mul3A_28 = arith.mulf %dot_general3A_26, %mul3A_27 : vector<1024x128xf32>
    %swap3A = arith.constant 0 : index
    %swap3A_29 = arith.constant 0 : index
    %swap3A_30 = vector.load %arg6[%swap3A, %swap3A_29] : memref<1024x128xf32, #tpu.memory_space<vmem>>, vector<1024x128xf32>
    tpu.vector_store %arg6[%swap3A, %swap3A_29], %mul3A_28 {strides = array<i32>} : memref<1024x128xf32, #tpu.memory_space<vmem>>, vector<1024x128xf32>,
    return
  }
  func.func @transform_0(%arg0: i32) -> (i32, i32) {
    %c0_i32 = arith.constant 0 : i32
    %c0_i32_0 = arith.constant 0 : i32
    return %arg0, %c0_i32 : i32, i32
  }
  func.func @transform_1(%arg0: i32) -> (i32, i32) {
    %c0_i32 = arith.constant 0 : i32
    %c0_i32_0 = arith.constant 0 : i32
    return %arg0, %c0_i32 : i32, i32
  }
  func.func @transform_2(%arg0: i32) -> (i32, i32, i32) {
    %c0_i32 = arith.constant 0 : i32
    %c0_i32_0 = arith.constant 0 : i32
    %c0_i32_1 = arith.constant 0 : i32
    return %c0_i32, %arg0, %c0_i32_0 : i32, i32, i32
  }
  func.func @transform_3(%arg0: i32) -> (i32, i32) {
    %c0_i32 = arith.constant 0 : i32
    %c0_i32_0 = arith.constant 0 : i32
    %c0_i32_1 = arith.constant 0 : i32
    return %c0_i32, %c0_i32_0 : i32, i32
  }
  func.func @transform_4(%arg0: i32) -> (i32, i32) {
    %c0_i32 = arith.constant 0 : i32
    %c0_i32_0 = arith.constant 0 : i32
    %c0_i32_1 = arith.constant 0 : i32
    return %c0_i32, %c0_i32_0 : i32, i32
  }
  func.func @transform_5(%arg0: i32) -> (i32, i32) {
    %c0_i32 = arith.constant 0 : i32
    %c0_i32_0 = arith.constant 0 : i32
    return %arg0, %c0_i32 : i32, i32
  }
}

module attributes {stable_mosaic.version = 14 : i64} {
  func.func @_b3_body(%arg0: i32, %arg1: memref<1024x128xf32, #tpu.memory_space<vmem>>, %arg2: memref<1024x128xf32, #tpu.memory_space<vmem>>, %arg3: memref<2x1024x1xf32, #tpu.memory_space<vmem>>, %arg4: memref<1x128xf32, #tpu.memory_space<vmem>>, %arg5: memref<128x8xf32, #tpu.memory_space<vmem>>, %arg6: memref<1x8xf32, #tpu.memory_space<vmem>>, %arg7: memref<1024x8xf32, #tpu.memory_space<vmem>>) attributes {dimension_semantics = [#tpu.dimension_semantics<arbitrary>], iteration_bounds = array<i64: 10>, scalar_prefetch = 0 : i64, scratch_operands = 0 : i64, tpu.core_type = #tpu.core_type<tc>, window_params = [{transform_indices = @transform_0, window_bounds = array<i64: 1024, 128>}, {transform_indices = @transform_1, window_bounds = array<i64: 1024, 128>}, {transform_indices = @transform_2, window_bounds = array<i64: 2, 1024, 1>}, {pipeline_mode = #tpu.pipeline_mode<synchronous>, transform_indices = @transform_3, window_bounds = array<i64: 1, 128>}, {pipeline_mode = #tpu.pipeline_mode<synchronous>, transform_indices = @transform_4, window_bounds = array<i64: 128, 8>}, {pipeline_mode = #tpu.pipeline_mode<synchronous>, transform_indices = @transform_5, window_bounds = array<i64: 1, 8>}, {transform_indices = @transform_6, window_bounds = array<i64: 1024, 8>}]} {
    %get3A = arith.constant 0 : index
    %get3A_0 = arith.constant 0 : index
    %get3A_1 = arith.constant 0 : index
    %get3A_2 = vector.load %arg3[%get3A, %get3A_0, %get3A_1] : memref<2x1024x1xf32, #tpu.memory_space<vmem>>, vector<2x1024x1xf32>
    %slice3A = vector.extract_strided_slice %get3A_2 {offsets = [0, 0, 0], sizes = [1, 1024, 1], strides = [1, 1, 1]} : vector<2x1024x1xf32> to vector<1x1024x1xf32>
    %squeeze3A = vector.shape_cast %slice3A : vector<1x1024x1xf32> to vector<1024x1xf32>
    %slice3A_3 = vector.extract_strided_slice %get3A_2 {offsets = [1, 0, 0], sizes = [1, 1024, 1], strides = [1, 1, 1]} : vector<2x1024x1xf32> to vector<1x1024x1xf32>
    %squeeze3A_4 = vector.shape_cast %slice3A_3 : vector<1x1024x1xf32> to vector<1024x1xf32>
    %add3A = arith.addf %squeeze3A, %squeeze3A_4 : vector<1024x1xf32>
    %add3A_5 = arith.constant 1.000000e+00 : f32
    %add3A_6 = vector.broadcast %add3A_5 : f32 to vector<1024x1xf32>
    %add3A_7 = arith.addf %add3A, %add3A_6 : vector<1024x1xf32>
    %rsqrt3A = math.rsqrt %add3A_7 : vector<1024x1xf32>
    %get3A_8 = arith.constant 0 : index
    %get3A_9 = arith.constant 0 : index
    %get3A_10 = vector.load %arg1[%get3A_8, %get3A_9] : memref<1024x128xf32, #tpu.memory_space<vmem>>, vector<1024x128xf32>
    %get3A_11 = arith.constant 0 : index
    %get3A_12 = arith.constant 0 : index
    %get3A_13 = vector.load %arg2[%get3A_11, %get3A_12] : memref<1024x128xf32, #tpu.memory_space<vmem>>, vector<1024x128xf32>
    %add3A_14 = arith.addf %get3A_10, %get3A_13 : vector<1024x128xf32>
    %mul3A = vector.broadcast %rsqrt3A : vector<1024x1xf32> to vector<1024x128xf32>
    %mul3A_15 = arith.mulf %add3A_14, %mul3A : vector<1024x128xf32>
    %get3A_16 = arith.constant 0 : index
    %get3A_17 = arith.constant 0 : index
    %get3A_18 = vector.load %arg4[%get3A_16, %get3A_17] : memref<1x128xf32, #tpu.memory_space<vmem>>, vector<1x128xf32>
    %add3A_19 = vector.broadcast %get3A_18 : vector<1x128xf32> to vector<1024x128xf32>
    %add3A_20 = arith.addf %mul3A_15, %add3A_19 : vector<1024x128xf32>
    %max3A = arith.constant 0.000000e+00 : f32
    %max3A_21 = vector.broadcast %max3A : f32 to vector<1024x128xf32>
    %max3A_22 = arith.maximumf %add3A_20, %max3A_21 : vector<1024x128xf32>
    %get3A_23 = arith.constant 0 : index
    %get3A_24 = arith.constant 0 : index
    %get3A_25 = vector.load %arg5[%get3A_23, %get3A_24] : memref<128x8xf32, #tpu.memory_space<vmem>>, vector<128x8xf32>
    %dot_general3A = arith.constant dense<0.000000e+00> : vector<1024x8xf32>
    %dot_general3A_26 = tpu.matmul %max3A_22, %get3A_25, %dot_general3A {dimension_numbers = #tpu.dot_dimension_numbers<[1], [0], [0], [1], [0, 0, 1, 1], [], []>, transpose_lhs_hint = false} : vector<1024x128xf32>, vector<128x8xf32>, vector<1024x8xf32> -> vector<1024x8xf32>
    %get3A_27 = arith.constant 0 : index
    %get3A_28 = arith.constant 0 : index
    %get3A_29 = vector.load %arg6[%get3A_27, %get3A_28] : memref<1x8xf32, #tpu.memory_space<vmem>>, vector<1x8xf32>
    %add3A_30 = vector.broadcast %get3A_29 : vector<1x8xf32> to vector<1024x8xf32>
    %add3A_31 = arith.addf %dot_general3A_26, %add3A_30 : vector<1024x8xf32>
    %swap3A = arith.constant 0 : index
    %swap3A_32 = arith.constant 0 : index
    %swap3A_33 = vector.load %arg7[%swap3A, %swap3A_32] : memref<1024x8xf32, #tpu.memory_space<vmem>>, vector<1024x8xf32>
    tpu.vector_store %arg7[%swap3A, %swap3A_32], %add3A_31 {strides = array<i32>} : memref<1024x8xf32, #tpu.memory_space<vmem>>, vector<1024x8xf32>,
    return
  }
  func.func @transform_0(%arg0: i32) -> (i32, i32) {
    %c0_i32 = arith.constant 0 : i32
    %c0_i32_0 = arith.constant 0 : i32
    return %arg0, %c0_i32 : i32, i32
  }
  func.func @transform_1(%arg0: i32) -> (i32, i32) {
    %c0_i32 = arith.constant 0 : i32
    %c0_i32_0 = arith.constant 0 : i32
    return %arg0, %c0_i32 : i32, i32
  }
  func.func @transform_2(%arg0: i32) -> (i32, i32, i32) {
    %c0_i32 = arith.constant 0 : i32
    %c0_i32_0 = arith.constant 0 : i32
    %c0_i32_1 = arith.constant 0 : i32
    return %c0_i32, %arg0, %c0_i32_0 : i32, i32, i32
  }
  func.func @transform_3(%arg0: i32) -> (i32, i32) {
    %c0_i32 = arith.constant 0 : i32
    %c0_i32_0 = arith.constant 0 : i32
    %c0_i32_1 = arith.constant 0 : i32
    return %c0_i32, %c0_i32_0 : i32, i32
  }
  func.func @transform_4(%arg0: i32) -> (i32, i32) {
    %c0_i32 = arith.constant 0 : i32
    %c0_i32_0 = arith.constant 0 : i32
    %c0_i32_1 = arith.constant 0 : i32
    return %c0_i32, %c0_i32_0 : i32, i32
  }
  func.func @transform_5(%arg0: i32) -> (i32, i32) {
    %c0_i32 = arith.constant 0 : i32
    %c0_i32_0 = arith.constant 0 : i32
    %c0_i32_1 = arith.constant 0 : i32
    return %c0_i32, %c0_i32_0 : i32, i32
  }
  func.func @transform_6(%arg0: i32) -> (i32, i32) {
    %c0_i32 = arith.constant 0 : i32
    %c0_i32_0 = arith.constant 0 : i32
    return %arg0, %c0_i32 : i32, i32
  }
}

</mosaic_0001>

<sc_bundles>
// kernel: kernel.11.cloned.1.call-start
scs
__scs_entry_jumppad:
0x0: {  	(pc) =	sbr.rel $0x88, $3  }
0x1: {  	(tag) =	ssettag $0x0;
	lr =	simm.s32 $0x1  }
0x2: {  	[smem:$0x3F99] =	sst lr;
	_ =	strace $0xD0000000  }
0x3: {  	_ = 	snop  }
0x4: {  	_ = 	snop  }
0x5: {  	_ = 	snop  }
0x6: {  	_ = 	snop  }
0x7: {  	_ = 	snop  }
__scs_overlays_trampoline_lowered:
0x8: {  	[smem:$0x3FA8] =	sst s0  }
0x9: {  	[smem:$0x3FA9] =	sst s1  }
0xa: {  	[smem:$0x3FAA] =	sst s2  }
0xb: {  	[smem:$0x3FAB] =	sst s3  }
0xc: {  	[smem:$0x3FAC] =	sst s4  }
0xd: {  	[smem:$0x3FAD] =	sst s5  }
0xe: {  	[smem:$0x3FAE] =	sst s6  }
0xf: {  	[smem:$0x3FAF] =	sst s7  }
0x10: {  	[smem:$0x3FB0] =	sst s8  }
0x11: {  	[smem:$0x3FB1] =	sst s9;
	s0 =	simm.s32 @!p0 $0x0  }
0x12: {  	s1 =	sld [smem:$0x3F97];
	s0 =	simm.s32 @p0 $0x1  }
0x13: {  	[smem:$0x3FB2] =	sst s0;
	s0 =	simm.s32 @!p1 $0x0  }
0x14: {  	s2 =	sld [smem:$0x3F96];
	s0 =	simm.s32 @p1 $0x1  }
0x15: {  	[smem:$0x3FB3] =	sst s0;
	s0 =	simm.s32 @!p2 $0x0  }
0x16: {  	s3 =	sld [smem:$0x3FDB];
	s0 =	simm.s32 @p2 $0x1  }
0x17: {  	s4 =	simm.s32 $0x1BF5;
	[smem:$0x3FB5] =	sst s0  }
0x18: {  	s0 =	sld [smem:$0x3F98];
	_ =	swait.ge [sflag:s4], $0x0  }
0x19: {  	s7 =	sld [smem:$0x3F99]  }
0x1a: {  	s8 =	sadd.s32 $0xFFFFE003, lr  }
0x1b: {  	s9 =	sadd.s32 $0xFFFFFEF7, lr;
	s5 =	simm.s32 $0xFFFFFFFF;
	p2 =	slt.u32 s8, $0xFFFFF086  }
0x1c: {  	p1 =	slt.u32 s9, $0xF7A;
	s5 =	simm.s32 @!p2 $0x0  }
0x1d: {  	s5 =	simm.s32 @p1 $0x1;
	p0 =	seq.s32 s7, s2  }
0x1e: {  	s7 =	smul.u32 @!p0 $0xF7A, s2;
	p2 =	seq.s32 @!p0 s5, $0x0  }
0x1f: {  	s9 =	smul.u32 $0xF7A, s1;
	s8 =	simm.s32 @!p0 $0x1BF5;
	p2 =	por !p2, p0  }
0x20: {  	[sflag:s8] =	ssyncset.s32 @!p0 $0xFFFFF086;
	s6 =	sadd.s32 @!p0 s3, s7;
	s7 =	simm.s32 @!p0 $0x108  }
0x21: {  	s3 =	sadd.s32 s3, s9;
	s6 =	sadd.s32 @!p0 $0x88, s6;
	s7 =	simm.s32 @p2 $0x1082  }
0x22: {  	[simem:s7], [sflag:s8] =	dma.local @!p0 [hbm:s6], $0xF7A  }
0x23: {  	s9 =	sor.u32 $0xD0000000, s2;
	s6 =	simm.s32 $0x108;
	_ =	swait.ge @!p0 [sflag:s8], $0x0  }
0x24: {  	s3 =	sadd.s32 $0x88, s3;
	s6 =	simm.s32 @!p1 $0x1082;
	[sflag:s4] =	ssyncset.s32 $0xFFFFF086  }
0x25: {  	[simem:s6], [sflag:s4] =	dma.local [hbm:s3], $0xF7A  }
0x26: {  	[smem:$0x3F99] =	sst s1;
	(tag) =	ssettag s2;
	_ =	strace s9  }
0x27: {  	s1 =	sld [smem:$0x3FA9]  }
0x28: {  	s2 =	sld [smem:$0x3FAA]  }
0x29: {  	s4 =	sld [smem:$0x3FAC]  }
0x2a: {  	p0 =	seq.s32 s5, $0x0;
	s5 =	sld [smem:$0x3FAD]  }
0x2b: {  	s6 =	sld [smem:$0x3FAE]  }
0x2c: {  	s7 =	sld [smem:$0x3FAF]  }
0x2d: {  	s3 =	simm.s32 $0x108;
	s8 =	sld [smem:$0x3FB0]  }
0x2e: {  	s3 =	simm.s32 @!p0 $0x1082;
	s9 =	sld [smem:$0x3FB1]  }
0x2f: {  	lr =	sadd.s32 s0, s3;
	s0 =	sld [smem:$0x3FA8]  }
0x30: {  	s3 =	sld [smem:$0x3FAB]  }
0x31: {  	[smem:$0x3FB4] =	sst s10  }
0x32: {  	s10 =	sld [smem:$0x3FB2];
	_ =	sdelay $0x3  }
0x33: {  	p0 =	seq.s32 s10, $0x1;
	s10 =	sld [smem:$0x3FB4];
	_ =	sdelay $0x3  }
0x34: {  	[smem:$0x3FB4] =	sst s10  }
0x35: {  	s10 =	sld [smem:$0x3FB3];
	_ =	sdelay $0x3  }
0x36: {  	p1 =	seq.s32 s10, $0x1;
	s10 =	sld [smem:$0x3FB4];
	_ =	sdelay $0x3  }
0x37: {  	[smem:$0x3FB4] =	sst s10  }
0x38: {  	s10 =	sld [smem:$0x3FB5]  }
0x39: {  	_ = 	snop;
	(pc) =	sbr.ind lr, $3  }
0x3a: {  	_ = 	snop  }
0x3b: {  	_ = 	snop  }
0x3c: {  	p2 =	seq.s32 s10, $0x1;
	s10 =	sld [smem:$0x3FB4]  }
0x3d: {  	_ =	shalt  }
0x3e: {  	_ =	shalt  }
0x3f: {  	_ =	shalt  }
0x40: {  	_ =	shalt  }
0x41: {  	_ =	shalt  }
0x42: {  	_ =	shalt  }
0x43: {  	_ =	shalt  }
0x44: {  	_ =	shalt  }
0x45: {  	_ =	shalt  }
0x46: {  	_ =	shalt  }
0x47: {  	_ =	shalt  }
0x48: {  	_ =	shalt  }
0x49: {  	_ =	shalt  }
0x4a: {  	_ =	shalt  }
0x4b: {  	_ =	shalt  }
0x4c: {  	_ =	shalt  }
0x4d: {  	_ =	shalt  }
0x4e: {  	_ =	shalt  }
0x4f: {  	_ =	shalt  }
0x50: {  	_ =	shalt  }
0x51: {  	_ =	shalt  }
0x52: {  	_ =	shalt  }
0x53: {  	_ =	shalt  }
0x54: {  	_ =	shalt  }
0x55: {  	_ =	shalt  }
0x56: {  	_ =	shalt  }
0x57: {  	_ =	shalt  }
0x58: {  	_ =	shalt  }
0x59: {  	_ =	shalt  }
0x5a: {  	_ =	shalt  }
0x5b: {  	_ =	shalt  }
0x5c: {  	_ =	shalt  }
0x5d: {  	_ =	shalt  }
0x5e: {  	_ =	shalt  }
0x5f: {  	_ =	shalt  }
0x60: {  	_ =	shalt  }
0x61: {  	_ =	shalt  }
0x62: {  	_ =	shalt  }
0x63: {  	_ =	shalt  }
0x64: {  	_ =	shalt  }
0x65: {  	_ =	shalt  }
0x66: {  	_ =	shalt  }
0x67: {  	_ =	shalt  }
0x68: {  	_ =	shalt  }
0x69: {  	_ =	shalt  }
0x6a: {  	_ =	shalt  }
0x6b: {  	_ =	shalt  }
0x6c: {  	_ =	shalt  }
0x6d: {  	_ =	shalt  }
0x6e: {  	_ =	shalt  }
0x6f: {  	_ =	shalt  }
0x70: {  	_ =	shalt  }
0x71: {  	_ =	shalt  }
0x72: {  	_ =	shalt  }
0x73: {  	_ =	shalt  }
0x74: {  	_ =	shalt  }
0x75: {  	_ =	shalt  }
0x76: {  	_ =	shalt  }
0x77: {  	_ =	shalt  }
0x78: {  	_ =	shalt  }
0x79: {  	_ =	shalt  }
0x7a: {  	_ =	shalt  }
0x7b: {  	_ =	shalt  }
0x7c: {  	_ =	shalt  }
0x7d: {  	_ =	shalt  }
0x7e: {  	_ =	shalt  }
0x7f: {  	_ =	shalt  }
0x80: {  	_ =	shalt  }
0x81: {  	_ =	shalt  }
0x82: {  	_ =	shalt  }
0x83: {  	_ =	shalt  }
0x84: {  	_ =	shalt  }
0x85: {  	_ =	shalt  }
0x86: {  	_ =	shalt  }
0x87: {  	_ =	shalt  }
.Lfunc_end0:
.L_simem_size_0:
called_computation.1_lowered:
.L_overlay_start_0:
0x88: {  	s2 =	sld [smem:$0x3FD9]  }
0x89: {  	s3 =	sld [smem:$0x3FFE];
	_ =	sdelay $0x1  }
0x8a: {  	s1 =	srdreg.scid  }
0x8b: {  	s0 =	sand.u32 $0x1, s1  }
0x8c: {  	s16 =	sshll.u32 s0, $0xA;
	s2 =	sadd.s32 s3, s2  }
0x8d: {  	s2 =	sadd.s32 s2, s16  }
0x8e: {  	[smem:$0x3FC0] =	sst s2  }
0x8f: {  	_ = 	snop  }
0x90: {  	(tm) =	ssettm $0x1  }
0x91: {  	s17 =	sld [smem:$0x3FFB];
	_ =	sdelay $0x3  }
0x92: {  	_ =	strace s17  }
0x93: {  	s2 =	sld [smem:$0x3FFC];
	_ =	sdelay $0x3  }
0x94: {  	_ =	strace s2  }
0x95: {  	s2 =	sld [smem:$0x3FFD];
	_ =	sdelay $0x3  }
0x96: {  	_ =	strace s2  }
0x97: {  	_ =	strace $0x8FFFFFFF  }
0x98: {  	s18 =	sld [smem:$0x3FDB];
	_ =	sdelay $0x1  }
0x99: {  	s19 =	simm.s32 $_scs_section_size  }
0x9a: {  	s4 =	simm.s32 $_size__tile_overlayer_lowered;
	s5 =	simm.s32 $_tile_overlayer_lowered  }
0x9b: {  	s22 =	simm.s32 $0x1BFF;
	s21 =	sshll.u32 s5, $0x1;
	s2 =	sadd.s32 s19, s18  }
0x9c: {  	s6 =	simm.s32 $0x0;
	s20 =	sshll.u32 s4, $0x1;
	s4 =	sadd.s32 s21, s2  }
0x9d: {  	[timem:s6], [sflag:s22] =	dma.local [hbm:s4], s20  }
0x9e: {  	_ =	swait.ge [sflag:s22], s20  }
0x9f: {  	s3 =	ssub.s32 $0x0, s20;
	[sflag:s22] =	ssyncset.done $0x0  }
0xa0: {  	[sflag:s22] =	ssyncadd.s32 s3;
	_ =	sdelay $0x1  }
0xa1: {  	s23 =	simm.s32 $0x1B8B  }
0xa2: {  	_ =	swait.ge [sflag:s23], $0x1  }
0xa3: {  	[sflag:s23] =	ssyncset.done $0x0  }
0xa4: {  	s25 =	simm.s32 $0x1B8E;
	s24 =	sld [smem:$0x3FFE];
	[sflag:s23] =	ssyncadd.s32 $0xFFFFFFFF  }
0xa5: {  	s26 =	simm.s32 $execute0_lowered;
	[smem:$0x3FD2] =	sst s25  }
0xa6: {  	s4 =	sshll.u32 s26, $0x1;
	_ =	strace $0x80000049;
	[dreg:$0x1] =	wrdreg $0xFFFFFFFF  }
0xa7: {  	s28 =	simm.s32 $_size_execute0_lowered;
	s2 =	sadd.s32 s2, s4;
	[dreg:$0x0] =	wrdreg $0x0  }
0xa8: {  	s4 =	sshll.u32 s28, $0x1;
	[dreg:$0x2] =	wrdreg s2  }
0xa9: {  	[dreg:$0x3] =	wrdreg s4  }
0xaa: {  	[dreg:$0x4] =	wrdreg $0xC0  }
0xab: {  	_ =	task [dreg:s6], $0x5FFFF  }
0xac: {  	[dreg:$0x1] =	wrdreg $0xFFFFFFFF  }
0xad: {  	[dreg:$0x0] =	wrdreg $0x60  }
0xae: {  	[dreg:$0x2] =	wrdreg s24  }
0xaf: {  	[dreg:$0x3] =	wrdreg $0x90000  }
0xb0: {  	[dreg:$0x4] =	wrdreg $0x9  }
0xb1: {  	_ =	task.clear_ibuf [dreg:s6], $0x5FFFF;
	_ =	strace $0x90000049  }
0xb2: {  	s29 =	simm.s32 $0x9;
	_ =	strace $0x8000004E  }
0xb3: {  	_ =	swait.ge [sflag:s29], $0x1  }
0xb4: {  	[sflag:s29] =	ssyncadd.s32 $0xFFFFFFFF  }
0xb5: {  	_ =	strace $0x9000004E  }
0xb6: {  	_ =	sfence  }
0xb7: {  	s30 =	sld [smem:$0x0];
	_ =	sdelay $0x2  }
0xb8: {  	s31 =	sshll.u32 s1, $0xD;
	s1 =	sshrl.u32 s1, $0x2  }
0xb9: {  	s3 =	sand.u32 $0x4000, s31;
	s1 =	sadd.s32 s1, s30  }
0xba: {  	s0 =	sor.u32 s3, s0;
	s1 =	sshll.u32 s1, $0x11  }
0xbb: {  	s0 =	sor.u32 s1, s0  }
0xbc: {  	s0 =	sadd.s32 $0x8F2B, s0  }
0xbd: {  	[sflag:s0] =	ssyncadd.remote.s32 $0x1  }
0xbe: {  	_ =	sfence.sel $0xFFFF  }
0xbf: {  	[dreg:$0x0] =	wrdreg $0xFFFFFFFF;
	(pc) =	sbr.abs _section_cstart, $3  }
0xc0: {  	[dreg:$0x1] =	wrdreg $0xFFFFFFFF  }
0xc1: {  	_ =	task.clear_ibuf [dreg:s6], $0x2FFFF;
	_ =	strace $0x9FFFFFFF  }
0xc2: {  	(tm) =	ssettm $0x7FFFFFFF  }
0xc3: {  	_ =	shalt  }
tec
execute0_lowered:
.L_overlay_start_1:
0x0: {  	(tag) =	ssettag $0x1  }
0x1: {  	s1 =	srdreg.scid  }
0x2: {  	s1 =	sand.u32 $0x1, s1  }
0x3: {  	p0 =	seq.s32 s1, $0x1  }
.Ltmp0:
0x4: {  	_ = 	snop;
	(pc) =	sbr.rel @p0 .LBB2_4-.Ltmp0, $4  }
0x5: {  	s12 =	rddreg [dreg:$0x0]  }
0x6: {  	s2 =	rddreg [dreg:$0x1];
	s8 =	simm.s32 $0x0  }
0x7: {  	[smem:$0x7FF] =	sst s8  }
0x8: {  	s0 =	rddreg [dreg:$0x2];
	_ =	strace $0x8000004A;
	s1 =	stileid.u32  }
0x9: {  	s3 =	smul.u32 $0x50000, s1  }
0xa: {  	s13 =	smul.u32 $0x2800, s1  }
0xb: {  	s4 =	sadd.s32 $0x9A200, s12;
	s26 =	sshll.u32 s1, $0x6;
	s3 =	sshrl.u32 s3, $0x2  }
0xc: {  	_ =	strace $0x8000004B;
	s6 =	sadd.s32 s4, s13;
	s5 =	sadd.s32 s3, s2  }
0xd: {  	s3 =	sor.u32 $0x1C04, s26;
	s4 =	sshrl.u32 s5, $0x3;
	s5 =	simm.s32 $0x4  }
0xe: {  	[spmem:s4], [sflag:s3] =	dma.local [hbm:s6], $0x2800  }
0xf: {  	_ =	swait.ge [sflag:s5], $0x2800  }
0x10: {  	s28 =	smul.u32 $0xA000, s1;
	[sflag:s5] =	ssyncset.done $0x0  }
0x11: {  	[sflag:s5] =	ssyncadd.s32 $0xFFFFD800  }
0x12: {  	s14 =	sadd.s32 $0xE200, s12;
	s6 =	sshrl.u32 s28, $0x3;
	_ =	strace $0x9000004B  }
0x13: {  	s10 =	sadd.s32 s14, s6;
	_ =	strace $0x8000004C  }
0x14: {  	[tilespmem:s8], [sflag:$0x4] =	stream.linear.gather [hbm4b:s10+s8], $0x800, $0x200038;
	[tilespmem:$0x1D000] =	vst v63  }
0x15: {  	_ =	swait.ge [sflag:s5], $0x800  }
0x16: {  	[sflag:s5] =	ssyncset.done $0x0  }
0x17: {  	s7 =	sadd.s32 $0x72200, s12;
	[sflag:s5] =	ssyncadd.s32 $0xFFFFF800  }
0x18: {  	s9 =	simm.s32 $0x1000;
	s6 =	simm.s32 $0x80;
	[bflag:$0x0] =	sbarrier.arrive $0xFFFF  }
0x19: {  	[tilespmem:s9], [sflag:$0x2] =	stream.indirect.gather [hbm4b:s7+s6], $0x80, s8, s6, $0x2000b8;
	[tilespmem:$0x1D000] =	vst v63  }
0x1a: {  	s11 =	simm.s32 $0x800;
	s15 =	sand.u32 $0x800, s8;
	s10 =	sadd.s32 $0x100, s10  }
0x1b: {  	[tilespmem:s11], [sflag:$0x1] =	stream.linear.gather [hbm4b:s10+s8], $0x800, $0x200038;
	[tilespmem:$0x1D000] =	vst v63  }
0x1c: {  	s29 =	sor.u32 $0x100, s15;
	s8 =	simm.s32 $0x5000;
	s11 =	simm.s32 $0x2  }
0x1d: {  	[tilespmem:s8], [sflag:$0x3] =	stream.indirect.gather [hbm4b:s7+s6], $0x80, s29, s6, $0x2000b8;
	[tilespmem:$0x1D000] =	vst v63  }
0x1e: {  	_ =	swait.ge [sflag:s11], $0x4000  }
0x1f: {  	[sflag:s11] =	ssyncset.done $0x0  }
0x20: {  	s30 =	sor.u32 $0x80, s15;
	[sflag:s11] =	ssyncadd.s32 $0xFFFFC000  }
0x21: {  	[spmem:s2] =	stream.indirect.scatter.add.f32 [tilespmem:s9], [sflag:$0x4], $0x80, s30, s6, $0x2000b8;
	[tilespmem:$0x1D000] =	vst v63  }
0x22: {  	_ =	swait.ge [sflag:s5], $0x4000  }
0x23: {  	[sflag:s5] =	ssyncset.done $0x0  }
0x24: {  	s16 =	sor.u32 $0x200, s15;
	s10 =	simm.s32 $0x3;
	[sflag:s5] =	ssyncadd.s32 $0xFFFFC000  }
0x25: {  	[tilespmem:s9], [sflag:$0x2] =	stream.indirect.gather [hbm4b:s7+s6], $0x80, s16, s6, $0x2000b8;
	[tilespmem:$0x1D000] =	vst v63  }
0x26: {  	_ =	swait.ge [sflag:s10], $0x4000  }
0x27: {  	[sflag:s10] =	ssyncset.done $0x0  }
0x28: {  	s31 =	sor.u32 $0x180, s15;
	[sflag:s10] =	ssyncadd.s32 $0xFFFFC000  }
0x29: {  	[spmem:s2] =	stream.indirect.scatter.add.f32 [tilespmem:s8], [sflag:$0x4], $0x80, s31, s6, $0x2000b8;
	[tilespmem:$0x1D000] =	vst v63  }
0x2a: {  	_ =	swait.ge [sflag:s5], $0x4000  }
0x2b: {  	[sflag:s5] =	ssyncset.done $0x0  }
0x2c: {  	s17 =	sor.u32 $0x300, s15;
	[sflag:s5] =	ssyncadd.s32 $0xFFFFC000  }
0x2d: {  	[tilespmem:s8], [sflag:$0x3] =	stream.indirect.gather [hbm4b:s7+s6], $0x80, s17, s6, $0x2000b8;
	[tilespmem:$0x1D000] =	vst v63  }
0x2e: {  	_ =	swait.ge [sflag:s11], $0x4000  }
0x2f: {  	[sflag:s11] =	ssyncset.done $0x0  }
0x30: {  	s18 =	sor.u32 $0x280, s15;
	[sflag:s11] =	ssyncadd.s32 $0xFFFFC000  }
0x31: {  	[spmem:s2] =	stream.indirect.scatter.add.f32 [tilespmem:s9], [sflag:$0x4], $0x80, s18, s6, $0x2000b8;
	[tilespmem:$0x1D000] =	vst v63  }
0x32: {  	_ =	swait.ge [sflag:s5], $0x4000  }
0x33: {  	[sflag:s5] =	ssyncset.done $0x0  }
0x34: {  	s19 =	sor.u32 $0x400, s15;
	[sflag:s5] =	ssyncadd.s32 $0xFFFFC000  }
0x35: {  	[tilespmem:s9], [sflag:$0x2] =	stream.indirect.gather [hbm4b:s7+s6], $0x80, s19, s6, $0x2000b8;
	[tilespmem:$0x1D000] =	vst v63  }
0x36: {  	_ =	swait.ge [sflag:s10], $0x4000  }
0x37: {  	[sflag:s10] =	ssyncset.done $0x0  }
0x38: {  	s20 =	sor.u32 $0x380, s15;
	[sflag:s10] =	ssyncadd.s32 $0xFFFFC000  }
0x39: {  	[spmem:s2] =	stream.indirect.scatter.add.f32 [tilespmem:s8], [sflag:$0x4], $0x80, s20, s6, $0x2000b8;
	[tilespmem:$0x1D000] =	vst v63  }
0x3a: {  	_ =	swait.ge [sflag:s5], $0x4000  }
0x3b: {  	[sflag:s5] =	ssyncset.done $0x0  }
0x3c: {  	s21 =	sor.u32 $0x500, s15;
	[sflag:s5] =	ssyncadd.s32 $0xFFFFC000  }
0x3d: {  	[tilespmem:s8], [sflag:$0x3] =	stream.indirect.gather [hbm4b:s7+s6], $0x80, s21, s6, $0x2000b8;
	[tilespmem:$0x1D000] =	vst v63  }
0x3e: {  	_ =	swait.ge [sflag:s11], $0x4000  }
0x3f: {  	[sflag:s11] =	ssyncset.done $0x0  }
0x40: {  	s22 =	sor.u32 $0x480, s15;
	[sflag:s11] =	ssyncadd.s32 $0xFFFFC000  }
0x41: {  	[spmem:s2] =	stream.indirect.scatter.add.f32 [tilespmem:s9], [sflag:$0x4], $0x80, s22, s6, $0x2000b8;
	[tilespmem:$0x1D000] =	vst v63  }
0x42: {  	_ =	swait.ge [sflag:s5], $0x4000  }
0x43: {  	[sflag:s5] =	ssyncset.done $0x0  }
0x44: {  	s23 =	sor.u32 $0x600, s15;
	[sflag:s5] =	ssyncadd.s32 $0xFFFFC000  }
0x45: {  	[tilespmem:s9], [sflag:$0x2] =	stream.indirect.gather [hbm4b:s7+s6], $0x80, s23, s6, $0x2000b8;
	[tilespmem:$0x1D000] =	vst v63  }
0x46: {  	_ =	swait.ge [sflag:s10], $0x4000  }
0x47: {  	[sflag:s10] =	ssyncset.done $0x0  }
0x48: {  	s24 =	sor.u32 $0x580, s15;
	[sflag:s10] =	ssyncadd.s32 $0xFFFFC000  }
0x49: {  	[spmem:s2] =	stream.indirect.scatter.add.f32 [tilespmem:s8], [sflag:$0x4], $0x80, s24, s6, $0x2000b8;
	[tilespmem:$0x1D000] =	vst v63  }
0x4a: {  	_ =	swait.ge [sflag:s5], $0x4000  }
0x4b: {  	[sflag:s5] =	ssyncset.done $0x0  }
0x4c: {  	s25 =	sor.u32 $0x700, s15;
	[sflag:s5] =	ssyncadd.s32 $0xFFFFC000  }
0x4d: {  	[tilespmem:s8], [sflag:$0x3] =	stream.indirect.gather [hbm4b:s7+s6], $0x80, s25, s6, $0x2000b8;
	[tilespmem:$0x1D000] =	vst v63  }
0x4e: {  	_ =	swait.ge [sflag:s11], $0x4000  }
0x4f: {  	[sflag:s11] =	ssyncset.done $0x0  }
0x50: {  	s26 =	sor.u32 $0x680, s15;
	[sflag:s11] =	ssyncadd.s32 $0xFFFFC000  }
0x51: {  	[spmem:s2] =	stream.indirect.scatter.add.f32 [tilespmem:s9], [sflag:$0x4], $0x80, s26, s6, $0x2000b8;
	[tilespmem:$0x1D000] =	vst v63  }
0x52: {  	_ =	swait.ge [sflag:s5], $0x4000  }
0x53: {  	p0 =	por $0x0, $0x0;
	[sflag:s5] =	ssyncset.done $0x0  }
0x54: {  	s16 =	simm.s32 @!p0 $0x1;
	[sflag:s5] =	ssyncadd.s32 $0xFFFFC000  }
0x55: {  	_ =	swait.ge @!p0 [sflag:s16], $0x800  }
0x56: {  	p1 =	por $0x0, $0x0;
	s18 =	sxor.u32 @!p0 $0x800, s15;
	[sflag:s16] =	ssyncset.done @!p0 $0x0  }
0x57: {  	s19 =	simm.s32 @!p0 $0x1000;
	[sflag:s16] =	ssyncadd.s32 @!p0 $0xFFFFF800;
	s16 =	simm.s32 @!p0 $0x80  }
0x58: {  	[tilespmem:s19], [sflag:$0x2] =	stream.indirect.gather @!p0 [hbm4b:s7+s16], $0x80, s18, s16, $0x2000b8;
	[tilespmem:$0x1D000] =	vst v63  }
0x59: {  	s28 =	sadd.s32 s13, s12;
	s30 =	simm.s32 $0x800;
	_ =	swait.ge [sflag:s10], $0x4000  }
0x5a: {  	s12 =	sadd.s32 $0xC2200, s28;
	s13 =	sand.u32 $0x800, s30;
	[sflag:s10] =	ssyncset.done $0x0  }
0x5b: {  	s31 =	sadd.s32 $0x780, s15;
	s17 =	smul.u32 $0x1400, s1;
	[sflag:s10] =	ssyncadd.s32 $0xFFFFC000  }
0x5c: {  	[spmem:s2] =	stream.indirect.scatter.add.f32 [tilespmem:s8], [sflag:$0x4], $0x80, s31, s6, $0x2000b8;
	[tilespmem:$0x1D000] =	vst v63  }
0x5d: {  	s29 =	sadd.s32 s17, s14;
	s17 =	simm.s32 $0x1000;
	_ =	swait.ge [sflag:s5], $0x4000  }
0x5e: {  	s18 =	sadd.s32 $0x200, s29;
	s19 =	simm.s32 @!p1 $0x0;
	[sflag:s5] =	ssyncset.done $0x0  }
0x5f: {  	s16 =	simm.s32 $0x1;
	s14 =	sadd.s32 $0x100, s18;
	[sflag:s5] =	ssyncadd.s32 $0xFFFFC000  }
.LBB2_2:
0x60: {  	[tilespmem:s15], [sflag:$0x1] =	stream.linear.gather @!p1 [hbm4b:s18+s19], $0x800, $0x200038;
	[tilespmem:$0x1D000] =	vst v63  }
0x61: {  	s18 =	sand.u32 $0x800, s17;
	s17 =	sadd.s32 $0x800, s17;
	s15 =	sor.u32 $0x100, s13  }
0x62: {  	[tilespmem:s8], [sflag:$0x3] =	stream.indirect.gather [hbm4b:s7+s6], $0x80, s15, s6, $0x2000b8;
	[tilespmem:$0x1D000] =	vst v63  }
0x63: {  	p0 =	sne.s32 s17, $0xA000;
	s15 =	smov.u32 s13;
	_ =	swait.ge [sflag:s11], $0x4000  }
0x64: {  	s13 =	smov.u32 s18;
	s18 =	smov.u32 s14;
	[sflag:s11] =	ssyncset.done $0x0  }
0x65: {  	s19 =	sor.u32 $0x80, s15;
	[sflag:s11] =	ssyncadd.s32 $0xFFFFC000  }
0x66: {  	[spmem:s2] =	stream.indirect.scatter.add.f32 [tilespmem:s9], [sflag:$0x4], $0x80, s19, s6, $0x2000b8;
	[tilespmem:$0x1D000] =	vst v63  }
0x67: {  	_ =	swait.ge [sflag:s5], $0x4000  }
0x68: {  	[sflag:s5] =	ssyncset.done $0x0  }
0x69: {  	s19 =	sor.u32 $0x200, s15;
	[sflag:s5] =	ssyncadd.s32 $0xFFFFC000  }
0x6a: {  	[tilespmem:s9], [sflag:$0x2] =	stream.indirect.gather [hbm4b:s7+s6], $0x80, s19, s6, $0x2000b8;
	[tilespmem:$0x1D000] =	vst v63  }
0x6b: {  	_ =	swait.ge [sflag:s10], $0x4000  }
0x6c: {  	[sflag:s10] =	ssyncset.done $0x0  }
0x6d: {  	s19 =	sor.u32 $0x180, s15;
	[sflag:s10] =	ssyncadd.s32 $0xFFFFC000  }
0x6e: {  	[spmem:s2] =	stream.indirect.scatter.add.f32 [tilespmem:s8], [sflag:$0x4], $0x80, s19, s6, $0x2000b8;
	[tilespmem:$0x1D000] =	vst v63  }
0x6f: {  	_ =	swait.ge [sflag:s5], $0x4000  }
0x70: {  	[sflag:s5] =	ssyncset.done $0x0  }
0x71: {  	s19 =	sor.u32 $0x300, s15;
	[sflag:s5] =	ssyncadd.s32 $0xFFFFC000  }
0x72: {  	[tilespmem:s8], [sflag:$0x3] =	stream.indirect.gather [hbm4b:s7+s6], $0x80, s19, s6, $0x2000b8;
	[tilespmem:$0x1D000] =	vst v63  }
0x73: {  	_ =	swait.ge [sflag:s11], $0x4000  }
0x74: {  	[sflag:s11] =	ssyncset.done $0x0  }
0x75: {  	s19 =	sor.u32 $0x280, s15;
	[sflag:s11] =	ssyncadd.s32 $0xFFFFC000  }
0x76: {  	[spmem:s2] =	stream.indirect.scatter.add.f32 [tilespmem:s9], [sflag:$0x4], $0x80, s19, s6, $0x2000b8;
	[tilespmem:$0x1D000] =	vst v63  }
0x77: {  	_ =	swait.ge [sflag:s5], $0x4000  }
0x78: {  	[sflag:s5] =	ssyncset.done $0x0  }
0x79: {  	s19 =	sor.u32 $0x400, s15;
	[sflag:s5] =	ssyncadd.s32 $0xFFFFC000  }
0x7a: {  	[tilespmem:s9], [sflag:$0x2] =	stream.indirect.gather [hbm4b:s7+s6], $0x80, s19, s6, $0x2000b8;
	[tilespmem:$0x1D000] =	vst v63  }
0x7b: {  	_ =	swait.ge [sflag:s10], $0x4000  }
0x7c: {  	[sflag:s10] =	ssyncset.done $0x0  }
0x7d: {  	s19 =	sor.u32 $0x380, s15;
	[sflag:s10] =	ssyncadd.s32 $0xFFFFC000  }
0x7e: {  	[spmem:s2] =	stream.indirect.scatter.add.f32 [tilespmem:s8], [sflag:$0x4], $0x80, s19, s6, $0x2000b8;
	[tilespmem:$0x1D000] =	vst v63  }
0x7f: {  	_ =	swait.ge [sflag:s5], $0x4000  }
0x80: {  	[sflag:s5] =	ssyncset.done $0x0  }
0x81: {  	s19 =	sor.u32 $0x500, s15;
	[sflag:s5] =	ssyncadd.s32 $0xFFFFC000  }
0x82: {  	[tilespmem:s8], [sflag:$0x3] =	stream.indirect.gather [hbm4b:s7+s6], $0x80, s19, s6, $0x2000b8;
	[tilespmem:$0x1D000] =	vst v63  }
0x83: {  	_ =	swait.ge [sflag:s11], $0x4000  }
0x84: {  	[sflag:s11] =	ssyncset.done $0x0  }
0x85: {  	s19 =	sor.u32 $0x480, s15;
	[sflag:s11] =	ssyncadd.s32 $0xFFFFC000  }
0x86: {  	[spmem:s2] =	stream.indirect.scatter.add.f32 [tilespmem:s9], [sflag:$0x4], $0x80, s19, s6, $0x2000b8;
	[tilespmem:$0x1D000] =	vst v63  }
0x87: {  	_ =	swait.ge [sflag:s5], $0x4000  }
0x88: {  	[sflag:s5] =	ssyncset.done $0x0  }
0x89: {  	s19 =	sor.u32 $0x600, s15;
	[sflag:s5] =	ssyncadd.s32 $0xFFFFC000  }
0x8a: {  	[tilespmem:s9], [sflag:$0x2] =	stream.indirect.gather [hbm4b:s7+s6], $0x80, s19, s6, $0x2000b8;
	[tilespmem:$0x1D000] =	vst v63  }
0x8b: {  	_ =	swait.ge [sflag:s10], $0x4000  }
0x8c: {  	[sflag:s10] =	ssyncset.done $0x0  }
0x8d: {  	s19 =	sor.u32 $0x580, s15;
	[sflag:s10] =	ssyncadd.s32 $0xFFFFC000  }
0x8e: {  	[spmem:s2] =	stream.indirect.scatter.add.f32 [tilespmem:s8], [sflag:$0x4], $0x80, s19, s6, $0x2000b8;
	[tilespmem:$0x1D000] =	vst v63  }
0x8f: {  	_ =	swait.ge [sflag:s5], $0x4000  }
0x90: {  	[sflag:s5] =	ssyncset.done $0x0  }
0x91: {  	s19 =	sor.u32 $0x700, s15;
	[sflag:s5] =	ssyncadd.s32 $0xFFFFC000  }
0x92: {  	[tilespmem:s8], [sflag:$0x3] =	stream.indirect.gather [hbm4b:s7+s6], $0x80, s19, s6, $0x2000b8;
	[tilespmem:$0x1D000] =	vst v63  }
0x93: {  	_ =	swait.ge [sflag:s11], $0x4000  }
0x94: {  	[sflag:s11] =	ssyncset.done $0x0  }
0x95: {  	s19 =	sor.u32 $0x680, s15;
	[sflag:s11] =	ssyncadd.s32 $0xFFFFC000  }
0x96: {  	[spmem:s2] =	stream.indirect.scatter.add.f32 [tilespmem:s9], [sflag:$0x4], $0x80, s19, s6, $0x2000b8;
	[tilespmem:$0x1D000] =	vst v63  }
0x97: {  	_ =	swait.ge [sflag:s5], $0x4000  }
0x98: {  	p1 =	seq.s32 s16, $0x13;
	[sflag:s5] =	ssyncset.done $0x0  }
0x99: {  	s20 =	sxor.u32 @!p1 $0x800, s15;
	s19 =	simm.s32 @!p1 $0x1;
	[sflag:s5] =	ssyncadd.s32 $0xFFFFC000  }
0x9a: {  	_ =	swait.ge @!p1 [sflag:s19], $0x800  }
0x9b: {  	[sflag:s19] =	ssyncset.done @!p1 $0x0  }
0x9c: {  	s21 =	simm.s32 @!p1 $0x1000;
	[sflag:s19] =	ssyncadd.s32 @!p1 $0xFFFFF800;
	s19 =	simm.s32 @!p1 $0x80  }
0x9d: {  	[tilespmem:s21], [sflag:$0x2] =	stream.indirect.gather @!p1 [hbm4b:s7+s19], $0x80, s20, s19, $0x2000b8;
	[tilespmem:$0x1D000] =	vst v63  }
0x9e: {  	_ =	swait.ge [sflag:s10], $0x4000  }
0x9f: {  	[sflag:s10] =	ssyncset.done $0x0  }
.Ltmp1:
0xa0: {  	s19 =	sadd.s32 $0x780, s15;
	[sflag:s10] =	ssyncadd.s32 $0xFFFFC000;
	(pc) =	sbr.rel @p0 .LBB2_2-.Ltmp1, $4  }
0xa1: {  	[spmem:s2] =	stream.indirect.scatter.add.f32 [tilespmem:s8], [sflag:$0x4], $0x80, s19, s6, $0x2000b8;
	[tilespmem:$0x1D000] =	vst v63  }
0xa2: {  	_ =	swait.ge [sflag:s5], $0x4000  }
0xa3: {  	s14 =	sadd.s32 $0x100, s14;
	p1 =	sgt.u32 s16, $0x11;
	[sflag:s5] =	ssyncset.done $0x0  }
0xa4: {  	s16 =	sadd.s32 $0x1, s16;
	s19 =	simm.s32 @!p1 $0x0;
	[sflag:s5] =	ssyncadd.s32 $0xFFFFC000  }
0xa5: {  	[tilespmem:s15], [sflag:$0x1] =	stream.linear.gather @!p1 [hbm4b:s18+s19], $0x800, $0x200038;
	[tilespmem:$0x1D000] =	vst v63  }
0xa6: {  	s30 =	sor.u32 $0x100, s13  }
0xa7: {  	[tilespmem:s8], [sflag:$0x3] =	stream.indirect.gather [hbm4b:s7+s6], $0x80, s30, s6, $0x2000b8;
	[tilespmem:$0x1D000] =	vst v63  }
0xa8: {  	_ =	swait.ge [sflag:s11], $0x4000  }
0xa9: {  	[sflag:s11] =	ssyncset.done $0x0  }
0xaa: {  	s31 =	sor.u32 $0x80, s13;
	[sflag:s11] =	ssyncadd.s32 $0xFFFFC000  }
0xab: {  	[spmem:s2] =	stream.indirect.scatter.add.f32 [tilespmem:s9], [sflag:$0x4], $0x80, s31, s6, $0x2000b8;
	[tilespmem:$0x1D000] =	vst v63  }
0xac: {  	_ =	swait.ge [sflag:s5], $0x4000  }
0xad: {  	[sflag:s5] =	ssyncset.done $0x0  }
0xae: {  	s17 =	sor.u32 $0x200, s13;
	[sflag:s5] =	ssyncadd.s32 $0xFFFFC000  }
0xaf: {  	[tilespmem:s9], [sflag:$0x2] =	stream.indirect.gather [hbm4b:s7+s6], $0x80, s17, s6, $0x2000b8;
	[tilespmem:$0x1D000] =	vst v63  }
0xb0: {  	_ =	swait.ge [sflag:s10], $0x4000  }
0xb1: {  	[sflag:s10] =	ssyncset.done $0x0  }
0xb2: {  	s18 =	sor.u32 $0x180, s13;
	[sflag:s10] =	ssyncadd.s32 $0xFFFFC000  }
0xb3: {  	[spmem:s2] =	stream.indirect.scatter.add.f32 [tilespmem:s8], [sflag:$0x4], $0x80, s18, s6, $0x2000b8;
	[tilespmem:$0x1D000] =	vst v63  }
0xb4: {  	_ =	swait.ge [sflag:s5], $0x4000  }
0xb5: {  	[sflag:s5] =	ssyncset.done $0x0  }
0xb6: {  	s19 =	sor.u32 $0x300, s13;
	[sflag:s5] =	ssyncadd.s32 $0xFFFFC000  }
0xb7: {  	[tilespmem:s8], [sflag:$0x3] =	stream.indirect.gather [hbm4b:s7+s6], $0x80, s19, s6, $0x2000b8;
	[tilespmem:$0x1D000] =	vst v63  }
0xb8: {  	_ =	swait.ge [sflag:s11], $0x4000  }
0xb9: {  	[sflag:s11] =	ssyncset.done $0x0  }
0xba: {  	s20 =	sor.u32 $0x280, s13;
	[sflag:s11] =	ssyncadd.s32 $0xFFFFC000  }
0xbb: {  	[spmem:s2] =	stream.indirect.scatter.add.f32 [tilespmem:s9], [sflag:$0x4], $0x80, s20, s6, $0x2000b8;
	[tilespmem:$0x1D000] =	vst v63  }
0xbc: {  	_ =	swait.ge [sflag:s5], $0x4000  }
0xbd: {  	[sflag:s5] =	ssyncset.done $0x0  }
0xbe: {  	s21 =	sor.u32 $0x400, s13;
	[sflag:s5] =	ssyncadd.s32 $0xFFFFC000  }
0xbf: {  	[tilespmem:s9], [sflag:$0x2] =	stream.indirect.gather [hbm4b:s7+s6], $0x80, s21, s6, $0x2000b8;
	[tilespmem:$0x1D000] =	vst v63  }
0xc0: {  	_ =	swait.ge [sflag:s10], $0x4000  }
0xc1: {  	[sflag:s10] =	ssyncset.done $0x0  }
0xc2: {  	s22 =	sor.u32 $0x380, s13;
	[sflag:s10] =	ssyncadd.s32 $0xFFFFC000  }
0xc3: {  	[spmem:s2] =	stream.indirect.scatter.add.f32 [tilespmem:s8], [sflag:$0x4], $0x80, s22, s6, $0x2000b8;
	[tilespmem:$0x1D000] =	vst v63  }
0xc4: {  	_ =	swait.ge [sflag:s5], $0x4000  }
0xc5: {  	[sflag:s5] =	ssyncset.done $0x0  }
0xc6: {  	s23 =	sor.u32 $0x500, s13;
	[sflag:s5] =	ssyncadd.s32 $0xFFFFC000  }
0xc7: {  	[tilespmem:s8], [sflag:$0x3] =	stream.indirect.gather [hbm4b:s7+s6], $0x80, s23, s6, $0x2000b8;
	[tilespmem:$0x1D000] =	vst v63  }
0xc8: {  	_ =	swait.ge [sflag:s11], $0x4000  }
0xc9: {  	[sflag:s11] =	ssyncset.done $0x0  }
0xca: {  	s24 =	sor.u32 $0x480, s13;
	[sflag:s11] =	ssyncadd.s32 $0xFFFFC000  }
0xcb: {  	[spmem:s2] =	stream.indirect.scatter.add.f32 [tilespmem:s9], [sflag:$0x4], $0x80, s24, s6, $0x2000b8;
	[tilespmem:$0x1D000] =	vst v63  }
0xcc: {  	_ =	swait.ge [sflag:s5], $0x4000  }
0xcd: {  	[sflag:s5] =	ssyncset.done $0x0  }
0xce: {  	s25 =	sor.u32 $0x600, s13;
	[sflag:s5] =	ssyncadd.s32 $0xFFFFC000  }
0xcf: {  	[tilespmem:s9], [sflag:$0x2] =	stream.indirect.gather [hbm4b:s7+s6], $0x80, s25, s6, $0x2000b8;
	[tilespmem:$0x1D000] =	vst v63  }
0xd0: {  	_ =	swait.ge [sflag:s10], $0x4000  }
0xd1: {  	[sflag:s10] =	ssyncset.done $0x0  }
0xd2: {  	s26 =	sor.u32 $0x580, s13;
	[sflag:s10] =	ssyncadd.s32 $0xFFFFC000  }
0xd3: {  	[spmem:s2] =	stream.indirect.scatter.add.f32 [tilespmem:s8], [sflag:$0x4], $0x80, s26, s6, $0x2000b8;
	[tilespmem:$0x1D000] =	vst v63  }
0xd4: {  	_ =	swait.ge [sflag:s5], $0x4000  }
0xd5: {  	[sflag:s5] =	ssyncset.done $0x0  }
0xd6: {  	s28 =	sor.u32 $0x700, s13;
	[sflag:s5] =	ssyncadd.s32 $0xFFFFC000  }
0xd7: {  	[tilespmem:s8], [sflag:$0x3] =	stream.indirect.gather [hbm4b:s7+s6], $0x80, s28, s6, $0x2000b8;
	[tilespmem:$0x1D000] =	vst v63  }
0xd8: {  	_ =	swait.ge [sflag:s11], $0x4000  }
0xd9: {  	[sflag:s11] =	ssyncset.done $0x0  }
0xda: {  	s29 =	sor.u32 $0x680, s13;
	[sflag:s11] =	ssyncadd.s32 $0xFFFFC000  }
0xdb: {  	[spmem:s2] =	stream.indirect.scatter.add.f32 [tilespmem:s9], [sflag:$0x4], $0x80, s29, s6, $0x2000b8;
	[tilespmem:$0x1D000] =	vst v63  }
0xdc: {  	_ =	swait.ge [sflag:s5], $0x4000  }
0xdd: {  	p0 =	seq.s32 s16, $0x13;
	[sflag:s5] =	ssyncset.done $0x0  }
0xde: {  	s9 =	simm.s32 @!p0 $0x1;
	[sflag:s5] =	ssyncadd.s32 $0xFFFFC000  }
0xdf: {  	_ =	swait.ge @!p0 [sflag:s9], $0x800  }
0xe0: {  	s15 =	simm.s32 @!p0 $0x1000;
	[sflag:s9] =	ssyncset.done @!p0 $0x0  }
0xe1: {  	s11 =	sxor.u32 @!p0 $0x800, s13;
	[sflag:s9] =	ssyncadd.s32 @!p0 $0xFFFFF800;
	s9 =	simm.s32 @!p0 $0x80  }
0xe2: {  	[tilespmem:s15], [sflag:$0x2] =	stream.indirect.gather @!p0 [hbm4b:s7+s9], $0x80, s11, s9, $0x2000b8;
	[tilespmem:$0x1D000] =	vst v63  }
0xe3: {  	_ =	swait.ge [sflag:s10], $0x4000  }
0xe4: {  	[sflag:s10] =	ssyncset.done $0x0  }
0xe5: {  	s30 =	sadd.s32 $0x780, s13;
	[sflag:s10] =	ssyncadd.s32 $0xFFFFC000  }
0xe6: {  	[spmem:s2] =	stream.indirect.scatter.add.f32 [tilespmem:s8], [sflag:$0x4], $0x80, s30, s6, $0x2000b8;
	[tilespmem:$0x1D000] =	vst v63  }
0xe7: {  	_ =	swait.ge [sflag:s5], $0x4000  }
0xe8: {  	p0 =	sgt.u32 s16, $0x11;
	[sflag:s5] =	ssyncset.done $0x0  }
0xe9: {  	s2 =	simm.s32 @!p0 $0x0;
	[sflag:s5] =	ssyncadd.s32 $0xFFFFC000  }
0xea: {  	[tilespmem:s13], [sflag:$0x1] =	stream.linear.gather @!p0 [hbm4b:s14+s2], $0x800, $0x200038;
	[tilespmem:$0x1D000] =	vst v63  }
0xeb: {  	_ =	strace $0x9000004C  }
0xec: {  	_ =	strace $0x8000004D  }
0xed: {  	s31 =	simm.s32 $0x4;
	[bflag:$0x0] =	sbarrier.arrive $0xFFFF  }
0xee: {  	[hbm:s12], [sflag:s3] =	dma.local [spmem:s4], $0x2800  }
0xef: {  	_ =	swait.ge [sflag:s31], $0x2800  }
0xf0: {  	[sflag:s31] =	ssyncset.done $0x0  }
0xf1: {  	[sflag:s31] =	ssyncadd.s32 $0xFFFFD800  }
0xf2: {  	_ =	strace $0x9000004D  }
.LBB2_4:
0xf3: {  	_ =	sfence.sel $0x180000  }
0xf4: {  	[bflag:$0x0] =	sbarrier.arrive $0xFFFF  }
0xf5: {  	p0 =	sne.s32 s1, $0x0;
	_ =	strace $0x9000004A  }
0xf6: {  	s0 =	sadd.s32 @!p0 $0x100000, s0;
	[bflag:$0x2] =	sbarrier.arrive $0xFFFF  }
0xf7: {  	[sflag:s0] =	ssyncadd.tile.s32 @!p0 $0x1;
	_ =	shalt  }
.Lfunc_end2:
_tile_overlayer_lowered:
.L_overlay_start_2:
0xf8: {  	(tag) =	ssettag $0x2  }
0xf9: {  	s0 =	rddreg [dreg:$0x0];
	s2 =	stileid.u32  }
0xfa: {  	s1 =	rddreg [dreg:$0x1];
	p0 =	sne.s32 s2, $0x0  }
0xfb: {  	s3 =	rddreg [dreg:$0x2];
	[bflag:$0x3] =	sbarrier.arrive $0xFFFF;
	s2 =	simm.s32 @!p0 $0x1C04  }
0xfc: {  	[timem:s3], [sflag:s2] =	dma.local @!p0 [hbm:s0], s1  }
0xfd: {  	s0 =	simm.s32 @!p0 $0x4  }
0xfe: {  	_ =	swait.ge @!p0 [sflag:s0], s1  }
0xff: {  	s1 =	ssub.s32 @!p0 $0x0, s1;
	[sflag:s0] =	ssyncset.done @!p0 $0x0  }
0x100: {  	[sflag:s0] =	ssyncadd.s32 @!p0 s1  }
0x101: {  	[bflag:$0x3] =	sbarrier.arrive $0xFFFF  }
0x102: {  	_ =	shalt  }

// kernel: kernel.14.cloned.1.call-start
scs
__scs_entry_jumppad:
0x0: {  	(pc) =	sbr.rel $0x88, $3  }
0x1: {  	(tag) =	ssettag $0x0;
	lr =	simm.s32 $0x1  }
0x2: {  	[smem:$0x3F99] =	sst lr;
	_ =	strace $0xD0000000  }
0x3: {  	_ = 	snop  }
0x4: {  	_ = 	snop  }
0x5: {  	_ = 	snop  }
0x6: {  	_ = 	snop  }
0x7: {  	_ = 	snop  }
__scs_overlays_trampoline_lowered:
0x8: {  	[smem:$0x3FA8] =	sst s0  }
0x9: {  	[smem:$0x3FA9] =	sst s1  }
0xa: {  	[smem:$0x3FAA] =	sst s2  }
0xb: {  	[smem:$0x3FAB] =	sst s3  }
0xc: {  	[smem:$0x3FAC] =	sst s4  }
0xd: {  	[smem:$0x3FAD] =	sst s5  }
0xe: {  	[smem:$0x3FAE] =	sst s6  }
0xf: {  	[smem:$0x3FAF] =	sst s7  }
0x10: {  	[smem:$0x3FB0] =	sst s8  }
0x11: {  	[smem:$0x3FB1] =	sst s9;
	s0 =	simm.s32 @!p0 $0x0  }
0x12: {  	s1 =	sld [smem:$0x3F97];
	s0 =	simm.s32 @p0 $0x1  }
0x13: {  	[smem:$0x3FB2] =	sst s0;
	s0 =	simm.s32 @!p1 $0x0  }
0x14: {  	s2 =	sld [smem:$0x3F96];
	s0 =	simm.s32 @p1 $0x1  }
0x15: {  	[smem:$0x3FB3] =	sst s0;
	s0 =	simm.s32 @!p2 $0x0  }
0x16: {  	s3 =	sld [smem:$0x3FDB];
	s0 =	simm.s32 @p2 $0x1  }
0x17: {  	s4 =	simm.s32 $0x1BF5;
	[smem:$0x3FB5] =	sst s0  }
0x18: {  	s0 =	sld [smem:$0x3F98];
	_ =	swait.ge [sflag:s4], $0x0  }
0x19: {  	s7 =	sld [smem:$0x3F99]  }
0x1a: {  	s8 =	sadd.s32 $0xFFFFE003, lr  }
0x1b: {  	s9 =	sadd.s32 $0xFFFFFEF7, lr;
	s5 =	simm.s32 $0xFFFFFFFF;
	p2 =	slt.u32 s8, $0xFFFFF086  }
0x1c: {  	p1 =	slt.u32 s9, $0xF7A;
	s5 =	simm.s32 @!p2 $0x0  }
0x1d: {  	s5 =	simm.s32 @p1 $0x1;
	p0 =	seq.s32 s7, s2  }
0x1e: {  	s7 =	smul.u32 @!p0 $0xF7A, s2;
	p2 =	seq.s32 @!p0 s5, $0x0  }
0x1f: {  	s9 =	smul.u32 $0xF7A, s1;
	s8 =	simm.s32 @!p0 $0x1BF5;
	p2 =	por !p2, p0  }
0x20: {  	[sflag:s8] =	ssyncset.s32 @!p0 $0xFFFFF086;
	s6 =	sadd.s32 @!p0 s3, s7;
	s7 =	simm.s32 @!p0 $0x108  }
0x21: {  	s3 =	sadd.s32 s3, s9;
	s6 =	sadd.s32 @!p0 $0x88, s6;
	s7 =	simm.s32 @p2 $0x1082  }
0x22: {  	[simem:s7], [sflag:s8] =	dma.local @!p0 [hbm:s6], $0xF7A  }
0x23: {  	s9 =	sor.u32 $0xD0000000, s2;
	s6 =	simm.s32 $0x108;
	_ =	swait.ge @!p0 [sflag:s8], $0x0  }
0x24: {  	s3 =	sadd.s32 $0x88, s3;
	s6 =	simm.s32 @!p1 $0x1082;
	[sflag:s4] =	ssyncset.s32 $0xFFFFF086  }
0x25: {  	[simem:s6], [sflag:s4] =	dma.local [hbm:s3], $0xF7A  }
0x26: {  	[smem:$0x3F99] =	sst s1;
	(tag) =	ssettag s2;
	_ =	strace s9  }
0x27: {  	s1 =	sld [smem:$0x3FA9]  }
0x28: {  	s2 =	sld [smem:$0x3FAA]  }
0x29: {  	s4 =	sld [smem:$0x3FAC]  }
0x2a: {  	p0 =	seq.s32 s5, $0x0;
	s5 =	sld [smem:$0x3FAD]  }
0x2b: {  	s6 =	sld [smem:$0x3FAE]  }
0x2c: {  	s7 =	sld [smem:$0x3FAF]  }
0x2d: {  	s3 =	simm.s32 $0x108;
	s8 =	sld [smem:$0x3FB0]  }
0x2e: {  	s3 =	simm.s32 @!p0 $0x1082;
	s9 =	sld [smem:$0x3FB1]  }
0x2f: {  	lr =	sadd.s32 s0, s3;
	s0 =	sld [smem:$0x3FA8]  }
0x30: {  	s3 =	sld [smem:$0x3FAB]  }
0x31: {  	[smem:$0x3FB4] =	sst s10  }
0x32: {  	s10 =	sld [smem:$0x3FB2];
	_ =	sdelay $0x3  }
0x33: {  	p0 =	seq.s32 s10, $0x1;
	s10 =	sld [smem:$0x3FB4];
	_ =	sdelay $0x3  }
0x34: {  	[smem:$0x3FB4] =	sst s10  }
0x35: {  	s10 =	sld [smem:$0x3FB3];
	_ =	sdelay $0x3  }
0x36: {  	p1 =	seq.s32 s10, $0x1;
	s10 =	sld [smem:$0x3FB4];
	_ =	sdelay $0x3  }
0x37: {  	[smem:$0x3FB4] =	sst s10  }
0x38: {  	s10 =	sld [smem:$0x3FB5]  }
0x39: {  	_ = 	snop;
	(pc) =	sbr.ind lr, $3  }
0x3a: {  	_ = 	snop  }
0x3b: {  	_ = 	snop  }
0x3c: {  	p2 =	seq.s32 s10, $0x1;
	s10 =	sld [smem:$0x3FB4]  }
0x3d: {  	_ =	shalt  }
0x3e: {  	_ =	shalt  }
0x3f: {  	_ =	shalt  }
0x40: {  	_ =	shalt  }
0x41: {  	_ =	shalt  }
0x42: {  	_ =	shalt  }
0x43: {  	_ =	shalt  }
0x44: {  	_ =	shalt  }
0x45: {  	_ =	shalt  }
0x46: {  	_ =	shalt  }
0x47: {  	_ =	shalt  }
0x48: {  	_ =	shalt  }
0x49: {  	_ =	shalt  }
0x4a: {  	_ =	shalt  }
0x4b: {  	_ =	shalt  }
0x4c: {  	_ =	shalt  }
0x4d: {  	_ =	shalt  }
0x4e: {  	_ =	shalt  }
0x4f: {  	_ =	shalt  }
0x50: {  	_ =	shalt  }
0x51: {  	_ =	shalt  }
0x52: {  	_ =	shalt  }
0x53: {  	_ =	shalt  }
0x54: {  	_ =	shalt  }
0x55: {  	_ =	shalt  }
0x56: {  	_ =	shalt  }
0x57: {  	_ =	shalt  }
0x58: {  	_ =	shalt  }
0x59: {  	_ =	shalt  }
0x5a: {  	_ =	shalt  }
0x5b: {  	_ =	shalt  }
0x5c: {  	_ =	shalt  }
0x5d: {  	_ =	shalt  }
0x5e: {  	_ =	shalt  }
0x5f: {  	_ =	shalt  }
0x60: {  	_ =	shalt  }
0x61: {  	_ =	shalt  }
0x62: {  	_ =	shalt  }
0x63: {  	_ =	shalt  }
0x64: {  	_ =	shalt  }
0x65: {  	_ =	shalt  }
0x66: {  	_ =	shalt  }
0x67: {  	_ =	shalt  }
0x68: {  	_ =	shalt  }
0x69: {  	_ =	shalt  }
0x6a: {  	_ =	shalt  }
0x6b: {  	_ =	shalt  }
0x6c: {  	_ =	shalt  }
0x6d: {  	_ =	shalt  }
0x6e: {  	_ =	shalt  }
0x6f: {  	_ =	shalt  }
0x70: {  	_ =	shalt  }
0x71: {  	_ =	shalt  }
0x72: {  	_ =	shalt  }
0x73: {  	_ =	shalt  }
0x74: {  	_ =	shalt  }
0x75: {  	_ =	shalt  }
0x76: {  	_ =	shalt  }
0x77: {  	_ =	shalt  }
0x78: {  	_ =	shalt  }
0x79: {  	_ =	shalt  }
0x7a: {  	_ =	shalt  }
0x7b: {  	_ =	shalt  }
0x7c: {  	_ =	shalt  }
0x7d: {  	_ =	shalt  }
0x7e: {  	_ =	shalt  }
0x7f: {  	_ =	shalt  }
0x80: {  	_ =	shalt  }
0x81: {  	_ =	shalt  }
0x82: {  	_ =	shalt  }
0x83: {  	_ =	shalt  }
0x84: {  	_ =	shalt  }
0x85: {  	_ =	shalt  }
0x86: {  	_ =	shalt  }
0x87: {  	_ =	shalt  }
.Lfunc_end0:
.L_simem_size_0:
called_computation.2_lowered:
.L_overlay_start_0:
0x88: {  	s2 =	sld [smem:$0x3FD9]  }
0x89: {  	s3 =	sld [smem:$0x3FFE];
	_ =	sdelay $0x1  }
0x8a: {  	s1 =	srdreg.scid  }
0x8b: {  	s0 =	sand.u32 $0x1, s1  }
0x8c: {  	s16 =	sshll.u32 s0, $0xA;
	s2 =	sadd.s32 s3, s2  }
0x8d: {  	s2 =	sadd.s32 s2, s16  }
0x8e: {  	[smem:$0x3FC0] =	sst s2  }
0x8f: {  	_ = 	snop  }
0x90: {  	(tm) =	ssettm $0x1  }
0x91: {  	s17 =	sld [smem:$0x3FFB];
	_ =	sdelay $0x3  }
0x92: {  	_ =	strace s17  }
0x93: {  	s2 =	sld [smem:$0x3FFC];
	_ =	sdelay $0x3  }
0x94: {  	_ =	strace s2  }
0x95: {  	s2 =	sld [smem:$0x3FFD];
	_ =	sdelay $0x3  }
0x96: {  	_ =	strace s2  }
0x97: {  	_ =	strace $0x8FFFFFFF  }
0x98: {  	s18 =	sld [smem:$0x3FDB];
	_ =	sdelay $0x1  }
0x99: {  	s19 =	simm.s32 $_scs_section_size  }
0x9a: {  	s4 =	simm.s32 $_size__tile_overlayer_lowered;
	s5 =	simm.s32 $_tile_overlayer_lowered  }
0x9b: {  	s22 =	simm.s32 $0x1BFF;
	s21 =	sshll.u32 s5, $0x1;
	s2 =	sadd.s32 s19, s18  }
0x9c: {  	s6 =	simm.s32 $0x0;
	s20 =	sshll.u32 s4, $0x1;
	s4 =	sadd.s32 s21, s2  }
0x9d: {  	[timem:s6], [sflag:s22] =	dma.local [hbm:s4], s20  }
0x9e: {  	_ =	swait.ge [sflag:s22], s20  }
0x9f: {  	s3 =	ssub.s32 $0x0, s20;
	[sflag:s22] =	ssyncset.done $0x0  }
0xa0: {  	[sflag:s22] =	ssyncadd.s32 s3;
	_ =	sdelay $0x1  }
0xa1: {  	s23 =	simm.s32 $0x1B8B  }
0xa2: {  	_ =	swait.ge [sflag:s23], $0x1  }
0xa3: {  	[sflag:s23] =	ssyncset.done $0x0  }
0xa4: {  	s25 =	simm.s32 $0x1B8E;
	s24 =	sld [smem:$0x3FFE];
	[sflag:s23] =	ssyncadd.s32 $0xFFFFFFFF  }
0xa5: {  	s26 =	simm.s32 $execute0_lowered;
	[smem:$0x3FD2] =	sst s25  }
0xa6: {  	s4 =	sshll.u32 s26, $0x1;
	_ =	strace $0x8000004F;
	[dreg:$0x1] =	wrdreg $0xFFFFFFFF  }
0xa7: {  	s28 =	simm.s32 $_size_execute0_lowered;
	s2 =	sadd.s32 s2, s4;
	[dreg:$0x0] =	wrdreg $0x0  }
0xa8: {  	s4 =	sshll.u32 s28, $0x1;
	[dreg:$0x2] =	wrdreg s2  }
0xa9: {  	[dreg:$0x3] =	wrdreg s4  }
0xaa: {  	[dreg:$0x4] =	wrdreg $0xC0  }
0xab: {  	_ =	task [dreg:s6], $0x5FFFF  }
0xac: {  	[dreg:$0x1] =	wrdreg $0xFFFFFFFF  }
0xad: {  	[dreg:$0x0] =	wrdreg $0x60  }
0xae: {  	[dreg:$0x2] =	wrdreg s24  }
0xaf: {  	[dreg:$0x3] =	wrdreg $0x90000  }
0xb0: {  	[dreg:$0x4] =	wrdreg $0x9  }
0xb1: {  	_ =	task.clear_ibuf [dreg:s6], $0x5FFFF;
	_ =	strace $0x9000004F  }
0xb2: {  	s29 =	simm.s32 $0x9;
	_ =	strace $0x80000054  }
0xb3: {  	_ =	swait.ge [sflag:s29], $0x1  }
0xb4: {  	[sflag:s29] =	ssyncadd.s32 $0xFFFFFFFF  }
0xb5: {  	_ =	strace $0x90000054  }
0xb6: {  	_ =	sfence  }
0xb7: {  	s30 =	sld [smem:$0x0];
	_ =	sdelay $0x2  }
0xb8: {  	s31 =	sshll.u32 s1, $0xD;
	s1 =	sshrl.u32 s1, $0x2  }
0xb9: {  	s3 =	sand.u32 $0x4000, s31;
	s1 =	sadd.s32 s1, s30  }
0xba: {  	s0 =	sor.u32 s3, s0;
	s1 =	sshll.u32 s1, $0x11  }
0xbb: {  	s0 =	sor.u32 s1, s0  }
0xbc: {  	s0 =	sadd.s32 $0x8F2B, s0  }
0xbd: {  	[sflag:s0] =	ssyncadd.remote.s32 $0x1  }
0xbe: {  	_ =	sfence.sel $0xFFFF  }
0xbf: {  	[dreg:$0x0] =	wrdreg $0xFFFFFFFF;
	(pc) =	sbr.abs _section_cstart, $3  }
0xc0: {  	[dreg:$0x1] =	wrdreg $0xFFFFFFFF  }
0xc1: {  	_ =	task.clear_ibuf [dreg:s6], $0x2FFFF;
	_ =	strace $0x9FFFFFFF  }
0xc2: {  	(tm) =	ssettm $0x7FFFFFFF  }
0xc3: {  	_ =	shalt  }
tec
execute0_lowered:
.L_overlay_start_1:
0x0: {  	(tag) =	ssettag $0x1  }
0x1: {  	s1 =	srdreg.scid  }
0x2: {  	s1 =	sand.u32 $0x1, s1  }
0x3: {  	p0 =	seq.s32 s1, $0x1  }
.Ltmp0:
0x4: {  	_ = 	snop;
	(pc) =	sbr.rel @p0 .LBB2_4-.Ltmp0, $4  }
0x5: {  	s12 =	rddreg [dreg:$0x0]  }
0x6: {  	s2 =	rddreg [dreg:$0x1];
	s8 =	simm.s32 $0x0  }
0x7: {  	[smem:$0x7FF] =	sst s8  }
0x8: {  	s0 =	rddreg [dreg:$0x2];
	_ =	strace $0x80000050;
	s1 =	stileid.u32  }
0x9: {  	s3 =	smul.u32 $0x50000, s1  }
0xa: {  	s13 =	smul.u32 $0x2800, s1  }
0xb: {  	s4 =	sadd.s32 $0x9A200, s12;
	s26 =	sshll.u32 s1, $0x6;
	s3 =	sshrl.u32 s3, $0x2  }
0xc: {  	_ =	strace $0x80000051;
	s6 =	sadd.s32 s4, s13;
	s5 =	sadd.s32 s3, s2  }
0xd: {  	s3 =	sor.u32 $0x1C04, s26;
	s4 =	sshrl.u32 s5, $0x3;
	s5 =	simm.s32 $0x4  }
0xe: {  	[spmem:s4], [sflag:s3] =	dma.local [hbm:s6], $0x2800  }
0xf: {  	_ =	swait.ge [sflag:s5], $0x2800  }
0x10: {  	s28 =	smul.u32 $0xA000, s1;
	[sflag:s5] =	ssyncset.done $0x0  }
0x11: {  	[sflag:s5] =	ssyncadd.s32 $0xFFFFD800  }
0x12: {  	s14 =	sadd.s32 $0xE200, s12;
	s6 =	sshrl.u32 s28, $0x3;
	_ =	strace $0x90000051  }
0x13: {  	s10 =	sadd.s32 s14, s6;
	_ =	strace $0x80000052  }
0x14: {  	[tilespmem:s8], [sflag:$0x4] =	stream.linear.gather [hbm4b:s10+s8], $0x800, $0x200038;
	[tilespmem:$0x1D000] =	vst v63  }
0x15: {  	_ =	swait.ge [sflag:s5], $0x800  }
0x16: {  	[sflag:s5] =	ssyncset.done $0x0  }
0x17: {  	s7 =	sadd.s32 $0x72200, s12;
	[sflag:s5] =	ssyncadd.s32 $0xFFFFF800  }
0x18: {  	s9 =	simm.s32 $0x1000;
	s6 =	simm.s32 $0x80;
	[bflag:$0x0] =	sbarrier.arrive $0xFFFF  }
0x19: {  	[tilespmem:s9], [sflag:$0x2] =	stream.indirect.gather [hbm4b:s7+s6], $0x80, s8, s6, $0x2000b8;
	[tilespmem:$0x1D000] =	vst v63  }
0x1a: {  	s11 =	simm.s32 $0x800;
	s15 =	sand.u32 $0x800, s8;
	s10 =	sadd.s32 $0x100, s10  }
0x1b: {  	[tilespmem:s11], [sflag:$0x1] =	stream.linear.gather [hbm4b:s10+s8], $0x800, $0x200038;
	[tilespmem:$0x1D000] =	vst v63  }
0x1c: {  	s29 =	sor.u32 $0x100, s15;
	s8 =	simm.s32 $0x5000;
	s11 =	simm.s32 $0x2  }
0x1d: {  	[tilespmem:s8], [sflag:$0x3] =	stream.indirect.gather [hbm4b:s7+s6], $0x80, s29, s6, $0x2000b8;
	[tilespmem:$0x1D000] =	vst v63  }
0x1e: {  	_ =	swait.ge [sflag:s11], $0x4000  }
0x1f: {  	[sflag:s11] =	ssyncset.done $0x0  }
0x20: {  	s30 =	sor.u32 $0x80, s15;
	[sflag:s11] =	ssyncadd.s32 $0xFFFFC000  }
0x21: {  	[spmem:s2] =	stream.indirect.scatter.add.f32 [tilespmem:s9], [sflag:$0x4], $0x80, s30, s6, $0x2000b8;
	[tilespmem:$0x1D000] =	vst v63  }
0x22: {  	_ =	swait.ge [sflag:s5], $0x4000  }
0x23: {  	[sflag:s5] =	ssyncset.done $0x0  }
0x24: {  	s16 =	sor.u32 $0x200, s15;
	s10 =	simm.s32 $0x3;
	[sflag:s5] =	ssyncadd.s32 $0xFFFFC000  }
0x25: {  	[tilespmem:s9], [sflag:$0x2] =	stream.indirect.gather [hbm4b:s7+s6], $0x80, s16, s6, $0x2000b8;
	[tilespmem:$0x1D000] =	vst v63  }
0x26: {  	_ =	swait.ge [sflag:s10], $0x4000  }
0x27: {  	[sflag:s10] =	ssyncset.done $0x0  }
0x28: {  	s31 =	sor.u32 $0x180, s15;
	[sflag:s10] =	ssyncadd.s32 $0xFFFFC000  }
0x29: {  	[spmem:s2] =	stream.indirect.scatter.add.f32 [tilespmem:s8], [sflag:$0x4], $0x80, s31, s6, $0x2000b8;
	[tilespmem:$0x1D000] =	vst v63  }
0x2a: {  	_ =	swait.ge [sflag:s5], $0x4000  }
0x2b: {  	[sflag:s5] =	ssyncset.done $0x0  }
0x2c: {  	s17 =	sor.u32 $0x300, s15;
	[sflag:s5] =	ssyncadd.s32 $0xFFFFC000  }
0x2d: {  	[tilespmem:s8], [sflag:$0x3] =	stream.indirect.gather [hbm4b:s7+s6], $0x80, s17, s6, $0x2000b8;
	[tilespmem:$0x1D000] =	vst v63  }
0x2e: {  	_ =	swait.ge [sflag:s11], $0x4000  }
0x2f: {  	[sflag:s11] =	ssyncset.done $0x0  }
0x30: {  	s18 =	sor.u32 $0x280, s15;
	[sflag:s11] =	ssyncadd.s32 $0xFFFFC000  }
0x31: {  	[spmem:s2] =	stream.indirect.scatter.add.f32 [tilespmem:s9], [sflag:$0x4], $0x80, s18, s6, $0x2000b8;
	[tilespmem:$0x1D000] =	vst v63  }
0x32: {  	_ =	swait.ge [sflag:s5], $0x4000  }
0x33: {  	[sflag:s5] =	ssyncset.done $0x0  }
0x34: {  	s19 =	sor.u32 $0x400, s15;
	[sflag:s5] =	ssyncadd.s32 $0xFFFFC000  }
0x35: {  	[tilespmem:s9], [sflag:$0x2] =	stream.indirect.gather [hbm4b:s7+s6], $0x80, s19, s6, $0x2000b8;
	[tilespmem:$0x1D000] =	vst v63  }
0x36: {  	_ =	swait.ge [sflag:s10], $0x4000  }
0x37: {  	[sflag:s10] =	ssyncset.done $0x0  }
0x38: {  	s20 =	sor.u32 $0x380, s15;
	[sflag:s10] =	ssyncadd.s32 $0xFFFFC000  }
0x39: {  	[spmem:s2] =	stream.indirect.scatter.add.f32 [tilespmem:s8], [sflag:$0x4], $0x80, s20, s6, $0x2000b8;
	[tilespmem:$0x1D000] =	vst v63  }
0x3a: {  	_ =	swait.ge [sflag:s5], $0x4000  }
0x3b: {  	[sflag:s5] =	ssyncset.done $0x0  }
0x3c: {  	s21 =	sor.u32 $0x500, s15;
	[sflag:s5] =	ssyncadd.s32 $0xFFFFC000  }
0x3d: {  	[tilespmem:s8], [sflag:$0x3] =	stream.indirect.gather [hbm4b:s7+s6], $0x80, s21, s6, $0x2000b8;
	[tilespmem:$0x1D000] =	vst v63  }
0x3e: {  	_ =	swait.ge [sflag:s11], $0x4000  }
0x3f: {  	[sflag:s11] =	ssyncset.done $0x0  }
0x40: {  	s22 =	sor.u32 $0x480, s15;
	[sflag:s11] =	ssyncadd.s32 $0xFFFFC000  }
0x41: {  	[spmem:s2] =	stream.indirect.scatter.add.f32 [tilespmem:s9], [sflag:$0x4], $0x80, s22, s6, $0x2000b8;
	[tilespmem:$0x1D000] =	vst v63  }
0x42: {  	_ =	swait.ge [sflag:s5], $0x4000  }
0x43: {  	[sflag:s5] =	ssyncset.done $0x0  }
0x44: {  	s23 =	sor.u32 $0x600, s15;
	[sflag:s5] =	ssyncadd.s32 $0xFFFFC000  }
0x45: {  	[tilespmem:s9], [sflag:$0x2] =	stream.indirect.gather [hbm4b:s7+s6], $0x80, s23, s6, $0x2000b8;
	[tilespmem:$0x1D000] =	vst v63  }
0x46: {  	_ =	swait.ge [sflag:s10], $0x4000  }
0x47: {  	[sflag:s10] =	ssyncset.done $0x0  }
0x48: {  	s24 =	sor.u32 $0x580, s15;
	[sflag:s10] =	ssyncadd.s32 $0xFFFFC000  }
0x49: {  	[spmem:s2] =	stream.indirect.scatter.add.f32 [tilespmem:s8], [sflag:$0x4], $0x80, s24, s6, $0x2000b8;
	[tilespmem:$0x1D000] =	vst v63  }
0x4a: {  	_ =	swait.ge [sflag:s5], $0x4000  }
0x4b: {  	[sflag:s5] =	ssyncset.done $0x0  }
0x4c: {  	s25 =	sor.u32 $0x700, s15;
	[sflag:s5] =	ssyncadd.s32 $0xFFFFC000  }
0x4d: {  	[tilespmem:s8], [sflag:$0x3] =	stream.indirect.gather [hbm4b:s7+s6], $0x80, s25, s6, $0x2000b8;
	[tilespmem:$0x1D000] =	vst v63  }
0x4e: {  	_ =	swait.ge [sflag:s11], $0x4000  }
0x4f: {  	[sflag:s11] =	ssyncset.done $0x0  }
0x50: {  	s26 =	sor.u32 $0x680, s15;
	[sflag:s11] =	ssyncadd.s32 $0xFFFFC000  }
0x51: {  	[spmem:s2] =	stream.indirect.scatter.add.f32 [tilespmem:s9], [sflag:$0x4], $0x80, s26, s6, $0x2000b8;
	[tilespmem:$0x1D000] =	vst v63  }
0x52: {  	_ =	swait.ge [sflag:s5], $0x4000  }
0x53: {  	p0 =	por $0x0, $0x0;
	[sflag:s5] =	ssyncset.done $0x0  }
0x54: {  	s16 =	simm.s32 @!p0 $0x1;
	[sflag:s5] =	ssyncadd.s32 $0xFFFFC000  }
0x55: {  	_ =	swait.ge @!p0 [sflag:s16], $0x800  }
0x56: {  	p1 =	por $0x0, $0x0;
	s18 =	sxor.u32 @!p0 $0x800, s15;
	[sflag:s16] =	ssyncset.done @!p0 $0x0  }
0x57: {  	s19 =	simm.s32 @!p0 $0x1000;
	[sflag:s16] =	ssyncadd.s32 @!p0 $0xFFFFF800;
	s16 =	simm.s32 @!p0 $0x80  }
0x58: {  	[tilespmem:s19], [sflag:$0x2] =	stream.indirect.gather @!p0 [hbm4b:s7+s16], $0x80, s18, s16, $0x2000b8;
	[tilespmem:$0x1D000] =	vst v63  }
0x59: {  	s28 =	sadd.s32 s13, s12;
	s30 =	simm.s32 $0x800;
	_ =	swait.ge [sflag:s10], $0x4000  }
0x5a: {  	s12 =	sadd.s32 $0xC2200, s28;
	s13 =	sand.u32 $0x800, s30;
	[sflag:s10] =	ssyncset.done $0x0  }
0x5b: {  	s31 =	sadd.s32 $0x780, s15;
	s17 =	smul.u32 $0x1400, s1;
	[sflag:s10] =	ssyncadd.s32 $0xFFFFC000  }
0x5c: {  	[spmem:s2] =	stream.indirect.scatter.add.f32 [tilespmem:s8], [sflag:$0x4], $0x80, s31, s6, $0x2000b8;
	[tilespmem:$0x1D000] =	vst v63  }
0x5d: {  	s29 =	sadd.s32 s17, s14;
	s17 =	simm.s32 $0x1000;
	_ =	swait.ge [sflag:s5], $0x4000  }
0x5e: {  	s18 =	sadd.s32 $0x200, s29;
	s19 =	simm.s32 @!p1 $0x0;
	[sflag:s5] =	ssyncset.done $0x0  }
0x5f: {  	s16 =	simm.s32 $0x1;
	s14 =	sadd.s32 $0x100, s18;
	[sflag:s5] =	ssyncadd.s32 $0xFFFFC000  }
.LBB2_2:
0x60: {  	[tilespmem:s15], [sflag:$0x1] =	stream.linear.gather @!p1 [hbm4b:s18+s19], $0x800, $0x200038;
	[tilespmem:$0x1D000] =	vst v63  }
0x61: {  	s18 =	sand.u32 $0x800, s17;
	s17 =	sadd.s32 $0x800, s17;
	s15 =	sor.u32 $0x100, s13  }
0x62: {  	[tilespmem:s8], [sflag:$0x3] =	stream.indirect.gather [hbm4b:s7+s6], $0x80, s15, s6, $0x2000b8;
	[tilespmem:$0x1D000] =	vst v63  }
0x63: {  	p0 =	sne.s32 s17, $0xA000;
	s15 =	smov.u32 s13;
	_ =	swait.ge [sflag:s11], $0x4000  }
0x64: {  	s13 =	smov.u32 s18;
	s18 =	smov.u32 s14;
	[sflag:s11] =	ssyncset.done $0x0  }
0x65: {  	s19 =	sor.u32 $0x80, s15;
	[sflag:s11] =	ssyncadd.s32 $0xFFFFC000  }
0x66: {  	[spmem:s2] =	stream.indirect.scatter.add.f32 [tilespmem:s9], [sflag:$0x4], $0x80, s19, s6, $0x2000b8;
	[tilespmem:$0x1D000] =	vst v63  }
0x67: {  	_ =	swait.ge [sflag:s5], $0x4000  }
0x68: {  	[sflag:s5] =	ssyncset.done $0x0  }
0x69: {  	s19 =	sor.u32 $0x200, s15;
	[sflag:s5] =	ssyncadd.s32 $0xFFFFC000  }
0x6a: {  	[tilespmem:s9], [sflag:$0x2] =	stream.indirect.gather [hbm4b:s7+s6], $0x80, s19, s6, $0x2000b8;
	[tilespmem:$0x1D000] =	vst v63  }
0x6b: {  	_ =	swait.ge [sflag:s10], $0x4000  }
0x6c: {  	[sflag:s10] =	ssyncset.done $0x0  }
0x6d: {  	s19 =	sor.u32 $0x180, s15;
	[sflag:s10] =	ssyncadd.s32 $0xFFFFC000  }
0x6e: {  	[spmem:s2] =	stream.indirect.scatter.add.f32 [tilespmem:s8], [sflag:$0x4], $0x80, s19, s6, $0x2000b8;
	[tilespmem:$0x1D000] =	vst v63  }
0x6f: {  	_ =	swait.ge [sflag:s5], $0x4000  }
0x70: {  	[sflag:s5] =	ssyncset.done $0x0  }
0x71: {  	s19 =	sor.u32 $0x300, s15;
	[sflag:s5] =	ssyncadd.s32 $0xFFFFC000  }
0x72: {  	[tilespmem:s8], [sflag:$0x3] =	stream.indirect.gather [hbm4b:s7+s6], $0x80, s19, s6, $0x2000b8;
	[tilespmem:$0x1D000] =	vst v63  }
0x73: {  	_ =	swait.ge [sflag:s11], $0x4000  }
0x74: {  	[sflag:s11] =	ssyncset.done $0x0  }
0x75: {  	s19 =	sor.u32 $0x280, s15;
	[sflag:s11] =	ssyncadd.s32 $0xFFFFC000  }
0x76: {  	[spmem:s2] =	stream.indirect.scatter.add.f32 [tilespmem:s9], [sflag:$0x4], $0x80, s19, s6, $0x2000b8;
	[tilespmem:$0x1D000] =	vst v63  }
0x77: {  	_ =	swait.ge [sflag:s5], $0x4000  }
0x78: {  	[sflag:s5] =	ssyncset.done $0x0  }
0x79: {  	s19 =	sor.u32 $0x400, s15;
	[sflag:s5] =	ssyncadd.s32 $0xFFFFC000  }
0x7a: {  	[tilespmem:s9], [sflag:$0x2] =	stream.indirect.gather [hbm4b:s7+s6], $0x80, s19, s6, $0x2000b8;
	[tilespmem:$0x1D000] =	vst v63  }
0x7b: {  	_ =	swait.ge [sflag:s10], $0x4000  }
0x7c: {  	[sflag:s10] =	ssyncset.done $0x0  }
0x7d: {  	s19 =	sor.u32 $0x380, s15;
	[sflag:s10] =	ssyncadd.s32 $0xFFFFC000  }
0x7e: {  	[spmem:s2] =	stream.indirect.scatter.add.f32 [tilespmem:s8], [sflag:$0x4], $0x80, s19, s6, $0x2000b8;
	[tilespmem:$0x1D000] =	vst v63  }
0x7f: {  	_ =	swait.ge [sflag:s5], $0x4000  }
0x80: {  	[sflag:s5] =	ssyncset.done $0x0  }
0x81: {  	s19 =	sor.u32 $0x500, s15;
	[sflag:s5] =	ssyncadd.s32 $0xFFFFC000  }
0x82: {  	[tilespmem:s8], [sflag:$0x3] =	stream.indirect.gather [hbm4b:s7+s6], $0x80, s19, s6, $0x2000b8;
	[tilespmem:$0x1D000] =	vst v63  }
0x83: {  	_ =	swait.ge [sflag:s11], $0x4000  }
0x84: {  	[sflag:s11] =	ssyncset.done $0x0  }
0x85: {  	s19 =	sor.u32 $0x480, s15;
	[sflag:s11] =	ssyncadd.s32 $0xFFFFC000  }
0x86: {  	[spmem:s2] =	stream.indirect.scatter.add.f32 [tilespmem:s9], [sflag:$0x4], $0x80, s19, s6, $0x2000b8;
	[tilespmem:$0x1D000] =	vst v63  }
0x87: {  	_ =	swait.ge [sflag:s5], $0x4000  }
0x88: {  	[sflag:s5] =	ssyncset.done $0x0  }
0x89: {  	s19 =	sor.u32 $0x600, s15;
	[sflag:s5] =	ssyncadd.s32 $0xFFFFC000  }
0x8a: {  	[tilespmem:s9], [sflag:$0x2] =	stream.indirect.gather [hbm4b:s7+s6], $0x80, s19, s6, $0x2000b8;
	[tilespmem:$0x1D000] =	vst v63  }
0x8b: {  	_ =	swait.ge [sflag:s10], $0x4000  }
0x8c: {  	[sflag:s10] =	ssyncset.done $0x0  }
0x8d: {  	s19 =	sor.u32 $0x580, s15;
	[sflag:s10] =	ssyncadd.s32 $0xFFFFC000  }
0x8e: {  	[spmem:s2] =	stream.indirect.scatter.add.f32 [tilespmem:s8], [sflag:$0x4], $0x80, s19, s6, $0x2000b8;
	[tilespmem:$0x1D000] =	vst v63  }
0x8f: {  	_ =	swait.ge [sflag:s5], $0x4000  }
0x90: {  	[sflag:s5] =	ssyncset.done $0x0  }
0x91: {  	s19 =	sor.u32 $0x700, s15;
	[sflag:s5] =	ssyncadd.s32 $0xFFFFC000  }
0x92: {  	[tilespmem:s8], [sflag:$0x3] =	stream.indirect.gather [hbm4b:s7+s6], $0x80, s19, s6, $0x2000b8;
	[tilespmem:$0x1D000] =	vst v63  }
0x93: {  	_ =	swait.ge [sflag:s11], $0x4000  }
0x94: {  	[sflag:s11] =	ssyncset.done $0x0  }
0x95: {  	s19 =	sor.u32 $0x680, s15;
	[sflag:s11] =	ssyncadd.s32 $0xFFFFC000  }
0x96: {  	[spmem:s2] =	stream.indirect.scatter.add.f32 [tilespmem:s9], [sflag:$0x4], $0x80, s19, s6, $0x2000b8;
	[tilespmem:$0x1D000] =	vst v63  }
0x97: {  	_ =	swait.ge [sflag:s5], $0x4000  }
0x98: {  	p1 =	seq.s32 s16, $0x13;
	[sflag:s5] =	ssyncset.done $0x0  }
0x99: {  	s20 =	sxor.u32 @!p1 $0x800, s15;
	s19 =	simm.s32 @!p1 $0x1;
	[sflag:s5] =	ssyncadd.s32 $0xFFFFC000  }
0x9a: {  	_ =	swait.ge @!p1 [sflag:s19], $0x800  }
0x9b: {  	[sflag:s19] =	ssyncset.done @!p1 $0x0  }
0x9c: {  	s21 =	simm.s32 @!p1 $0x1000;
	[sflag:s19] =	ssyncadd.s32 @!p1 $0xFFFFF800;
	s19 =	simm.s32 @!p1 $0x80  }
0x9d: {  	[tilespmem:s21], [sflag:$0x2] =	stream.indirect.gather @!p1 [hbm4b:s7+s19], $0x80, s20, s19, $0x2000b8;
	[tilespmem:$0x1D000] =	vst v63  }
0x9e: {  	_ =	swait.ge [sflag:s10], $0x4000  }
0x9f: {  	[sflag:s10] =	ssyncset.done $0x0  }
.Ltmp1:
0xa0: {  	s19 =	sadd.s32 $0x780, s15;
	[sflag:s10] =	ssyncadd.s32 $0xFFFFC000;
	(pc) =	sbr.rel @p0 .LBB2_2-.Ltmp1, $4  }
0xa1: {  	[spmem:s2] =	stream.indirect.scatter.add.f32 [tilespmem:s8], [sflag:$0x4], $0x80, s19, s6, $0x2000b8;
	[tilespmem:$0x1D000] =	vst v63  }
0xa2: {  	_ =	swait.ge [sflag:s5], $0x4000  }
0xa3: {  	s14 =	sadd.s32 $0x100, s14;
	p1 =	sgt.u32 s16, $0x11;
	[sflag:s5] =	ssyncset.done $0x0  }
0xa4: {  	s16 =	sadd.s32 $0x1, s16;
	s19 =	simm.s32 @!p1 $0x0;
	[sflag:s5] =	ssyncadd.s32 $0xFFFFC000  }
0xa5: {  	[tilespmem:s15], [sflag:$0x1] =	stream.linear.gather @!p1 [hbm4b:s18+s19], $0x800, $0x200038;
	[tilespmem:$0x1D000] =	vst v63  }
0xa6: {  	s30 =	sor.u32 $0x100, s13  }
0xa7: {  	[tilespmem:s8], [sflag:$0x3] =	stream.indirect.gather [hbm4b:s7+s6], $0x80, s30, s6, $0x2000b8;
	[tilespmem:$0x1D000] =	vst v63  }
0xa8: {  	_ =	swait.ge [sflag:s11], $0x4000  }
0xa9: {  	[sflag:s11] =	ssyncset.done $0x0  }
0xaa: {  	s31 =	sor.u32 $0x80, s13;
	[sflag:s11] =	ssyncadd.s32 $0xFFFFC000  }
0xab: {  	[spmem:s2] =	stream.indirect.scatter.add.f32 [tilespmem:s9], [sflag:$0x4], $0x80, s31, s6, $0x2000b8;
	[tilespmem:$0x1D000] =	vst v63  }
0xac: {  	_ =	swait.ge [sflag:s5], $0x4000  }
0xad: {  	[sflag:s5] =	ssyncset.done $0x0  }
0xae: {  	s17 =	sor.u32 $0x200, s13;
	[sflag:s5] =	ssyncadd.s32 $0xFFFFC000  }
0xaf: {  	[tilespmem:s9], [sflag:$0x2] =	stream.indirect.gather [hbm4b:s7+s6], $0x80, s17, s6, $0x2000b8;
	[tilespmem:$0x1D000] =	vst v63  }
0xb0: {  	_ =	swait.ge [sflag:s10], $0x4000  }
0xb1: {  	[sflag:s10] =	ssyncset.done $0x0  }
0xb2: {  	s18 =	sor.u32 $0x180, s13;
	[sflag:s10] =	ssyncadd.s32 $0xFFFFC000  }
0xb3: {  	[spmem:s2] =	stream.indirect.scatter.add.f32 [tilespmem:s8], [sflag:$0x4], $0x80, s18, s6, $0x2000b8;
	[tilespmem:$0x1D000] =	vst v63  }
0xb4: {  	_ =	swait.ge [sflag:s5], $0x4000  }
0xb5: {  	[sflag:s5] =	ssyncset.done $0x0  }
0xb6: {  	s19 =	sor.u32 $0x300, s13;
	[sflag:s5] =	ssyncadd.s32 $0xFFFFC000  }
0xb7: {  	[tilespmem:s8], [sflag:$0x3] =	stream.indirect.gather [hbm4b:s7+s6], $0x80, s19, s6, $0x2000b8;
	[tilespmem:$0x1D000] =	vst v63  }
0xb8: {  	_ =	swait.ge [sflag:s11], $0x4000  }
0xb9: {  	[sflag:s11] =	ssyncset.done $0x0  }
0xba: {  	s20 =	sor.u32 $0x280, s13;
	[sflag:s11] =	ssyncadd.s32 $0xFFFFC000  }
0xbb: {  	[spmem:s2] =	stream.indirect.scatter.add.f32 [tilespmem:s9], [sflag:$0x4], $0x80, s20, s6, $0x2000b8;
	[tilespmem:$0x1D000] =	vst v63  }
0xbc: {  	_ =	swait.ge [sflag:s5], $0x4000  }
0xbd: {  	[sflag:s5] =	ssyncset.done $0x0  }
0xbe: {  	s21 =	sor.u32 $0x400, s13;
	[sflag:s5] =	ssyncadd.s32 $0xFFFFC000  }
0xbf: {  	[tilespmem:s9], [sflag:$0x2] =	stream.indirect.gather [hbm4b:s7+s6], $0x80, s21, s6, $0x2000b8;
	[tilespmem:$0x1D000] =	vst v63  }
0xc0: {  	_ =	swait.ge [sflag:s10], $0x4000  }
0xc1: {  	[sflag:s10] =	ssyncset.done $0x0  }
0xc2: {  	s22 =	sor.u32 $0x380, s13;
	[sflag:s10] =	ssyncadd.s32 $0xFFFFC000  }
0xc3: {  	[spmem:s2] =	stream.indirect.scatter.add.f32 [tilespmem:s8], [sflag:$0x4], $0x80, s22, s6, $0x2000b8;
	[tilespmem:$0x1D000] =	vst v63  }
0xc4: {  	_ =	swait.ge [sflag:s5], $0x4000  }
0xc5: {  	[sflag:s5] =	ssyncset.done $0x0  }
0xc6: {  	s23 =	sor.u32 $0x500, s13;
	[sflag:s5] =	ssyncadd.s32 $0xFFFFC000  }
0xc7: {  	[tilespmem:s8], [sflag:$0x3] =	stream.indirect.gather [hbm4b:s7+s6], $0x80, s23, s6, $0x2000b8;
	[tilespmem:$0x1D000] =	vst v63  }
0xc8: {  	_ =	swait.ge [sflag:s11], $0x4000  }
0xc9: {  	[sflag:s11] =	ssyncset.done $0x0  }
0xca: {  	s24 =	sor.u32 $0x480, s13;
	[sflag:s11] =	ssyncadd.s32 $0xFFFFC000  }
0xcb: {  	[spmem:s2] =	stream.indirect.scatter.add.f32 [tilespmem:s9], [sflag:$0x4], $0x80, s24, s6, $0x2000b8;
	[tilespmem:$0x1D000] =	vst v63  }
0xcc: {  	_ =	swait.ge [sflag:s5], $0x4000  }
0xcd: {  	[sflag:s5] =	ssyncset.done $0x0  }
0xce: {  	s25 =	sor.u32 $0x600, s13;
	[sflag:s5] =	ssyncadd.s32 $0xFFFFC000  }
0xcf: {  	[tilespmem:s9], [sflag:$0x2] =	stream.indirect.gather [hbm4b:s7+s6], $0x80, s25, s6, $0x2000b8;
	[tilespmem:$0x1D000] =	vst v63  }
0xd0: {  	_ =	swait.ge [sflag:s10], $0x4000  }
0xd1: {  	[sflag:s10] =	ssyncset.done $0x0  }
0xd2: {  	s26 =	sor.u32 $0x580, s13;
	[sflag:s10] =	ssyncadd.s32 $0xFFFFC000  }
0xd3: {  	[spmem:s2] =	stream.indirect.scatter.add.f32 [tilespmem:s8], [sflag:$0x4], $0x80, s26, s6, $0x2000b8;
	[tilespmem:$0x1D000] =	vst v63  }
0xd4: {  	_ =	swait.ge [sflag:s5], $0x4000  }
0xd5: {  	[sflag:s5] =	ssyncset.done $0x0  }
0xd6: {  	s28 =	sor.u32 $0x700, s13;
	[sflag:s5] =	ssyncadd.s32 $0xFFFFC000  }
0xd7: {  	[tilespmem:s8], [sflag:$0x3] =	stream.indirect.gather [hbm4b:s7+s6], $0x80, s28, s6, $0x2000b8;
	[tilespmem:$0x1D000] =	vst v63  }
0xd8: {  	_ =	swait.ge [sflag:s11], $0x4000  }
0xd9: {  	[sflag:s11] =	ssyncset.done $0x0  }
0xda: {  	s29 =	sor.u32 $0x680, s13;
	[sflag:s11] =	ssyncadd.s32 $0xFFFFC000  }
0xdb: {  	[spmem:s2] =	stream.indirect.scatter.add.f32 [tilespmem:s9], [sflag:$0x4], $0x80, s29, s6, $0x2000b8;
	[tilespmem:$0x1D000] =	vst v63  }
0xdc: {  	_ =	swait.ge [sflag:s5], $0x4000  }
0xdd: {  	p0 =	seq.s32 s16, $0x13;
	[sflag:s5] =	ssyncset.done $0x0  }
0xde: {  	s9 =	simm.s32 @!p0 $0x1;
	[sflag:s5] =	ssyncadd.s32 $0xFFFFC000  }
0xdf: {  	_ =	swait.ge @!p0 [sflag:s9], $0x800  }
0xe0: {  	s15 =	simm.s32 @!p0 $0x1000;
	[sflag:s9] =	ssyncset.done @!p0 $0x0  }
0xe1: {  	s11 =	sxor.u32 @!p0 $0x800, s13;
	[sflag:s9] =	ssyncadd.s32 @!p0 $0xFFFFF800;
	s9 =	simm.s32 @!p0 $0x80  }
0xe2: {  	[tilespmem:s15], [sflag:$0x2] =	stream.indirect.gather @!p0 [hbm4b:s7+s9], $0x80, s11, s9, $0x2000b8;
	[tilespmem:$0x1D000] =	vst v63  }
0xe3: {  	_ =	swait.ge [sflag:s10], $0x4000  }
0xe4: {  	[sflag:s10] =	ssyncset.done $0x0  }
0xe5: {  	s30 =	sadd.s32 $0x780, s13;
	[sflag:s10] =	ssyncadd.s32 $0xFFFFC000  }
0xe6: {  	[spmem:s2] =	stream.indirect.scatter.add.f32 [tilespmem:s8], [sflag:$0x4], $0x80, s30, s6, $0x2000b8;
	[tilespmem:$0x1D000] =	vst v63  }
0xe7: {  	_ =	swait.ge [sflag:s5], $0x4000  }
0xe8: {  	p0 =	sgt.u32 s16, $0x11;
	[sflag:s5] =	ssyncset.done $0x0  }
0xe9: {  	s2 =	simm.s32 @!p0 $0x0;
	[sflag:s5] =	ssyncadd.s32 $0xFFFFC000  }
0xea: {  	[tilespmem:s13], [sflag:$0x1] =	stream.linear.gather @!p0 [hbm4b:s14+s2], $0x800, $0x200038;
	[tilespmem:$0x1D000] =	vst v63  }
0xeb: {  	_ =	strace $0x90000052  }
0xec: {  	_ =	strace $0x80000053  }
0xed: {  	s31 =	simm.s32 $0x4;
	[bflag:$0x0] =	sbarrier.arrive $0xFFFF  }
0xee: {  	[hbm:s12], [sflag:s3] =	dma.local [spmem:s4], $0x2800  }
0xef: {  	_ =	swait.ge [sflag:s31], $0x2800  }
0xf0: {  	[sflag:s31] =	ssyncset.done $0x0  }
0xf1: {  	[sflag:s31] =	ssyncadd.s32 $0xFFFFD800  }
0xf2: {  	_ =	strace $0x90000053  }
.LBB2_4:
0xf3: {  	_ =	sfence.sel $0x180000  }
0xf4: {  	[bflag:$0x0] =	sbarrier.arrive $0xFFFF  }
0xf5: {  	p0 =	sne.s32 s1, $0x0;
	_ =	strace $0x90000050  }
0xf6: {  	s0 =	sadd.s32 @!p0 $0x100000, s0;
	[bflag:$0x2] =	sbarrier.arrive $0xFFFF  }
0xf7: {  	[sflag:s0] =	ssyncadd.tile.s32 @!p0 $0x1;
	_ =	shalt  }
.Lfunc_end2:
_tile_overlayer_lowered:
.L_overlay_start_2:
0xf8: {  	(tag) =	ssettag $0x2  }
0xf9: {  	s0 =	rddreg [dreg:$0x0];
	s2 =	stileid.u32  }
0xfa: {  	s1 =	rddreg [dreg:$0x1];
	p0 =	sne.s32 s2, $0x0  }
0xfb: {  	s3 =	rddreg [dreg:$0x2];
	[bflag:$0x3] =	sbarrier.arrive $0xFFFF;
	s2 =	simm.s32 @!p0 $0x1C04  }
0xfc: {  	[timem:s3], [sflag:s2] =	dma.local @!p0 [hbm:s0], s1  }
0xfd: {  	s0 =	simm.s32 @!p0 $0x4  }
0xfe: {  	_ =	swait.ge @!p0 [sflag:s0], s1  }
0xff: {  	s1 =	ssub.s32 @!p0 $0x0, s1;
	[sflag:s0] =	ssyncset.done @!p0 $0x0  }
0x100: {  	[sflag:s0] =	ssyncadd.s32 @!p0 s1  }
0x101: {  	[bflag:$0x3] =	sbarrier.arrive $0xFFFF  }
0x102: {  	_ =	shalt  }

// kernel: kernel.8.cloned.1.call-start
scs
__scs_entry_jumppad:
0x0: {  	(pc) =	sbr.rel $0x88, $3  }
0x1: {  	(tag) =	ssettag $0x0;
	lr =	simm.s32 $0x1  }
0x2: {  	[smem:$0x3F99] =	sst lr;
	_ =	strace $0xD0000000  }
0x3: {  	_ = 	snop  }
0x4: {  	_ = 	snop  }
0x5: {  	_ = 	snop  }
0x6: {  	_ = 	snop  }
0x7: {  	_ = 	snop  }
__scs_overlays_trampoline_lowered:
0x8: {  	[smem:$0x3FA8] =	sst s0  }
0x9: {  	[smem:$0x3FA9] =	sst s1  }
0xa: {  	[smem:$0x3FAA] =	sst s2  }
0xb: {  	[smem:$0x3FAB] =	sst s3  }
0xc: {  	[smem:$0x3FAC] =	sst s4  }
0xd: {  	[smem:$0x3FAD] =	sst s5  }
0xe: {  	[smem:$0x3FAE] =	sst s6  }
0xf: {  	[smem:$0x3FAF] =	sst s7  }
0x10: {  	[smem:$0x3FB0] =	sst s8  }
0x11: {  	[smem:$0x3FB1] =	sst s9;
	s0 =	simm.s32 @!p0 $0x0  }
0x12: {  	s1 =	sld [smem:$0x3F97];
	s0 =	simm.s32 @p0 $0x1  }
0x13: {  	[smem:$0x3FB2] =	sst s0;
	s0 =	simm.s32 @!p1 $0x0  }
0x14: {  	s2 =	sld [smem:$0x3F96];
	s0 =	simm.s32 @p1 $0x1  }
0x15: {  	[smem:$0x3FB3] =	sst s0;
	s0 =	simm.s32 @!p2 $0x0  }
0x16: {  	s3 =	sld [smem:$0x3FDB];
	s0 =	simm.s32 @p2 $0x1  }
0x17: {  	s4 =	simm.s32 $0x1BF5;
	[smem:$0x3FB5] =	sst s0  }
0x18: {  	s0 =	sld [smem:$0x3F98];
	_ =	swait.ge [sflag:s4], $0x0  }
0x19: {  	s7 =	sld [smem:$0x3F99]  }
0x1a: {  	s8 =	sadd.s32 $0xFFFFE003, lr  }
0x1b: {  	s9 =	sadd.s32 $0xFFFFFEF7, lr;
	s5 =	simm.s32 $0xFFFFFFFF;
	p2 =	slt.u32 s8, $0xFFFFF086  }
0x1c: {  	p1 =	slt.u32 s9, $0xF7A;
	s5 =	simm.s32 @!p2 $0x0  }
0x1d: {  	s5 =	simm.s32 @p1 $0x1;
	p0 =	seq.s32 s7, s2  }
0x1e: {  	s7 =	smul.u32 @!p0 $0xF7A, s2;
	p2 =	seq.s32 @!p0 s5, $0x0  }
0x1f: {  	s9 =	smul.u32 $0xF7A, s1;
	s8 =	simm.s32 @!p0 $0x1BF5;
	p2 =	por !p2, p0  }
0x20: {  	[sflag:s8] =	ssyncset.s32 @!p0 $0xFFFFF086;
	s6 =	sadd.s32 @!p0 s3, s7;
	s7 =	simm.s32 @!p0 $0x108  }
0x21: {  	s3 =	sadd.s32 s3, s9;
	s6 =	sadd.s32 @!p0 $0x88, s6;
	s7 =	simm.s32 @p2 $0x1082  }
0x22: {  	[simem:s7], [sflag:s8] =	dma.local @!p0 [hbm:s6], $0xF7A  }
0x23: {  	s9 =	sor.u32 $0xD0000000, s2;
	s6 =	simm.s32 $0x108;
	_ =	swait.ge @!p0 [sflag:s8], $0x0  }
0x24: {  	s3 =	sadd.s32 $0x88, s3;
	s6 =	simm.s32 @!p1 $0x1082;
	[sflag:s4] =	ssyncset.s32 $0xFFFFF086  }
0x25: {  	[simem:s6], [sflag:s4] =	dma.local [hbm:s3], $0xF7A  }
0x26: {  	[smem:$0x3F99] =	sst s1;
	(tag) =	ssettag s2;
	_ =	strace s9  }
0x27: {  	s1 =	sld [smem:$0x3FA9]  }
0x28: {  	s2 =	sld [smem:$0x3FAA]  }
0x29: {  	s4 =	sld [smem:$0x3FAC]  }
0x2a: {  	p0 =	seq.s32 s5, $0x0;
	s5 =	sld [smem:$0x3FAD]  }
0x2b: {  	s6 =	sld [smem:$0x3FAE]  }
0x2c: {  	s7 =	sld [smem:$0x3FAF]  }
0x2d: {  	s3 =	simm.s32 $0x108;
	s8 =	sld [smem:$0x3FB0]  }
0x2e: {  	s3 =	simm.s32 @!p0 $0x1082;
	s9 =	sld [smem:$0x3FB1]  }
0x2f: {  	lr =	sadd.s32 s0, s3;
	s0 =	sld [smem:$0x3FA8]  }
0x30: {  	s3 =	sld [smem:$0x3FAB]  }
0x31: {  	[smem:$0x3FB4] =	sst s10  }
0x32: {  	s10 =	sld [smem:$0x3FB2];
	_ =	sdelay $0x3  }
0x33: {  	p0 =	seq.s32 s10, $0x1;
	s10 =	sld [smem:$0x3FB4];
	_ =	sdelay $0x3  }
0x34: {  	[smem:$0x3FB4] =	sst s10  }
0x35: {  	s10 =	sld [smem:$0x3FB3];
	_ =	sdelay $0x3  }
0x36: {  	p1 =	seq.s32 s10, $0x1;
	s10 =	sld [smem:$0x3FB4];
	_ =	sdelay $0x3  }
0x37: {  	[smem:$0x3FB4] =	sst s10  }
0x38: {  	s10 =	sld [smem:$0x3FB5]  }
0x39: {  	_ = 	snop;
	(pc) =	sbr.ind lr, $3  }
0x3a: {  	_ = 	snop  }
0x3b: {  	_ = 	snop  }
0x3c: {  	p2 =	seq.s32 s10, $0x1;
	s10 =	sld [smem:$0x3FB4]  }
0x3d: {  	_ =	shalt  }
0x3e: {  	_ =	shalt  }
0x3f: {  	_ =	shalt  }
0x40: {  	_ =	shalt  }
0x41: {  	_ =	shalt  }
0x42: {  	_ =	shalt  }
0x43: {  	_ =	shalt  }
0x44: {  	_ =	shalt  }
0x45: {  	_ =	shalt  }
0x46: {  	_ =	shalt  }
0x47: {  	_ =	shalt  }
0x48: {  	_ =	shalt  }
0x49: {  	_ =	shalt  }
0x4a: {  	_ =	shalt  }
0x4b: {  	_ =	shalt  }
0x4c: {  	_ =	shalt  }
0x4d: {  	_ =	shalt  }
0x4e: {  	_ =	shalt  }
0x4f: {  	_ =	shalt  }
0x50: {  	_ =	shalt  }
0x51: {  	_ =	shalt  }
0x52: {  	_ =	shalt  }
0x53: {  	_ =	shalt  }
0x54: {  	_ =	shalt  }
0x55: {  	_ =	shalt  }
0x56: {  	_ =	shalt  }
0x57: {  	_ =	shalt  }
0x58: {  	_ =	shalt  }
0x59: {  	_ =	shalt  }
0x5a: {  	_ =	shalt  }
0x5b: {  	_ =	shalt  }
0x5c: {  	_ =	shalt  }
0x5d: {  	_ =	shalt  }
0x5e: {  	_ =	shalt  }
0x5f: {  	_ =	shalt  }
0x60: {  	_ =	shalt  }
0x61: {  	_ =	shalt  }
0x62: {  	_ =	shalt  }
0x63: {  	_ =	shalt  }
0x64: {  	_ =	shalt  }
0x65: {  	_ =	shalt  }
0x66: {  	_ =	shalt  }
0x67: {  	_ =	shalt  }
0x68: {  	_ =	shalt  }
0x69: {  	_ =	shalt  }
0x6a: {  	_ =	shalt  }
0x6b: {  	_ =	shalt  }
0x6c: {  	_ =	shalt  }
0x6d: {  	_ =	shalt  }
0x6e: {  	_ =	shalt  }
0x6f: {  	_ =	shalt  }
0x70: {  	_ =	shalt  }
0x71: {  	_ =	shalt  }
0x72: {  	_ =	shalt  }
0x73: {  	_ =	shalt  }
0x74: {  	_ =	shalt  }
0x75: {  	_ =	shalt  }
0x76: {  	_ =	shalt  }
0x77: {  	_ =	shalt  }
0x78: {  	_ =	shalt  }
0x79: {  	_ =	shalt  }
0x7a: {  	_ =	shalt  }
0x7b: {  	_ =	shalt  }
0x7c: {  	_ =	shalt  }
0x7d: {  	_ =	shalt  }
0x7e: {  	_ =	shalt  }
0x7f: {  	_ =	shalt  }
0x80: {  	_ =	shalt  }
0x81: {  	_ =	shalt  }
0x82: {  	_ =	shalt  }
0x83: {  	_ =	shalt  }
0x84: {  	_ =	shalt  }
0x85: {  	_ =	shalt  }
0x86: {  	_ =	shalt  }
0x87: {  	_ =	shalt  }
.Lfunc_end0:
.L_simem_size_0:
called_computation_lowered:
.L_overlay_start_0:
0x88: {  	s2 =	sld [smem:$0x3FD9]  }
0x89: {  	s3 =	sld [smem:$0x3FFE];
	_ =	sdelay $0x1  }
0x8a: {  	s1 =	srdreg.scid  }
0x8b: {  	s0 =	sand.u32 $0x1, s1  }
0x8c: {  	s16 =	sshll.u32 s0, $0xA;
	s2 =	sadd.s32 s3, s2  }
0x8d: {  	s2 =	sadd.s32 s2, s16  }
0x8e: {  	[smem:$0x3FC0] =	sst s2  }
0x8f: {  	_ = 	snop  }
0x90: {  	(tm) =	ssettm $0x1  }
0x91: {  	s17 =	sld [smem:$0x3FFB];
	_ =	sdelay $0x3  }
0x92: {  	_ =	strace s17  }
0x93: {  	s2 =	sld [smem:$0x3FFC];
	_ =	sdelay $0x3  }
0x94: {  	_ =	strace s2  }
0x95: {  	s2 =	sld [smem:$0x3FFD];
	_ =	sdelay $0x3  }
0x96: {  	_ =	strace s2  }
0x97: {  	_ =	strace $0x8FFFFFFF  }
0x98: {  	s18 =	sld [smem:$0x3FDB];
	_ =	sdelay $0x1  }
0x99: {  	s19 =	simm.s32 $_scs_section_size  }
0x9a: {  	s4 =	simm.s32 $_size__tile_overlayer_lowered;
	s5 =	simm.s32 $_tile_overlayer_lowered  }
0x9b: {  	s22 =	simm.s32 $0x1BFF;
	s21 =	sshll.u32 s5, $0x1;
	s2 =	sadd.s32 s19, s18  }
0x9c: {  	s6 =	simm.s32 $0x0;
	s20 =	sshll.u32 s4, $0x1;
	s4 =	sadd.s32 s21, s2  }
0x9d: {  	[timem:s6], [sflag:s22] =	dma.local [hbm:s4], s20  }
0x9e: {  	_ =	swait.ge [sflag:s22], s20  }
0x9f: {  	s3 =	ssub.s32 $0x0, s20;
	[sflag:s22] =	ssyncset.done $0x0  }
0xa0: {  	[sflag:s22] =	ssyncadd.s32 s3;
	_ =	sdelay $0x1  }
0xa1: {  	s23 =	simm.s32 $0x1B8B  }
0xa2: {  	_ =	swait.ge [sflag:s23], $0x1  }
0xa3: {  	[sflag:s23] =	ssyncset.done $0x0  }
0xa4: {  	s25 =	simm.s32 $0x1B8E;
	s24 =	sld [smem:$0x3FFE];
	[sflag:s23] =	ssyncadd.s32 $0xFFFFFFFF  }
0xa5: {  	s26 =	simm.s32 $execute0_lowered;
	[smem:$0x3FD2] =	sst s25  }
0xa6: {  	s4 =	sshll.u32 s26, $0x1;
	_ =	strace $0x80000046;
	[dreg:$0x1] =	wrdreg $0xFFFFFFFF  }
0xa7: {  	s28 =	simm.s32 $_size_execute0_lowered;
	s2 =	sadd.s32 s2, s4;
	[dreg:$0x0] =	wrdreg $0x0  }
0xa8: {  	s4 =	sshll.u32 s28, $0x1;
	[dreg:$0x2] =	wrdreg s2  }
0xa9: {  	[dreg:$0x3] =	wrdreg s4  }
0xaa: {  	[dreg:$0x4] =	wrdreg $0xC0  }
0xab: {  	_ =	task [dreg:s6], $0x5FFFF  }
0xac: {  	[dreg:$0x1] =	wrdreg $0xFFFFFFFF  }
0xad: {  	[dreg:$0x0] =	wrdreg $0x60  }
0xae: {  	[dreg:$0x2] =	wrdreg s24  }
0xaf: {  	[dreg:$0x3] =	wrdreg $0x28800  }
0xb0: {  	[dreg:$0x4] =	wrdreg $0x9  }
0xb1: {  	_ =	task.clear_ibuf [dreg:s6], $0x5FFFF;
	_ =	strace $0x90000046  }
0xb2: {  	s29 =	simm.s32 $0x9;
	_ =	strace $0x80000048  }
0xb3: {  	_ =	swait.ge [sflag:s29], $0x1  }
0xb4: {  	[sflag:s29] =	ssyncadd.s32 $0xFFFFFFFF  }
0xb5: {  	_ =	strace $0x90000048  }
0xb6: {  	_ =	sfence  }
0xb7: {  	s30 =	sld [smem:$0x0];
	_ =	sdelay $0x2  }
0xb8: {  	s31 =	sshll.u32 s1, $0xD;
	s1 =	sshrl.u32 s1, $0x2  }
0xb9: {  	s3 =	sand.u32 $0x4000, s31;
	s1 =	sadd.s32 s1, s30  }
0xba: {  	s0 =	sor.u32 s3, s0;
	s1 =	sshll.u32 s1, $0x11  }
0xbb: {  	s0 =	sor.u32 s1, s0  }
0xbc: {  	s0 =	sadd.s32 $0x8F2B, s0  }
0xbd: {  	[sflag:s0] =	ssyncadd.remote.s32 $0x1  }
0xbe: {  	_ =	sfence.sel $0xFFFF  }
0xbf: {  	[dreg:$0x0] =	wrdreg $0xFFFFFFFF;
	(pc) =	sbr.abs _section_cstart, $3  }
0xc0: {  	[dreg:$0x1] =	wrdreg $0xFFFFFFFF  }
0xc1: {  	_ =	task.clear_ibuf [dreg:s6], $0x2FFFF;
	_ =	strace $0x9FFFFFFF  }
0xc2: {  	(tm) =	ssettm $0x7FFFFFFF  }
0xc3: {  	_ =	shalt  }
tec
execute0_lowered:
.L_overlay_start_1:
0x0: {  	(tag) =	ssettag $0x1  }
0x1: {  	s1 =	srdreg.scid;
	s5 =	rddreg [dreg:$0x0]  }
0x2: {  	s0 =	stileid.u32;
	s2 =	rddreg [dreg:$0x1]  }
0x3: {  	s3 =	simm.s32 $0x0;
	s12 =	simm.s32 $0x2800;
	s13 =	simm.s32 $0x1  }
0x4: {  	s14 =	simm.s32 $0x2;
	s15 =	simm.s32 $0x20;
	s16 =	simm.s32 $0x10  }
0x5: {  	s17 =	simm.s32 $0x0;
	s4 =	sand.u32 $0x1, s1;
	s7 =	smul.u32 $0x280, s0  }
0x6: {  	s28 =	sshll.u32 s0, $0x1;
	[smem:$0x7FF] =	sst s3;
	s8 =	smul.u32 $0x500, s0  }
0x7: {  	s31 =	sshll.u32 s0, $0x6;
	s1 =	sor.u32 s4, s28;
	s9 =	sshll.u32 s4, $0x7  }
0x8: {  	s4 =	ssub.s32 $0x2, s4;
	s6 =	smul.u32 $0x500, s1;
	s1 =	rddreg [dreg:$0x2]  }
0x9: {  	_ =	strace $0x80000047;
	s10 =	sshrl.u32 s7, $0x3;
	s8 =	sor.u32 s9, s8  }
0xa: {  	s30 =	sshrl.u32 s4, $0x1;
	s11 =	sadd.s32 s7, s2;
	s9 =	sor.u32 $0x1C03, s31  }
0xb: {  	s29 =	sadd.s32 s10, s5;
	s8 =	sshrl.u32 s8, $0x3;
	s10 =	ssub.s32 s4, s30  }
0xc: {  	s6 =	sadd.s32 s6, s5;
	s8 =	sadd.s32 s8, s5;
	s5 =	sadd.s32 $0xD200, s29  }
0xd: {  	s7 =	smax.u32 s10, $0x1;
	s10 =	sshrl.u32 s11, $0x3;
	s11 =	simm.s32 $0x80  }
0xe: {  	v0 =	vimm.f32 $1.000000000e+00;
	s4 =	sadd.s32 $0x3200, s6;
	s6 =	sadd.s32 $0xD800, s8;
	s8 =	simm.s32 $0x3  }
.LBB2_1:
0xf: {  	[tilespmem:s3], [sflag:$0x3] =	stream.linear.gather [hbm4b:s4+s3], $0x2800, $0x38;
	[tilespmem:$0x2B00] =	vst v63  }
0x10: {  	_ =	swait.ge [sflag:s8], $0x2800  }
0x11: {  	[sflag:s8] =	ssyncset.done $0x0  }
0x12: {  	[sflag:s8] =	ssyncadd.s32 $0xFFFFD800  }
0x13: {  	[tilespmem:$0x2800] =	vst v0  }
0x14: {  	[tilespmem:$0x2810] =	vst v0  }
0x15: {  	[tilespmem:$0x2820] =	vst v0  }
0x16: {  	[tilespmem:$0x2830] =	vst v0  }
0x17: {  	[tilespmem:$0x2840] =	vst v0  }
0x18: {  	[tilespmem:$0x2850] =	vst v0  }
0x19: {  	[tilespmem:$0x2860] =	vst v0  }
0x1a: {  	[tilespmem:$0x2870] =	vst v0  }
0x1b: {  	[spmem:s10], [sflag:s9] =	dma.local [hbm:s5], $0x50  }
0x1c: {  	_ =	swait.ge [sflag:s8], $0x50  }
0x1d: {  	[sflag:s8] =	ssyncset.done $0x0  }
0x1e: {  	[sflag:s8] =	ssyncadd.s32 $0xFFFFFFB0  }
0x1f: {  	s18 =	simm.s32 $0x0;
	[bflag:$0x0] =	sbarrier.arrive $0xFFFF  }
0x20: {  	[spmem:s2] =	stream.indirect.scatter.add.f32 [tilespmem:s12], [sflag:$0x1], $0x1, s18, s11, $0xb8;
	[tilespmem:$0x2B00] =	vst v63  }
0x21: {  	s31 =	simm.s32 $0x80  }
0x22: {  	[spmem:s2] =	stream.indirect.scatter.add.f32 [tilespmem:s12], [sflag:$0x2], $0x1, s31, s11, $0xb8;
	[tilespmem:$0x2B00] =	vst v63  }
0x23: {  	_ =	swait.ge [sflag:s13], $0x80  }
0x24: {  	[sflag:s13] =	ssyncset.done $0x0  }
0x25: {  	[sflag:s13] =	ssyncadd.s32 $0xFFFFFF80  }
0x26: {  	_ =	swait.ge [sflag:s14], $0x80  }
0x27: {  	s19 =	simm.s32 $0x800;
	s18 =	simm.s32 $0x400;
	[sflag:s14] =	ssyncset.done $0x0  }
.LBB2_2:
0x28: {  	s20 =	sshra.s32 s18, $0x2  }
0x29: {  	[sflag:s14] =	ssyncadd.s32 $0xFFFFFF80;
	s18 =	smov.u32 s19;
	s21 =	sadd.s32 $0x400, s19  }
0x2a: {  	[spmem:s2] =	stream.indirect.scatter.add.f32 [tilespmem:s12], [sflag:$0x1], $0x1, s20, s11, $0xb8;
	[tilespmem:$0x2B00] =	vst v63  }
0x2b: {  	p0 =	sne.s32 s19, $0x9C00;
	s19 =	sadd.s32 $0x80, s20  }
0x2c: {  	[spmem:s2] =	stream.indirect.scatter.add.f32 [tilespmem:s12], [sflag:$0x2], $0x1, s19, s11, $0xb8;
	[tilespmem:$0x2B00] =	vst v63  }
.Ltmp0:
0x2d: {  	_ =	swait.ge [sflag:s13], $0x80;
	(pc) =	sbr.rel @p0 .LBB2_2-.Ltmp0, $4  }
0x2e: {  	[sflag:s13] =	ssyncset.done $0x0  }
0x2f: {  	[sflag:s13] =	ssyncadd.s32 $0xFFFFFF80  }
0x30: {  	_ =	swait.ge [sflag:s14], $0x80  }
0x31: {  	s19 =	smov.u32 s21;
	[sflag:s14] =	ssyncset.done $0x0  }
0x32: {  	s18 =	sshra.s32 s18, $0x2;
	[sflag:s14] =	ssyncadd.s32 $0xFFFFFF80  }
0x33: {  	[spmem:s2] =	stream.indirect.scatter.add.f32 [tilespmem:s12], [sflag:$0x1], $0x1, s18, s11, $0xb8;
	[tilespmem:$0x2B00] =	vst v63  }
0x34: {  	s18 =	sadd.s32 $0x80, s18  }
0x35: {  	[spmem:s2] =	stream.indirect.scatter.add.f32 [tilespmem:s12], [sflag:$0x2], $0x1, s18, s11, $0xb8;
	[tilespmem:$0x2B00] =	vst v63  }
0x36: {  	_ =	swait.ge [sflag:s13], $0x80  }
0x37: {  	[sflag:s13] =	ssyncset.done $0x0  }
0x38: {  	[sflag:s13] =	ssyncadd.s32 $0xFFFFFF80  }
0x39: {  	_ =	swait.ge [sflag:s14], $0x80  }
0x3a: {  	s17 =	sadd.s32 $0x1, s17;
	[sflag:s14] =	ssyncset.done $0x0  }
0x3b: {  	p0 =	sne.s32 s17, s7;
	[sflag:s14] =	ssyncadd.s32 $0xFFFFFF80  }
.Ltmp1:
0x3c: {  	[bflag:$0x0] =	sbarrier.arrive $0xFFFF;
	(pc) =	sbr.rel @p0 .LBB2_1-.Ltmp1, $4  }
0x3d: {  	[hbm:s6@s15], [sflag:s9] =	dma.strided [spmem:s10@s16], $0x50, s13, $0x10   }
0x3e: {  	_ =	swait.ge [sflag:s8], $0x50  }
0x3f: {  	[sflag:s8] =	ssyncset.done $0x0  }
0x40: {  	[sflag:s8] =	ssyncadd.s32 $0xFFFFFFB0  }
0x41: {  	_ =	sfence.sel $0x180000  }
0x42: {  	[bflag:$0x0] =	sbarrier.arrive $0xFFFF  }
0x43: {  	p0 =	sne.s32 s0, $0x0;
	_ =	strace $0x90000047  }
0x44: {  	s0 =	sadd.s32 @!p0 $0x100000, s1;
	[bflag:$0x2] =	sbarrier.arrive $0xFFFF  }
0x45: {  	[sflag:s0] =	ssyncadd.tile.s32 @!p0 $0x1;
	_ =	shalt  }
.Lfunc_end2:
_tile_overlayer_lowered:
.L_overlay_start_2:
0x46: {  	(tag) =	ssettag $0x2  }
0x47: {  	s0 =	rddreg [dreg:$0x0];
	s2 =	stileid.u32  }
0x48: {  	s1 =	rddreg [dreg:$0x1];
	p0 =	sne.s32 s2, $0x0  }
0x49: {  	s3 =	rddreg [dreg:$0x2];
	[bflag:$0x3] =	sbarrier.arrive $0xFFFF;
	s2 =	simm.s32 @!p0 $0x1C03  }
0x4a: {  	[timem:s3], [sflag:s2] =	dma.local @!p0 [hbm:s0], s1  }
0x4b: {  	s0 =	simm.s32 @!p0 $0x3  }
0x4c: {  	_ =	swait.ge @!p0 [sflag:s0], s1  }
0x4d: {  	s1 =	ssub.s32 @!p0 $0x0, s1;
	[sflag:s0] =	ssyncset.done @!p0 $0x0  }
0x4e: {  	[sflag:s0] =	ssyncadd.s32 @!p0 s1  }
0x4f: {  	[bflag:$0x3] =	sbarrier.arrive $0xFFFF  }
0x50: {  	_ =	shalt  }

</sc_bundles>
